<compile_context>
chip_gen: v7x
topology: tpu7x:2x2x1
jax: 0.10.2.dev20260603
libtpu: 0.0.44.dev20260713+nightly
codegen_flags: <defaults>
</compile_context>

<pallas_src>
import functools

import jax
import jax.numpy as jnp
from jax import lax
from jax.experimental import pallas as pl
from jax.experimental.pallas import tpu as pltpu
from jax.experimental.pallas import tpu_sc as plsc

N = 10000
E = 320000
F = 128
HID = 128
NCLS = 40

NC = 2
NS = 16
NW = NC * NS
NPAD = 10112
RPT = NPAD // NS
BLK = 128
BPAD = 2560
WBLKS = BPAD // NW
JUNK = NPAD - 1

ROWBLK = 2000
NEG = -1e9

_MESH = plsc.VectorSubcoreMesh(core_axis_name="c", subcore_axis_name="s",
                               num_cores=NC, num_subcores=NS)

NBLKS = E // BLK
BASE_BLKS = NBLKS // NW
EXTRA = NBLKS - BASE_BLKS * NW


def _worker_blocks(cid, sid):
    wid = cid * NS + sid
    nblk = BASE_BLKS + jnp.where(wid < EXTRA, 1, 0)
    start = wid * BASE_BLKS + jnp.minimum(wid, EXTRA)
    return start, nblk


DEGW = 16


@functools.partial(
    pl.kernel,
    out_type=jax.ShapeDtypeStruct((NC, NPAD, DEGW), jnp.float32),
    mesh=_MESH,
    scratch_types=[
        pltpu.VMEM((BLK, DEGW), jnp.float32),
        pltpu.VMEM((BLK,), jnp.int32),
        pltpu.SemaphoreType.DMA,
        pltpu.VMEM_SHARED((NPAD, DEGW), jnp.float32),
    ],
)
def _deg_call(dst_hbm, out_hbm, buf, idx, dsem, accd):
    cid = lax.axis_index("c")
    sid = lax.axis_index("s")
    bbase, nblk = _worker_blocks(cid, sid)
    row0 = sid * RPT

    def fill(val):
        v16 = jnp.full((DEGW,), val, jnp.float32)

        def body(i, carry):
            buf[i, :] = v16
            return carry
        lax.fori_loop(0, BLK, body, 0)

    fill(0.0)
    for k in range(RPT // BLK):
        pltpu.sync_copy(buf, accd.at[pl.ds(row0 + k * BLK, BLK)])
    if RPT % BLK:
        pltpu.sync_copy(buf.at[pl.ds(0, RPT % BLK)],
                        accd.at[pl.ds(row0 + (RPT // BLK) * BLK, RPT % BLK)])
    plsc.subcore_barrier()
    fill(1.0)

    def fire(b, carry):
        pltpu.sync_copy(dst_hbm.at[bbase + b], idx)
        pltpu.sync_copy(buf, accd.at[idx], add=True)
        return carry
    lax.fori_loop(0, nblk, fire, 0)

    plsc.subcore_barrier()
    pltpu.sync_copy(accd.at[pl.ds(row0, RPT)],
                    out_hbm.at[cid, pl.ds(row0, RPT)])


RING = 3
ABLKS = NBLKS // NW
LEFT0 = ABLKS * NW


@functools.partial(
    pl.kernel,
    out_type=jax.ShapeDtypeStruct((NC, NPAD, HID), jnp.float32),
    mesh=_MESH,
    scratch_types=[
        [pltpu.VMEM((BLK,), jnp.int32) for _ in range(RING)],
        [pltpu.VMEM((BLK,), jnp.int32) for _ in range(RING)],
        [pltpu.VMEM((BLK, HID), jnp.float32) for _ in range(RING)],
        [pltpu.SemaphoreType.DMA for _ in range(RING)],
        [pltpu.SemaphoreType.DMA for _ in range(RING)],
        pltpu.VMEM_SHARED((NPAD, HID), jnp.float32),
    ],
)
def _agg_call(hs_hbm, src_hbm, dst_hbm, out_hbm, sidx, didx, rows, gsem,
              ssem, acc):
    cid = lax.axis_index("c")
    sid = lax.axis_index("s")
    wid = cid * NS + sid
    blk0 = wid * ABLKS

    zero16 = jnp.zeros((16,), jnp.float32)

    def zero_rows(i, carry):
        for j in range(HID // 16):
            rows[0][i, pl.ds(j * 16, 16)] = zero16
        return carry
    lax.fori_loop(0, BLK, zero_rows, 0)
    row0 = sid * RPT
    for k in range(RPT // BLK):
        pltpu.sync_copy(rows[0], acc.at[pl.ds(row0 + k * BLK, BLK)])
    if RPT % BLK:
        pltpu.sync_copy(rows[0].at[pl.ds(0, RPT % BLK)],
                        acc.at[pl.ds(row0 + (RPT // BLK) * BLK, RPT % BLK)])
    plsc.subcore_barrier()

    def stage_idx(b, s):
        pltpu.sync_copy(src_hbm.at[b], sidx[s])
        pltpu.sync_copy(dst_hbm.at[b], didx[s])

    def start_gather(s):
        pltpu.async_copy(hs_hbm.at[sidx[s]], rows[s], gsem[s])

    def wait_gather(s):
        pltpu.make_async_copy(hs_hbm.at[sidx[s]], rows[s], gsem[s]).wait()

    def start_scatter(s):
        pltpu.async_copy(rows[s], acc.at[didx[s]], ssem[s], add=True)

    def wait_scatter(s):
        pltpu.make_async_copy(rows[s], acc.at[didx[s]], ssem[s]).wait()

    stage_idx(blk0, 0)
    start_gather(0)
    stage_idx(blk0 + 1, 1)
    start_gather(1)

    def body(i, carry):
        for u in range(RING):
            b = RING * i + u
            ns = (u + 2) % RING

            @pl.when(jnp.logical_and(b + 2 < ABLKS, b >= 1))
            def _drain():
                wait_scatter(ns)

            @pl.when(b + 2 < ABLKS)
            def _launch():
                stage_idx(blk0 + b + 2, ns)
                start_gather(ns)

            wait_gather(u)
            start_scatter(u)
        return carry
    lax.fori_loop(0, ABLKS // RING, body, 0)

    for s in range(RING):
        wait_scatter(s)

    @pl.when(wid < NBLKS - LEFT0)
    def _leftover():
        stage_idx(LEFT0 + wid, 0)
        start_gather(0)
        wait_gather(0)
        start_scatter(0)
        wait_scatter(0)

    plsc.subcore_barrier()
    pltpu.sync_copy(acc.at[pl.ds(row0, RPT)], out_hbm.at[cid, pl.ds(row0, RPT)])


def _tc1_body(x_ref, w_ref, degp_ref, hs_ref, dinv_ref):
    deg = degp_ref[0, :, 0:1] + degp_ref[1, :, 0:1] + 1.0
    dinv = lax.rsqrt(deg)
    h = jnp.dot(x_ref[...], w_ref[...], preferred_element_type=jnp.float32)
    hs_ref[...] = h * dinv
    dinv_ref[...] = dinv


def _tc2_body(s_ref, hs_ref, dinv_ref, b_ref, w_ref, out_ref):
    dinv = dinv_ref[...]
    agg = s_ref[0] + s_ref[1] + hs_ref[...]
    x1 = jnp.maximum(dinv * agg + b_ref[...], 0.0)
    h2 = jnp.dot(x1, w_ref[...], preferred_element_type=jnp.float32)
    out_ref[...] = h2 * dinv


def _tc3_body(s_ref, hs_ref, dinv_ref, b_ref, w_ref, bfc_ref, out_ref):
    dinv = dinv_ref[...]
    agg = s_ref[0] + s_ref[1] + hs_ref[...]
    x2 = jnp.maximum(dinv * agg + b_ref[...], 0.0)
    logits = jnp.dot(x2, w_ref[...], preferred_element_type=jnp.float32)
    logits = logits + bfc_ref[...]
    m = jnp.max(logits, axis=1, keepdims=True)
    lse = jnp.log(jnp.sum(jnp.exp(logits - m), axis=1, keepdims=True)) + m
    out_ref[...] = logits - lse


_GRID = N // ROWBLK

_spec_rows = pl.BlockSpec((ROWBLK, HID), lambda i: (i, 0))
_spec_w = pl.BlockSpec((HID, HID), lambda i: (0, 0))
_spec_dinv = pl.BlockSpec((ROWBLK, 1), lambda i: (i, 0))
_spec_bias = pl.BlockSpec((1, HID), lambda i: (0, 0))
_spec_spart = pl.BlockSpec((NC, ROWBLK, HID), lambda i: (0, i, 0))
_spec_degp = pl.BlockSpec((NC, ROWBLK, DEGW), lambda i: (0, i, 0))

_tc1 = pl.pallas_call(
    _tc1_body,
    grid=(_GRID,),
    in_specs=[_spec_rows, _spec_w, _spec_degp],
    out_specs=[_spec_rows, _spec_dinv],
    out_shape=[
        jax.ShapeDtypeStruct((N, HID), jnp.float32),
        jax.ShapeDtypeStruct((N, 1), jnp.float32),
    ],
)

_tc2 = pl.pallas_call(
    _tc2_body,
    grid=(_GRID,),
    in_specs=[_spec_spart, _spec_rows, _spec_dinv, _spec_bias, _spec_w],
    out_specs=_spec_rows,
    out_shape=jax.ShapeDtypeStruct((N, HID), jnp.float32),
)

_tc3 = pl.pallas_call(
    _tc3_body,
    grid=(_GRID,),
    in_specs=[_spec_spart, _spec_rows, _spec_dinv, _spec_bias, _spec_w,
              _spec_bias],
    out_specs=_spec_rows,
    out_shape=jax.ShapeDtypeStruct((N, HID), jnp.float32),
)


def kernel(x, edge_index, W1, b1, W2, b2, Wfc, bfc):
    src2d = edge_index[0].reshape(NBLKS, BLK)
    dst2d = edge_index[1].reshape(NBLKS, BLK)
    degp = _deg_call(dst2d)

    hs1, dinv = _tc1(x, W1, degp)
    s1 = _agg_call(hs1, src2d, dst2d)
    hs2 = _tc2(s1, hs1, dinv, b1[None, :], W2)
    s2 = _agg_call(hs2, src2d, dst2d)

    wfc_pad = jnp.zeros((HID, HID), jnp.float32).at[:, :NCLS].set(Wfc)
    bfc_pad = jnp.full((1, HID), NEG, jnp.float32).at[0, :NCLS].set(bfc)
    out = _tc3(s2, hs2, dinv, b2[None, :], wfc_pad, bfc_pad)
    return out[:, :NCLS]

# --- scband reference (transcript-rebuilt; emitter-appended) ---
"""Pipeline reference for scband-gcn-encoder-26268019982946 (READ-ONLY COPY).

The authoritative reference and input builder live on the scoring server;
editing this copy changes nothing except your own understanding.
"""

import jax, jax.numpy as jnp
import numpy as np

N = 10000
E = 320000
NFEAT = 128
NHID = 128
NCLASS = 40


def setup_inputs(seed: int = 0) -> dict:
    key = jax.random.key(seed)
    ks = jax.random.split(key, 8)
    x = jax.random.normal(ks[0], (N, NFEAT), dtype=jnp.float32)
    edge_index = jax.random.randint(ks[1], (2, E), 0, N, dtype=jnp.int32)
    W1 = jax.random.normal(ks[2], (NFEAT, NHID), dtype=jnp.float32) * (1.0 / np.sqrt(NFEAT))
    b1 = jnp.zeros((NHID,), dtype=jnp.float32)
    W2 = jax.random.normal(ks[3], (NHID, NHID), dtype=jnp.float32) * (1.0 / np.sqrt(NHID))
    b2 = jnp.zeros((NHID,), dtype=jnp.float32)
    Wfc = jax.random.normal(ks[4], (NHID, NCLASS), dtype=jnp.float32) * (1.0 / np.sqrt(NHID))
    bfc = jnp.zeros((NCLASS,), dtype=jnp.float32)
    return {"x": x, "edge_index": edge_index, "W1": W1, "b1": b1, "W2": W2, "b2": b2, "Wfc": Wfc, "bfc": bfc}


def gcn_conv(x, edge_index, W, b):
    # Faithful GCNConv: linear transform, add self-loops, symmetric D^-1/2 A D^-1/2 normalization,
    # scatter-add aggregation (source_to_target flow), then bias.
    n = x.shape[0]
    src = edge_index[0]
    dst = edge_index[1]
    loop = jnp.arange(n, dtype=edge_index.dtype)
    src = jnp.concatenate([src, loop])
    dst = jnp.concatenate([dst, loop])
    ew = jnp.ones(src.shape[0], dtype=x.dtype)
    deg = jnp.zeros((n,), dtype=x.dtype).at[dst].add(ew)
    dinv = jnp.where(deg > 0, jax.lax.rsqrt(deg), 0.0)
    norm = dinv[src] * ew * dinv[dst]
    h = x @ W
    msg = norm[:, None] * jnp.take(h, src, axis=0)
    out = jnp.zeros((n, h.shape[1]), dtype=x.dtype).at[dst].add(msg)
    return out + b


def reference(x, edge_index, W1, b1, W2, b2, Wfc, bfc):
    # GCN_body (layer_norm_first=False, use_ln=False, eval-mode dropout = identity)
    h = jax.nn.relu(gcn_conv(x, edge_index, W1, b1))
    h = jax.nn.relu(gcn_conv(h, edge_index, W2, b2))
    logits = h @ Wfc + bfc
    return jax.nn.log_softmax(logits, axis=1)

if __name__ == "__main__":
    import jax
    _d = setup_inputs()
    print(jax.jit(kernel)(*tuple(_d.values())))

</pallas_src>

<mosaic_0001>
#map = affine_map<(d0, d1) -> (0, 0)>
#map1 = affine_map<(d0, d1) -> (0, 0, 0)>
module attributes {stable_mosaic.version = 14 : i64} {
  func.func @_agg_call(%arg0: i32, %arg1: i32, %arg2: memref<10000x128xf32, #tpu.memory_space<hbm>>, %arg3: memref<2500x128xi32, #tpu.memory_space<hbm>>, %arg4: memref<2500x128xi32, #tpu.memory_space<hbm>>, %arg5: memref<2x10112x128xf32, #tpu.memory_space<hbm>>, %arg6: memref<128xi32, #tpu.memory_space<vmem>>, %arg7: memref<128xi32, #tpu.memory_space<vmem>>, %arg8: memref<128xi32, #tpu.memory_space<vmem>>, %arg9: memref<128xi32, #tpu.memory_space<vmem>>, %arg10: memref<128xi32, #tpu.memory_space<vmem>>, %arg11: memref<128xi32, #tpu.memory_space<vmem>>, %arg12: memref<128x128xf32, #tpu.memory_space<vmem>>, %arg13: memref<128x128xf32, #tpu.memory_space<vmem>>, %arg14: memref<128x128xf32, #tpu.memory_space<vmem>>, %arg15: memref<!tpu.dma_semaphore, #tpu.memory_space<semaphore_mem>>, %arg16: memref<!tpu.dma_semaphore, #tpu.memory_space<semaphore_mem>>, %arg17: memref<!tpu.dma_semaphore, #tpu.memory_space<semaphore_mem>>, %arg18: memref<!tpu.dma_semaphore, #tpu.memory_space<semaphore_mem>>, %arg19: memref<!tpu.dma_semaphore, #tpu.memory_space<semaphore_mem>>, %arg20: memref<!tpu.dma_semaphore, #tpu.memory_space<semaphore_mem>>, %arg21: memref<10112x128xf32, #tpu.memory_space<vmem_shared>>) attributes {dimension_semantics = [#tpu.dimension_semantics<core_parallel>, #tpu.dimension_semantics<subcore_parallel>], iteration_bounds = array<i64: 2, 16>, scalar_prefetch = 0 : i64, scratch_operands = 16 : i64, tpu.core_type = #tpu.core_type<sc_vector_subcore>, window_params = [{transform_indices = #map}, {transform_indices = #map}, {transform_indices = #map}, {transform_indices = #map1}]} {
    %mul3A = arith.constant 16 : i32
    %mul3A_0 = arith.muli %arg0, %mul3A : i32
    %add3A = arith.addi %mul3A_0, %arg1 : i32
    %mul3A_1 = arith.constant 78 : i32
    %mul3A_2 = arith.muli %add3A, %mul3A_1 : i32
    %broadcast_in_dim3A = arith.constant 0.000000e+00 : f32
    %broadcast_in_dim3A_3 = vector.broadcast %broadcast_in_dim3A : f32 to vector<16xf32>
    %scan3A = arith.constant 0 : i32
    %scan3A_4 = arith.constant 0 : i32
    %scan3A_5 = arith.constant 128 : i32
    %scan3A_6 = arith.addi %scan3A_4, %scan3A_5 : i32
    %scan3A_7 = arith.constant 1 : i32
    scf.for %scan3A_45 = %scan3A_4 to %scan3A_6 step %scan3A_7  : i32 {
      %swap3A = arith.index_cast %scan3A_45 : i32 to index
      %swap3A_46 = arith.constant 0 : index
      %swap3A_47 = tpu.vector_load %arg12[%swap3A, %swap3A_46] {strides = array<i32>} : memref<128x128xf32, #tpu.memory_space<vmem>>, vector<1x16xf32>,
      %swap3A_48 = vector.shape_cast %swap3A_47 : vector<1x16xf32> to vector<16xf32>
      %swap3A_49 = vector.shape_cast %broadcast_in_dim3A_3 : vector<16xf32> to vector<1x16xf32>
      tpu.vector_store %arg12[%swap3A, %swap3A_46], %swap3A_49 {strides = array<i32>} : memref<128x128xf32, #tpu.memory_space<vmem>>, vector<1x16xf32>,
      %swap3A_50 = arith.index_cast %scan3A_45 : i32 to index
      %swap3A_51 = arith.constant 16 : index
      %swap3A_52 = tpu.vector_load %arg12[%swap3A_50, %swap3A_51] {strides = array<i32>} : memref<128x128xf32, #tpu.memory_space<vmem>>, vector<1x16xf32>,
      %swap3A_53 = vector.shape_cast %swap3A_52 : vector<1x16xf32> to vector<16xf32>
      %swap3A_54 = vector.shape_cast %broadcast_in_dim3A_3 : vector<16xf32> to vector<1x16xf32>
      tpu.vector_store %arg12[%swap3A_50, %swap3A_51], %swap3A_54 {strides = array<i32>} : memref<128x128xf32, #tpu.memory_space<vmem>>, vector<1x16xf32>,
      %swap3A_55 = arith.index_cast %scan3A_45 : i32 to index
      %swap3A_56 = arith.constant 32 : index
      %swap3A_57 = tpu.vector_load %arg12[%swap3A_55, %swap3A_56] {strides = array<i32>} : memref<128x128xf32, #tpu.memory_space<vmem>>, vector<1x16xf32>,
      %swap3A_58 = vector.shape_cast %swap3A_57 : vector<1x16xf32> to vector<16xf32>
      %swap3A_59 = vector.shape_cast %broadcast_in_dim3A_3 : vector<16xf32> to vector<1x16xf32>
      tpu.vector_store %arg12[%swap3A_55, %swap3A_56], %swap3A_59 {strides = array<i32>} : memref<128x128xf32, #tpu.memory_space<vmem>>, vector<1x16xf32>,
      %swap3A_60 = arith.index_cast %scan3A_45 : i32 to index
      %swap3A_61 = arith.constant 48 : index
      %swap3A_62 = tpu.vector_load %arg12[%swap3A_60, %swap3A_61] {strides = array<i32>} : memref<128x128xf32, #tpu.memory_space<vmem>>, vector<1x16xf32>,
      %swap3A_63 = vector.shape_cast %swap3A_62 : vector<1x16xf32> to vector<16xf32>
      %swap3A_64 = vector.shape_cast %broadcast_in_dim3A_3 : vector<16xf32> to vector<1x16xf32>
      tpu.vector_store %arg12[%swap3A_60, %swap3A_61], %swap3A_64 {strides = array<i32>} : memref<128x128xf32, #tpu.memory_space<vmem>>, vector<1x16xf32>,
      %swap3A_65 = arith.index_cast %scan3A_45 : i32 to index
      %swap3A_66 = arith.constant 64 : index
      %swap3A_67 = tpu.vector_load %arg12[%swap3A_65, %swap3A_66] {strides = array<i32>} : memref<128x128xf32, #tpu.memory_space<vmem>>, vector<1x16xf32>,
      %swap3A_68 = vector.shape_cast %swap3A_67 : vector<1x16xf32> to vector<16xf32>
      %swap3A_69 = vector.shape_cast %broadcast_in_dim3A_3 : vector<16xf32> to vector<1x16xf32>
      tpu.vector_store %arg12[%swap3A_65, %swap3A_66], %swap3A_69 {strides = array<i32>} : memref<128x128xf32, #tpu.memory_space<vmem>>, vector<1x16xf32>,
      %swap3A_70 = arith.index_cast %scan3A_45 : i32 to index
      %swap3A_71 = arith.constant 80 : index
      %swap3A_72 = tpu.vector_load %arg12[%swap3A_70, %swap3A_71] {strides = array<i32>} : memref<128x128xf32, #tpu.memory_space<vmem>>, vector<1x16xf32>,
      %swap3A_73 = vector.shape_cast %swap3A_72 : vector<1x16xf32> to vector<16xf32>
      %swap3A_74 = vector.shape_cast %broadcast_in_dim3A_3 : vector<16xf32> to vector<1x16xf32>
      tpu.vector_store %arg12[%swap3A_70, %swap3A_71], %swap3A_74 {strides = array<i32>} : memref<128x128xf32, #tpu.memory_space<vmem>>, vector<1x16xf32>,
      %swap3A_75 = arith.index_cast %scan3A_45 : i32 to index
      %swap3A_76 = arith.constant 96 : index
      %swap3A_77 = tpu.vector_load %arg12[%swap3A_75, %swap3A_76] {strides = array<i32>} : memref<128x128xf32, #tpu.memory_space<vmem>>, vector<1x16xf32>,
      %swap3A_78 = vector.shape_cast %swap3A_77 : vector<1x16xf32> to vector<16xf32>
      %swap3A_79 = vector.shape_cast %broadcast_in_dim3A_3 : vector<16xf32> to vector<1x16xf32>
      tpu.vector_store %arg12[%swap3A_75, %swap3A_76], %swap3A_79 {strides = array<i32>} : memref<128x128xf32, #tpu.memory_space<vmem>>, vector<1x16xf32>,
      %swap3A_80 = arith.index_cast %scan3A_45 : i32 to index
      %swap3A_81 = arith.constant 112 : index
      %swap3A_82 = tpu.vector_load %arg12[%swap3A_80, %swap3A_81] {strides = array<i32>} : memref<128x128xf32, #tpu.memory_space<vmem>>, vector<1x16xf32>,
      %swap3A_83 = vector.shape_cast %swap3A_82 : vector<1x16xf32> to vector<16xf32>
      %swap3A_84 = vector.shape_cast %broadcast_in_dim3A_3 : vector<16xf32> to vector<1x16xf32>
      tpu.vector_store %arg12[%swap3A_80, %swap3A_81], %swap3A_84 {strides = array<i32>} : memref<128x128xf32, #tpu.memory_space<vmem>>, vector<1x16xf32>,
    }
    %scan3A_8 = arith.constant 128 : i32
    %mul3A_9 = arith.constant 632 : i32
    %mul3A_10 = arith.muli %arg1, %mul3A_9 : i32
    %add3A_11 = arith.constant 0 : i32
    %add3A_12 = arith.addi %mul3A_10, %add3A_11 : i32
    "tpu.region"() ({
      %run_scoped3A = tpu.sem_alloc : memref<!tpu.dma_semaphore, #tpu.memory_space<semaphore_mem>>
      %dma_start3A_45 = arith.constant 0 : i32
      %dma_start3A_46 = tpu.memref_slice %arg21[%add3A_12, %dma_start3A_45] : memref<10112x128xf32, #tpu.memory_space<vmem_shared>> -> memref<128x128xf32, #tpu.memory_space<vmem_shared>>
      %dma_start3A_47 = arith.constant 0 : i32
      %dma_start3A_48 = tpu.memref_slice %arg21[%add3A_12, %dma_start3A_47] : memref<10112x128xf32, #tpu.memory_space<vmem_shared>> -> memref<128x128xf32, #tpu.memory_space<vmem_shared>>
      tpu.enqueue_dma source(%arg12 : memref<128x128xf32, #tpu.memory_space<vmem>>) target(%dma_start3A_48 : memref<128x128xf32, #tpu.memory_space<vmem_shared>>) target_semaphore(%run_scoped3A : memref<!tpu.dma_semaphore, #tpu.memory_space<semaphore_mem>>)
      %dma_wait3A_49 = arith.constant 0 : i32
      %dma_wait3A_50 = tpu.memref_slice %arg21[%add3A_12, %dma_wait3A_49] : memref<10112x128xf32, #tpu.memory_space<vmem_shared>> -> memref<128x128xf32, #tpu.memory_space<vmem_shared>>
      %dma_wait3A_51 = arith.constant 0 : i32
      %dma_wait3A_52 = tpu.memref_slice %arg21[%add3A_12, %dma_wait3A_51] : memref<10112x128xf32, #tpu.memory_space<vmem_shared>> -> memref<128x128xf32, #tpu.memory_space<vmem_shared>>
      tpu.wait_dma2 semaphore(%run_scoped3A : memref<!tpu.dma_semaphore, #tpu.memory_space<semaphore_mem>>) src(%arg12 : memref<128x128xf32, #tpu.memory_space<vmem>>) dst(%dma_wait3A_52 : memref<128x128xf32, #tpu.memory_space<vmem_shared>>)
      tpu.yield
    }) : () -> ()
    %add3A_13 = arith.constant 128 : i32
    %add3A_14 = arith.addi %mul3A_10, %add3A_13 : i32
    "tpu.region"() ({
      %run_scoped3A = tpu.sem_alloc : memref<!tpu.dma_semaphore, #tpu.memory_space<semaphore_mem>>
      %dma_start3A_45 = arith.constant 0 : i32
      %dma_start3A_46 = tpu.memref_slice %arg21[%add3A_14, %dma_start3A_45] : memref<10112x128xf32, #tpu.memory_space<vmem_shared>> -> memref<128x128xf32, #tpu.memory_space<vmem_shared>>
      %dma_start3A_47 = arith.constant 0 : i32
      %dma_start3A_48 = tpu.memref_slice %arg21[%add3A_14, %dma_start3A_47] : memref<10112x128xf32, #tpu.memory_space<vmem_shared>> -> memref<128x128xf32, #tpu.memory_space<vmem_shared>>
      tpu.enqueue_dma source(%arg12 : memref<128x128xf32, #tpu.memory_space<vmem>>) target(%dma_start3A_48 : memref<128x128xf32, #tpu.memory_space<vmem_shared>>) target_semaphore(%run_scoped3A : memref<!tpu.dma_semaphore, #tpu.memory_space<semaphore_mem>>)
      %dma_wait3A_49 = arith.constant 0 : i32
      %dma_wait3A_50 = tpu.memref_slice %arg21[%add3A_14, %dma_wait3A_49] : memref<10112x128xf32, #tpu.memory_space<vmem_shared>> -> memref<128x128xf32, #tpu.memory_space<vmem_shared>>
      %dma_wait3A_51 = arith.constant 0 : i32
      %dma_wait3A_52 = tpu.memref_slice %arg21[%add3A_14, %dma_wait3A_51] : memref<10112x128xf32, #tpu.memory_space<vmem_shared>> -> memref<128x128xf32, #tpu.memory_space<vmem_shared>>
      tpu.wait_dma2 semaphore(%run_scoped3A : memref<!tpu.dma_semaphore, #tpu.memory_space<semaphore_mem>>) src(%arg12 : memref<128x128xf32, #tpu.memory_space<vmem>>) dst(%dma_wait3A_52 : memref<128x128xf32, #tpu.memory_space<vmem_shared>>)
      tpu.yield
    }) : () -> ()
    %add3A_15 = arith.constant 256 : i32
    %add3A_16 = arith.addi %mul3A_10, %add3A_15 : i32
    "tpu.region"() ({
      %run_scoped3A = tpu.sem_alloc : memref<!tpu.dma_semaphore, #tpu.memory_space<semaphore_mem>>
      %dma_start3A_45 = arith.constant 0 : i32
      %dma_start3A_46 = tpu.memref_slice %arg21[%add3A_16, %dma_start3A_45] : memref<10112x128xf32, #tpu.memory_space<vmem_shared>> -> memref<128x128xf32, #tpu.memory_space<vmem_shared>>
      %dma_start3A_47 = arith.constant 0 : i32
      %dma_start3A_48 = tpu.memref_slice %arg21[%add3A_16, %dma_start3A_47] : memref<10112x128xf32, #tpu.memory_space<vmem_shared>> -> memref<128x128xf32, #tpu.memory_space<vmem_shared>>
      tpu.enqueue_dma source(%arg12 : memref<128x128xf32, #tpu.memory_space<vmem>>) target(%dma_start3A_48 : memref<128x128xf32, #tpu.memory_space<vmem_shared>>) target_semaphore(%run_scoped3A : memref<!tpu.dma_semaphore, #tpu.memory_space<semaphore_mem>>)
      %dma_wait3A_49 = arith.constant 0 : i32
      %dma_wait3A_50 = tpu.memref_slice %arg21[%add3A_16, %dma_wait3A_49] : memref<10112x128xf32, #tpu.memory_space<vmem_shared>> -> memref<128x128xf32, #tpu.memory_space<vmem_shared>>
      %dma_wait3A_51 = arith.constant 0 : i32
      %dma_wait3A_52 = tpu.memref_slice %arg21[%add3A_16, %dma_wait3A_51] : memref<10112x128xf32, #tpu.memory_space<vmem_shared>> -> memref<128x128xf32, #tpu.memory_space<vmem_shared>>
      tpu.wait_dma2 semaphore(%run_scoped3A : memref<!tpu.dma_semaphore, #tpu.memory_space<semaphore_mem>>) src(%arg12 : memref<128x128xf32, #tpu.memory_space<vmem>>) dst(%dma_wait3A_52 : memref<128x128xf32, #tpu.memory_space<vmem_shared>>)
      tpu.yield
    }) : () -> ()
    %add3A_17 = arith.constant 384 : i32
    %add3A_18 = arith.addi %mul3A_10, %add3A_17 : i32
    "tpu.region"() ({
      %run_scoped3A = tpu.sem_alloc : memref<!tpu.dma_semaphore, #tpu.memory_space<semaphore_mem>>
      %dma_start3A_45 = arith.constant 0 : i32
      %dma_start3A_46 = tpu.memref_slice %arg21[%add3A_18, %dma_start3A_45] : memref<10112x128xf32, #tpu.memory_space<vmem_shared>> -> memref<128x128xf32, #tpu.memory_space<vmem_shared>>
      %dma_start3A_47 = arith.constant 0 : i32
      %dma_start3A_48 = tpu.memref_slice %arg21[%add3A_18, %dma_start3A_47] : memref<10112x128xf32, #tpu.memory_space<vmem_shared>> -> memref<128x128xf32, #tpu.memory_space<vmem_shared>>
      tpu.enqueue_dma source(%arg12 : memref<128x128xf32, #tpu.memory_space<vmem>>) target(%dma_start3A_48 : memref<128x128xf32, #tpu.memory_space<vmem_shared>>) target_semaphore(%run_scoped3A : memref<!tpu.dma_semaphore, #tpu.memory_space<semaphore_mem>>)
      %dma_wait3A_49 = arith.constant 0 : i32
      %dma_wait3A_50 = tpu.memref_slice %arg21[%add3A_18, %dma_wait3A_49] : memref<10112x128xf32, #tpu.memory_space<vmem_shared>> -> memref<128x128xf32, #tpu.memory_space<vmem_shared>>
      %dma_wait3A_51 = arith.constant 0 : i32
      %dma_wait3A_52 = tpu.memref_slice %arg21[%add3A_18, %dma_wait3A_51] : memref<10112x128xf32, #tpu.memory_space<vmem_shared>> -> memref<128x128xf32, #tpu.memory_space<vmem_shared>>
      tpu.wait_dma2 semaphore(%run_scoped3A : memref<!tpu.dma_semaphore, #tpu.memory_space<semaphore_mem>>) src(%arg12 : memref<128x128xf32, #tpu.memory_space<vmem>>) dst(%dma_wait3A_52 : memref<128x128xf32, #tpu.memory_space<vmem_shared>>)
      tpu.yield
    }) : () -> ()
    %add3A_19 = arith.constant 512 : i32
    %add3A_20 = arith.addi %mul3A_10, %add3A_19 : i32
    "tpu.region"() ({
      %run_scoped3A = tpu.sem_alloc : memref<!tpu.dma_semaphore, #tpu.memory_space<semaphore_mem>>
      %dma_start3A_45 = arith.constant 0 : i32
      %dma_start3A_46 = arith.constant 0 : i32
      %dma_start3A_47 = tpu.memref_slice %arg12[%dma_start3A_45, %dma_start3A_46] : memref<128x128xf32, #tpu.memory_space<vmem>> -> memref<120x128xf32, #tpu.memory_space<vmem>>
      %dma_start3A_48 = arith.constant 0 : i32
      %dma_start3A_49 = tpu.memref_slice %arg21[%add3A_20, %dma_start3A_48] : memref<10112x128xf32, #tpu.memory_space<vmem_shared>> -> memref<120x128xf32, #tpu.memory_space<vmem_shared>>
      %dma_start3A_50 = arith.constant 0 : i32
      %dma_start3A_51 = tpu.memref_slice %arg21[%add3A_20, %dma_start3A_50] : memref<10112x128xf32, #tpu.memory_space<vmem_shared>> -> memref<120x128xf32, #tpu.memory_space<vmem_shared>>
      %dma_start3A_52 = arith.constant 0 : i32
      %dma_start3A_53 = arith.constant 0 : i32
      %dma_start3A_54 = tpu.memref_slice %arg12[%dma_start3A_52, %dma_start3A_53] : memref<128x128xf32, #tpu.memory_space<vmem>> -> memref<120x128xf32, #tpu.memory_space<vmem>>
      tpu.enqueue_dma source(%dma_start3A_54 : memref<120x128xf32, #tpu.memory_space<vmem>>) target(%dma_start3A_51 : memref<120x128xf32, #tpu.memory_space<vmem_shared>>) target_semaphore(%run_scoped3A : memref<!tpu.dma_semaphore, #tpu.memory_space<semaphore_mem>>)
      %dma_wait3A_55 = arith.constant 0 : i32
      %dma_wait3A_56 = arith.constant 0 : i32
      %dma_wait3A_57 = tpu.memref_slice %arg12[%dma_wait3A_55, %dma_wait3A_56] : memref<128x128xf32, #tpu.memory_space<vmem>> -> memref<120x128xf32, #tpu.memory_space<vmem>>
      %dma_wait3A_58 = arith.constant 0 : i32
      %dma_wait3A_59 = tpu.memref_slice %arg21[%add3A_20, %dma_wait3A_58] : memref<10112x128xf32, #tpu.memory_space<vmem_shared>> -> memref<120x128xf32, #tpu.memory_space<vmem_shared>>
      %dma_wait3A_60 = arith.constant 0 : i32
      %dma_wait3A_61 = tpu.memref_slice %arg21[%add3A_20, %dma_wait3A_60] : memref<10112x128xf32, #tpu.memory_space<vmem_shared>> -> memref<120x128xf32, #tpu.memory_space<vmem_shared>>
      %dma_wait3A_62 = arith.constant 0 : i32
      %dma_wait3A_63 = arith.constant 0 : i32
      %dma_wait3A_64 = tpu.memref_slice %arg12[%dma_wait3A_62, %dma_wait3A_63] : memref<128x128xf32, #tpu.memory_space<vmem>> -> memref<120x128xf32, #tpu.memory_space<vmem>>
      tpu.wait_dma2 semaphore(%run_scoped3A : memref<!tpu.dma_semaphore, #tpu.memory_space<semaphore_mem>>) src(%dma_wait3A_64 : memref<120x128xf32, #tpu.memory_space<vmem>>) dst(%dma_wait3A_61 : memref<120x128xf32, #tpu.memory_space<vmem_shared>>)
      tpu.yield
    }) : () -> ()
    %barrier3A = arith.constant 0 : index
    tpu.barrier barrier_id(%barrier3A)
    "tpu.region"() ({
      %run_scoped3A = tpu.sem_alloc : memref<!tpu.dma_semaphore, #tpu.memory_space<semaphore_mem>>
      %dma_start3A_45 = arith.constant 0 : i32
      %dma_start3A_46 = tpu.memref_slice %arg3[%mul3A_2, %dma_start3A_45] : memref<2500x128xi32, #tpu.memory_space<hbm>> -> memref<1x128xi32, #tpu.memory_space<hbm>>
      %dma_start3A_47 = tpu.memref_squeeze %dma_start3A_46 : memref<1x128xi32, #tpu.memory_space<hbm>> -> memref<128xi32, #tpu.memory_space<hbm>>
      %dma_start3A_48 = arith.constant 0 : i32
      %dma_start3A_49 = tpu.memref_slice %arg3[%mul3A_2, %dma_start3A_48] : memref<2500x128xi32, #tpu.memory_space<hbm>> -> memref<1x128xi32, #tpu.memory_space<hbm>>
      %dma_start3A_50 = tpu.memref_squeeze %dma_start3A_49 : memref<1x128xi32, #tpu.memory_space<hbm>> -> memref<128xi32, #tpu.memory_space<hbm>>
      tpu.enqueue_dma source(%dma_start3A_50 : memref<128xi32, #tpu.memory_space<hbm>>) target(%arg6 : memref<128xi32, #tpu.memory_space<vmem>>) target_semaphore(%run_scoped3A : memref<!tpu.dma_semaphore, #tpu.memory_space<semaphore_mem>>)
      %dma_wait3A_51 = arith.constant 0 : i32
      %dma_wait3A_52 = tpu.memref_slice %arg3[%mul3A_2, %dma_wait3A_51] : memref<2500x128xi32, #tpu.memory_space<hbm>> -> memref<1x128xi32, #tpu.memory_space<hbm>>
      %dma_wait3A_53 = tpu.memref_squeeze %dma_wait3A_52 : memref<1x128xi32, #tpu.memory_space<hbm>> -> memref<128xi32, #tpu.memory_space<hbm>>
      %dma_wait3A_54 = arith.constant 0 : i32
      %dma_wait3A_55 = tpu.memref_slice %arg3[%mul3A_2, %dma_wait3A_54] : memref<2500x128xi32, #tpu.memory_space<hbm>> -> memref<1x128xi32, #tpu.memory_space<hbm>>
      %dma_wait3A_56 = tpu.memref_squeeze %dma_wait3A_55 : memref<1x128xi32, #tpu.memory_space<hbm>> -> memref<128xi32, #tpu.memory_space<hbm>>
      tpu.wait_dma2 semaphore(%run_scoped3A : memref<!tpu.dma_semaphore, #tpu.memory_space<semaphore_mem>>) src(%dma_wait3A_56 : memref<128xi32, #tpu.memory_space<hbm>>) dst(%arg6 : memref<128xi32, #tpu.memory_space<vmem>>)
      tpu.yield
    }) : () -> ()
    "tpu.region"() ({
      %run_scoped3A = tpu.sem_alloc : memref<!tpu.dma_semaphore, #tpu.memory_space<semaphore_mem>>
      %dma_start3A_45 = arith.constant 0 : i32
      %dma_start3A_46 = tpu.memref_slice %arg4[%mul3A_2, %dma_start3A_45] : memref<2500x128xi32, #tpu.memory_space<hbm>> -> memref<1x128xi32, #tpu.memory_space<hbm>>
      %dma_start3A_47 = tpu.memref_squeeze %dma_start3A_46 : memref<1x128xi32, #tpu.memory_space<hbm>> -> memref<128xi32, #tpu.memory_space<hbm>>
      %dma_start3A_48 = arith.constant 0 : i32
      %dma_start3A_49 = tpu.memref_slice %arg4[%mul3A_2, %dma_start3A_48] : memref<2500x128xi32, #tpu.memory_space<hbm>> -> memref<1x128xi32, #tpu.memory_space<hbm>>
      %dma_start3A_50 = tpu.memref_squeeze %dma_start3A_49 : memref<1x128xi32, #tpu.memory_space<hbm>> -> memref<128xi32, #tpu.memory_space<hbm>>
      tpu.enqueue_dma source(%dma_start3A_50 : memref<128xi32, #tpu.memory_space<hbm>>) target(%arg9 : memref<128xi32, #tpu.memory_space<vmem>>) target_semaphore(%run_scoped3A : memref<!tpu.dma_semaphore, #tpu.memory_space<semaphore_mem>>)
      %dma_wait3A_51 = arith.constant 0 : i32
      %dma_wait3A_52 = tpu.memref_slice %arg4[%mul3A_2, %dma_wait3A_51] : memref<2500x128xi32, #tpu.memory_space<hbm>> -> memref<1x128xi32, #tpu.memory_space<hbm>>
      %dma_wait3A_53 = tpu.memref_squeeze %dma_wait3A_52 : memref<1x128xi32, #tpu.memory_space<hbm>> -> memref<128xi32, #tpu.memory_space<hbm>>
      %dma_wait3A_54 = arith.constant 0 : i32
      %dma_wait3A_55 = tpu.memref_slice %arg4[%mul3A_2, %dma_wait3A_54] : memref<2500x128xi32, #tpu.memory_space<hbm>> -> memref<1x128xi32, #tpu.memory_space<hbm>>
      %dma_wait3A_56 = tpu.memref_squeeze %dma_wait3A_55 : memref<1x128xi32, #tpu.memory_space<hbm>> -> memref<128xi32, #tpu.memory_space<hbm>>
      tpu.wait_dma2 semaphore(%run_scoped3A : memref<!tpu.dma_semaphore, #tpu.memory_space<semaphore_mem>>) src(%dma_wait3A_56 : memref<128xi32, #tpu.memory_space<hbm>>) dst(%arg9 : memref<128xi32, #tpu.memory_space<vmem>>)
      tpu.yield
    }) : () -> ()
    %dma_start3A = arith.constant 0 : i32
    %dma_start3A_21 = arith.constant 0 : i32
    %dma_start3A_22 = tpu.memref_slice %arg2[%dma_start3A, %dma_start3A_21] : memref<10000x128xf32, #tpu.memory_space<hbm>> -> memref<10000x128xf32, #tpu.memory_space<hbm>>
    tpu.enqueue_indirect_dma source(%dma_start3A_22 : memref<10000x128xf32, #tpu.memory_space<hbm>>) target(%arg12 : memref<128x128xf32, #tpu.memory_space<vmem>>) offsets(%arg6 : memref<128xi32, #tpu.memory_space<vmem>>) semaphore(%arg15 : memref<!tpu.dma_semaphore, #tpu.memory_space<semaphore_mem>>)
    %add3A_23 = arith.constant 1 : i32
    %add3A_24 = arith.addi %mul3A_2, %add3A_23 : i32
    "tpu.region"() ({
      %run_scoped3A = tpu.sem_alloc : memref<!tpu.dma_semaphore, #tpu.memory_space<semaphore_mem>>
      %dma_start3A_45 = arith.constant 0 : i32
      %dma_start3A_46 = tpu.memref_slice %arg3[%add3A_24, %dma_start3A_45] : memref<2500x128xi32, #tpu.memory_space<hbm>> -> memref<1x128xi32, #tpu.memory_space<hbm>>
      %dma_start3A_47 = tpu.memref_squeeze %dma_start3A_46 : memref<1x128xi32, #tpu.memory_space<hbm>> -> memref<128xi32, #tpu.memory_space<hbm>>
      %dma_start3A_48 = arith.constant 0 : i32
      %dma_start3A_49 = tpu.memref_slice %arg3[%add3A_24, %dma_start3A_48] : memref<2500x128xi32, #tpu.memory_space<hbm>> -> memref<1x128xi32, #tpu.memory_space<hbm>>
      %dma_start3A_50 = tpu.memref_squeeze %dma_start3A_49 : memref<1x128xi32, #tpu.memory_space<hbm>> -> memref<128xi32, #tpu.memory_space<hbm>>
      tpu.enqueue_dma source(%dma_start3A_50 : memref<128xi32, #tpu.memory_space<hbm>>) target(%arg7 : memref<128xi32, #tpu.memory_space<vmem>>) target_semaphore(%run_scoped3A : memref<!tpu.dma_semaphore, #tpu.memory_space<semaphore_mem>>)
      %dma_wait3A_51 = arith.constant 0 : i32
      %dma_wait3A_52 = tpu.memref_slice %arg3[%add3A_24, %dma_wait3A_51] : memref<2500x128xi32, #tpu.memory_space<hbm>> -> memref<1x128xi32, #tpu.memory_space<hbm>>
      %dma_wait3A_53 = tpu.memref_squeeze %dma_wait3A_52 : memref<1x128xi32, #tpu.memory_space<hbm>> -> memref<128xi32, #tpu.memory_space<hbm>>
      %dma_wait3A_54 = arith.constant 0 : i32
      %dma_wait3A_55 = tpu.memref_slice %arg3[%add3A_24, %dma_wait3A_54] : memref<2500x128xi32, #tpu.memory_space<hbm>> -> memref<1x128xi32, #tpu.memory_space<hbm>>
      %dma_wait3A_56 = tpu.memref_squeeze %dma_wait3A_55 : memref<1x128xi32, #tpu.memory_space<hbm>> -> memref<128xi32, #tpu.memory_space<hbm>>
      tpu.wait_dma2 semaphore(%run_scoped3A : memref<!tpu.dma_semaphore, #tpu.memory_space<semaphore_mem>>) src(%dma_wait3A_56 : memref<128xi32, #tpu.memory_space<hbm>>) dst(%arg7 : memref<128xi32, #tpu.memory_space<vmem>>)
      tpu.yield
    }) : () -> ()
    "tpu.region"() ({
      %run_scoped3A = tpu.sem_alloc : memref<!tpu.dma_semaphore, #tpu.memory_space<semaphore_mem>>
      %dma_start3A_45 = arith.constant 0 : i32
      %dma_start3A_46 = tpu.memref_slice %arg4[%add3A_24, %dma_start3A_45] : memref<2500x128xi32, #tpu.memory_space<hbm>> -> memref<1x128xi32, #tpu.memory_space<hbm>>
      %dma_start3A_47 = tpu.memref_squeeze %dma_start3A_46 : memref<1x128xi32, #tpu.memory_space<hbm>> -> memref<128xi32, #tpu.memory_space<hbm>>
      %dma_start3A_48 = arith.constant 0 : i32
      %dma_start3A_49 = tpu.memref_slice %arg4[%add3A_24, %dma_start3A_48] : memref<2500x128xi32, #tpu.memory_space<hbm>> -> memref<1x128xi32, #tpu.memory_space<hbm>>
      %dma_start3A_50 = tpu.memref_squeeze %dma_start3A_49 : memref<1x128xi32, #tpu.memory_space<hbm>> -> memref<128xi32, #tpu.memory_space<hbm>>
      tpu.enqueue_dma source(%dma_start3A_50 : memref<128xi32, #tpu.memory_space<hbm>>) target(%arg10 : memref<128xi32, #tpu.memory_space<vmem>>) target_semaphore(%run_scoped3A : memref<!tpu.dma_semaphore, #tpu.memory_space<semaphore_mem>>)
      %dma_wait3A_51 = arith.constant 0 : i32
      %dma_wait3A_52 = tpu.memref_slice %arg4[%add3A_24, %dma_wait3A_51] : memref<2500x128xi32, #tpu.memory_space<hbm>> -> memref<1x128xi32, #tpu.memory_space<hbm>>
      %dma_wait3A_53 = tpu.memref_squeeze %dma_wait3A_52 : memref<1x128xi32, #tpu.memory_space<hbm>> -> memref<128xi32, #tpu.memory_space<hbm>>
      %dma_wait3A_54 = arith.constant 0 : i32
      %dma_wait3A_55 = tpu.memref_slice %arg4[%add3A_24, %dma_wait3A_54] : memref<2500x128xi32, #tpu.memory_space<hbm>> -> memref<1x128xi32, #tpu.memory_space<hbm>>
      %dma_wait3A_56 = tpu.memref_squeeze %dma_wait3A_55 : memref<1x128xi32, #tpu.memory_space<hbm>> -> memref<128xi32, #tpu.memory_space<hbm>>
      tpu.wait_dma2 semaphore(%run_scoped3A : memref<!tpu.dma_semaphore, #tpu.memory_space<semaphore_mem>>) src(%dma_wait3A_56 : memref<128xi32, #tpu.memory_space<hbm>>) dst(%arg10 : memref<128xi32, #tpu.memory_space<vmem>>)
      tpu.yield
    }) : () -> ()
    %dma_start3A_25 = arith.constant 0 : i32
    %dma_start3A_26 = arith.constant 0 : i32
    %dma_start3A_27 = tpu.memref_slice %arg2[%dma_start3A_25, %dma_start3A_26] : memref<10000x128xf32, #tpu.memory_space<hbm>> -> memref<10000x128xf32, #tpu.memory_space<hbm>>
    tpu.enqueue_indirect_dma source(%dma_start3A_27 : memref<10000x128xf32, #tpu.memory_space<hbm>>) target(%arg13 : memref<128x128xf32, #tpu.memory_space<vmem>>) offsets(%arg7 : memref<128xi32, #tpu.memory_space<vmem>>) semaphore(%arg16 : memref<!tpu.dma_semaphore, #tpu.memory_space<semaphore_mem>>)
    %scan3A_28 = arith.constant 0 : i32
    %scan3A_29 = arith.constant 0 : i32
    %scan3A_30 = arith.constant 26 : i32
    %scan3A_31 = arith.addi %scan3A_29, %scan3A_30 : i32
    %scan3A_32 = arith.constant 1 : i32
    scf.for %scan3A_45 = %scan3A_29 to %scan3A_31 step %scan3A_32  : i32 {
      %mul3A_46 = arith.constant 3 : i32
      %mul3A_47 = arith.muli %mul3A_46, %scan3A_45 : i32
      %add3A_48 = arith.constant 0 : i32
      %add3A_49 = arith.addi %mul3A_47, %add3A_48 : i32
      %add3A_50 = arith.constant 2 : i32
      %add3A_51 = arith.addi %add3A_49, %add3A_50 : i32
      %lt3A_52 = arith.constant 78 : i32
      %lt3A_53 = arith.cmpi slt, %add3A_51, %lt3A_52 : i32
      %ge3A = arith.constant 1 : i32
      %ge3A_54 = arith.cmpi sge, %add3A_49, %ge3A : i32
      %and3A = arith.andi %lt3A_53, %ge3A_54 : i1
      %convert_element_type3A_55 = arith.extui %and3A : i1 to i32
      %cond3A_56 = arith.constant 0 : i32
      %cond3A_57 = arith.cmpi ne, %convert_element_type3A_55, %cond3A_56 : i32
      scf.if %cond3A_57 {
        %dma_wait3A_125 = arith.constant 0 : i32
        %dma_wait3A_126 = arith.constant 0 : i32
        %dma_wait3A_127 = tpu.memref_slice %arg21[%dma_wait3A_125, %dma_wait3A_126] : memref<10112x128xf32, #tpu.memory_space<vmem_shared>> -> memref<10112x128xf32, #tpu.memory_space<vmem_shared>>
        tpu.wait_indirect_dma semaphore(%arg20 : memref<!tpu.dma_semaphore, #tpu.memory_space<semaphore_mem>>) src(%arg14 : memref<128x128xf32, #tpu.memory_space<vmem>>) dst(%dma_wait3A_127 : memref<10112x128xf32, #tpu.memory_space<vmem_shared>>)
      } else {
      }
      %add3A_58 = arith.constant 2 : i32
      %add3A_59 = arith.addi %add3A_49, %add3A_58 : i32
      %lt3A_60 = arith.constant 78 : i32
      %lt3A_61 = arith.cmpi slt, %add3A_59, %lt3A_60 : i32
      %convert_element_type3A_62 = arith.extui %lt3A_61 : i1 to i32
      %cond3A_63 = arith.constant 0 : i32
      %cond3A_64 = arith.cmpi ne, %convert_element_type3A_62, %cond3A_63 : i32
      scf.if %cond3A_64 {
        %add3A_125 = arith.addi %mul3A_2, %add3A_49 : i32
        %add3A_126 = arith.constant 2 : i32
        %add3A_127 = arith.addi %add3A_125, %add3A_126 : i32
        "tpu.region"() ({
          %run_scoped3A = tpu.sem_alloc : memref<!tpu.dma_semaphore, #tpu.memory_space<semaphore_mem>>
          %dma_start3A_131 = arith.constant 0 : i32
          %dma_start3A_132 = tpu.memref_slice %arg3[%add3A_127, %dma_start3A_131] : memref<2500x128xi32, #tpu.memory_space<hbm>> -> memref<1x128xi32, #tpu.memory_space<hbm>>
          %dma_start3A_133 = tpu.memref_squeeze %dma_start3A_132 : memref<1x128xi32, #tpu.memory_space<hbm>> -> memref<128xi32, #tpu.memory_space<hbm>>
          %dma_start3A_134 = arith.constant 0 : i32
          %dma_start3A_135 = tpu.memref_slice %arg3[%add3A_127, %dma_start3A_134] : memref<2500x128xi32, #tpu.memory_space<hbm>> -> memref<1x128xi32, #tpu.memory_space<hbm>>
          %dma_start3A_136 = tpu.memref_squeeze %dma_start3A_135 : memref<1x128xi32, #tpu.memory_space<hbm>> -> memref<128xi32, #tpu.memory_space<hbm>>
          tpu.enqueue_dma source(%dma_start3A_136 : memref<128xi32, #tpu.memory_space<hbm>>) target(%arg8 : memref<128xi32, #tpu.memory_space<vmem>>) target_semaphore(%run_scoped3A : memref<!tpu.dma_semaphore, #tpu.memory_space<semaphore_mem>>)
          %dma_wait3A_137 = arith.constant 0 : i32
          %dma_wait3A_138 = tpu.memref_slice %arg3[%add3A_127, %dma_wait3A_137] : memref<2500x128xi32, #tpu.memory_space<hbm>> -> memref<1x128xi32, #tpu.memory_space<hbm>>
          %dma_wait3A_139 = tpu.memref_squeeze %dma_wait3A_138 : memref<1x128xi32, #tpu.memory_space<hbm>> -> memref<128xi32, #tpu.memory_space<hbm>>
          %dma_wait3A_140 = arith.constant 0 : i32
          %dma_wait3A_141 = tpu.memref_slice %arg3[%add3A_127, %dma_wait3A_140] : memref<2500x128xi32, #tpu.memory_space<hbm>> -> memref<1x128xi32, #tpu.memory_space<hbm>>
          %dma_wait3A_142 = tpu.memref_squeeze %dma_wait3A_141 : memref<1x128xi32, #tpu.memory_space<hbm>> -> memref<128xi32, #tpu.memory_space<hbm>>
          tpu.wait_dma2 semaphore(%run_scoped3A : memref<!tpu.dma_semaphore, #tpu.memory_space<semaphore_mem>>) src(%dma_wait3A_142 : memref<128xi32, #tpu.memory_space<hbm>>) dst(%arg8 : memref<128xi32, #tpu.memory_space<vmem>>)
          tpu.yield
        }) : () -> ()
        "tpu.region"() ({
          %run_scoped3A = tpu.sem_alloc : memref<!tpu.dma_semaphore, #tpu.memory_space<semaphore_mem>>
          %dma_start3A_131 = arith.constant 0 : i32
          %dma_start3A_132 = tpu.memref_slice %arg4[%add3A_127, %dma_start3A_131] : memref<2500x128xi32, #tpu.memory_space<hbm>> -> memref<1x128xi32, #tpu.memory_space<hbm>>
          %dma_start3A_133 = tpu.memref_squeeze %dma_start3A_132 : memref<1x128xi32, #tpu.memory_space<hbm>> -> memref<128xi32, #tpu.memory_space<hbm>>
          %dma_start3A_134 = arith.constant 0 : i32
          %dma_start3A_135 = tpu.memref_slice %arg4[%add3A_127, %dma_start3A_134] : memref<2500x128xi32, #tpu.memory_space<hbm>> -> memref<1x128xi32, #tpu.memory_space<hbm>>
          %dma_start3A_136 = tpu.memref_squeeze %dma_start3A_135 : memref<1x128xi32, #tpu.memory_space<hbm>> -> memref<128xi32, #tpu.memory_space<hbm>>
          tpu.enqueue_dma source(%dma_start3A_136 : memref<128xi32, #tpu.memory_space<hbm>>) target(%arg11 : memref<128xi32, #tpu.memory_space<vmem>>) target_semaphore(%run_scoped3A : memref<!tpu.dma_semaphore, #tpu.memory_space<semaphore_mem>>)
          %dma_wait3A_137 = arith.constant 0 : i32
          %dma_wait3A_138 = tpu.memref_slice %arg4[%add3A_127, %dma_wait3A_137] : memref<2500x128xi32, #tpu.memory_space<hbm>> -> memref<1x128xi32, #tpu.memory_space<hbm>>
          %dma_wait3A_139 = tpu.memref_squeeze %dma_wait3A_138 : memref<1x128xi32, #tpu.memory_space<hbm>> -> memref<128xi32, #tpu.memory_space<hbm>>
          %dma_wait3A_140 = arith.constant 0 : i32
          %dma_wait3A_141 = tpu.memref_slice %arg4[%add3A_127, %dma_wait3A_140] : memref<2500x128xi32, #tpu.memory_space<hbm>> -> memref<1x128xi32, #tpu.memory_space<hbm>>
          %dma_wait3A_142 = tpu.memref_squeeze %dma_wait3A_141 : memref<1x128xi32, #tpu.memory_space<hbm>> -> memref<128xi32, #tpu.memory_space<hbm>>
          tpu.wait_dma2 semaphore(%run_scoped3A : memref<!tpu.dma_semaphore, #tpu.memory_space<semaphore_mem>>) src(%dma_wait3A_142 : memref<128xi32, #tpu.memory_space<hbm>>) dst(%arg11 : memref<128xi32, #tpu.memory_space<vmem>>)
          tpu.yield
        }) : () -> ()
        %dma_start3A_128 = arith.constant 0 : i32
        %dma_start3A_129 = arith.constant 0 : i32
        %dma_start3A_130 = tpu.memref_slice %arg2[%dma_start3A_128, %dma_start3A_129] : memref<10000x128xf32, #tpu.memory_space<hbm>> -> memref<10000x128xf32, #tpu.memory_space<hbm>>
        tpu.enqueue_indirect_dma source(%dma_start3A_130 : memref<10000x128xf32, #tpu.memory_space<hbm>>) target(%arg14 : memref<128x128xf32, #tpu.memory_space<vmem>>) offsets(%arg8 : memref<128xi32, #tpu.memory_space<vmem>>) semaphore(%arg17 : memref<!tpu.dma_semaphore, #tpu.memory_space<semaphore_mem>>)
      } else {
      }
      %dma_wait3A_65 = arith.constant 0 : i32
      %dma_wait3A_66 = arith.constant 0 : i32
      %dma_wait3A_67 = tpu.memref_slice %arg2[%dma_wait3A_65, %dma_wait3A_66] : memref<10000x128xf32, #tpu.memory_space<hbm>> -> memref<10000x128xf32, #tpu.memory_space<hbm>>
      tpu.wait_indirect_dma semaphore(%arg15 : memref<!tpu.dma_semaphore, #tpu.memory_space<semaphore_mem>>) src(%dma_wait3A_67 : memref<10000x128xf32, #tpu.memory_space<hbm>>) dst(%arg12 : memref<128x128xf32, #tpu.memory_space<vmem>>)
      %dma_start3A_68 = arith.constant 0 : i32
      %dma_start3A_69 = arith.constant 0 : i32
      %dma_start3A_70 = tpu.memref_slice %arg21[%dma_start3A_68, %dma_start3A_69] : memref<10112x128xf32, #tpu.memory_space<vmem_shared>> -> memref<10112x128xf32, #tpu.memory_space<vmem_shared>>
      tpu.enqueue_indirect_dma source(%arg12 : memref<128x128xf32, #tpu.memory_space<vmem>>) target(%dma_start3A_70 : memref<10112x128xf32, #tpu.memory_space<vmem_shared>>) offsets(%arg9 : memref<128xi32, #tpu.memory_space<vmem>>) semaphore(%arg18 : memref<!tpu.dma_semaphore, #tpu.memory_space<semaphore_mem>>) {add = true}
      %mul3A_71 = arith.constant 3 : i32
      %mul3A_72 = arith.muli %mul3A_71, %scan3A_45 : i32
      %add3A_73 = arith.constant 1 : i32
      %add3A_74 = arith.addi %mul3A_72, %add3A_73 : i32
      %add3A_75 = arith.constant 2 : i32
      %add3A_76 = arith.addi %add3A_74, %add3A_75 : i32
      %lt3A_77 = arith.constant 78 : i32
      %lt3A_78 = arith.cmpi slt, %add3A_76, %lt3A_77 : i32
      %ge3A_79 = arith.constant 1 : i32
      %ge3A_80 = arith.cmpi sge, %add3A_74, %ge3A_79 : i32
      %and3A_81 = arith.andi %lt3A_78, %ge3A_80 : i1
      %convert_element_type3A_82 = arith.extui %and3A_81 : i1 to i32
      %cond3A_83 = arith.constant 0 : i32
      %cond3A_84 = arith.cmpi ne, %convert_element_type3A_82, %cond3A_83 : i32
      scf.if %cond3A_84 {
        %dma_wait3A_125 = arith.constant 0 : i32
        %dma_wait3A_126 = arith.constant 0 : i32
        %dma_wait3A_127 = tpu.memref_slice %arg21[%dma_wait3A_125, %dma_wait3A_126] : memref<10112x128xf32, #tpu.memory_space<vmem_shared>> -> memref<10112x128xf32, #tpu.memory_space<vmem_shared>>
        tpu.wait_indirect_dma semaphore(%arg18 : memref<!tpu.dma_semaphore, #tpu.memory_space<semaphore_mem>>) src(%arg12 : memref<128x128xf32, #tpu.memory_space<vmem>>) dst(%dma_wait3A_127 : memref<10112x128xf32, #tpu.memory_space<vmem_shared>>)
      } else {
      }
      %add3A_85 = arith.constant 2 : i32
      %add3A_86 = arith.addi %add3A_74, %add3A_85 : i32
      %lt3A_87 = arith.constant 78 : i32
      %lt3A_88 = arith.cmpi slt, %add3A_86, %lt3A_87 : i32
      %convert_element_type3A_89 = arith.extui %lt3A_88 : i1 to i32
      %cond3A_90 = arith.constant 0 : i32
      %cond3A_91 = arith.cmpi ne, %convert_element_type3A_89, %cond3A_90 : i32
      scf.if %cond3A_91 {
        %add3A_125 = arith.addi %mul3A_2, %add3A_74 : i32
        %add3A_126 = arith.constant 2 : i32
        %add3A_127 = arith.addi %add3A_125, %add3A_126 : i32
        "tpu.region"() ({
          %run_scoped3A = tpu.sem_alloc : memref<!tpu.dma_semaphore, #tpu.memory_space<semaphore_mem>>
          %dma_start3A_131 = arith.constant 0 : i32
          %dma_start3A_132 = tpu.memref_slice %arg3[%add3A_127, %dma_start3A_131] : memref<2500x128xi32, #tpu.memory_space<hbm>> -> memref<1x128xi32, #tpu.memory_space<hbm>>
          %dma_start3A_133 = tpu.memref_squeeze %dma_start3A_132 : memref<1x128xi32, #tpu.memory_space<hbm>> -> memref<128xi32, #tpu.memory_space<hbm>>
          %dma_start3A_134 = arith.constant 0 : i32
          %dma_start3A_135 = tpu.memref_slice %arg3[%add3A_127, %dma_start3A_134] : memref<2500x128xi32, #tpu.memory_space<hbm>> -> memref<1x128xi32, #tpu.memory_space<hbm>>
          %dma_start3A_136 = tpu.memref_squeeze %dma_start3A_135 : memref<1x128xi32, #tpu.memory_space<hbm>> -> memref<128xi32, #tpu.memory_space<hbm>>
          tpu.enqueue_dma source(%dma_start3A_136 : memref<128xi32, #tpu.memory_space<hbm>>) target(%arg6 : memref<128xi32, #tpu.memory_space<vmem>>) target_semaphore(%run_scoped3A : memref<!tpu.dma_semaphore, #tpu.memory_space<semaphore_mem>>)
          %dma_wait3A_137 = arith.constant 0 : i32
          %dma_wait3A_138 = tpu.memref_slice %arg3[%add3A_127, %dma_wait3A_137] : memref<2500x128xi32, #tpu.memory_space<hbm>> -> memref<1x128xi32, #tpu.memory_space<hbm>>
          %dma_wait3A_139 = tpu.memref_squeeze %dma_wait3A_138 : memref<1x128xi32, #tpu.memory_space<hbm>> -> memref<128xi32, #tpu.memory_space<hbm>>
          %dma_wait3A_140 = arith.constant 0 : i32
          %dma_wait3A_141 = tpu.memref_slice %arg3[%add3A_127, %dma_wait3A_140] : memref<2500x128xi32, #tpu.memory_space<hbm>> -> memref<1x128xi32, #tpu.memory_space<hbm>>
          %dma_wait3A_142 = tpu.memref_squeeze %dma_wait3A_141 : memref<1x128xi32, #tpu.memory_space<hbm>> -> memref<128xi32, #tpu.memory_space<hbm>>
          tpu.wait_dma2 semaphore(%run_scoped3A : memref<!tpu.dma_semaphore, #tpu.memory_space<semaphore_mem>>) src(%dma_wait3A_142 : memref<128xi32, #tpu.memory_space<hbm>>) dst(%arg6 : memref<128xi32, #tpu.memory_space<vmem>>)
          tpu.yield
        }) : () -> ()
        "tpu.region"() ({
          %run_scoped3A = tpu.sem_alloc : memref<!tpu.dma_semaphore, #tpu.memory_space<semaphore_mem>>
          %dma_start3A_131 = arith.constant 0 : i32
          %dma_start3A_132 = tpu.memref_slice %arg4[%add3A_127, %dma_start3A_131] : memref<2500x128xi32, #tpu.memory_space<hbm>> -> memref<1x128xi32, #tpu.memory_space<hbm>>
          %dma_start3A_133 = tpu.memref_squeeze %dma_start3A_132 : memref<1x128xi32, #tpu.memory_space<hbm>> -> memref<128xi32, #tpu.memory_space<hbm>>
          %dma_start3A_134 = arith.constant 0 : i32
          %dma_start3A_135 = tpu.memref_slice %arg4[%add3A_127, %dma_start3A_134] : memref<2500x128xi32, #tpu.memory_space<hbm>> -> memref<1x128xi32, #tpu.memory_space<hbm>>
          %dma_start3A_136 = tpu.memref_squeeze %dma_start3A_135 : memref<1x128xi32, #tpu.memory_space<hbm>> -> memref<128xi32, #tpu.memory_space<hbm>>
          tpu.enqueue_dma source(%dma_start3A_136 : memref<128xi32, #tpu.memory_space<hbm>>) target(%arg9 : memref<128xi32, #tpu.memory_space<vmem>>) target_semaphore(%run_scoped3A : memref<!tpu.dma_semaphore, #tpu.memory_space<semaphore_mem>>)
          %dma_wait3A_137 = arith.constant 0 : i32
          %dma_wait3A_138 = tpu.memref_slice %arg4[%add3A_127, %dma_wait3A_137] : memref<2500x128xi32, #tpu.memory_space<hbm>> -> memref<1x128xi32, #tpu.memory_space<hbm>>
          %dma_wait3A_139 = tpu.memref_squeeze %dma_wait3A_138 : memref<1x128xi32, #tpu.memory_space<hbm>> -> memref<128xi32, #tpu.memory_space<hbm>>
          %dma_wait3A_140 = arith.constant 0 : i32
          %dma_wait3A_141 = tpu.memref_slice %arg4[%add3A_127, %dma_wait3A_140] : memref<2500x128xi32, #tpu.memory_space<hbm>> -> memref<1x128xi32, #tpu.memory_space<hbm>>
          %dma_wait3A_142 = tpu.memref_squeeze %dma_wait3A_141 : memref<1x128xi32, #tpu.memory_space<hbm>> -> memref<128xi32, #tpu.memory_space<hbm>>
          tpu.wait_dma2 semaphore(%run_scoped3A : memref<!tpu.dma_semaphore, #tpu.memory_space<semaphore_mem>>) src(%dma_wait3A_142 : memref<128xi32, #tpu.memory_space<hbm>>) dst(%arg9 : memref<128xi32, #tpu.memory_space<vmem>>)
          tpu.yield
        }) : () -> ()
        %dma_start3A_128 = arith.constant 0 : i32
        %dma_start3A_129 = arith.constant 0 : i32
        %dma_start3A_130 = tpu.memref_slice %arg2[%dma_start3A_128, %dma_start3A_129] : memref<10000x128xf32, #tpu.memory_space<hbm>> -> memref<10000x128xf32, #tpu.memory_space<hbm>>
        tpu.enqueue_indirect_dma source(%dma_start3A_130 : memref<10000x128xf32, #tpu.memory_space<hbm>>) target(%arg12 : memref<128x128xf32, #tpu.memory_space<vmem>>) offsets(%arg6 : memref<128xi32, #tpu.memory_space<vmem>>) semaphore(%arg15 : memref<!tpu.dma_semaphore, #tpu.memory_space<semaphore_mem>>)
      } else {
      }
      %dma_wait3A_92 = arith.constant 0 : i32
      %dma_wait3A_93 = arith.constant 0 : i32
      %dma_wait3A_94 = tpu.memref_slice %arg2[%dma_wait3A_92, %dma_wait3A_93] : memref<10000x128xf32, #tpu.memory_space<hbm>> -> memref<10000x128xf32, #tpu.memory_space<hbm>>
      tpu.wait_indirect_dma semaphore(%arg16 : memref<!tpu.dma_semaphore, #tpu.memory_space<semaphore_mem>>) src(%dma_wait3A_94 : memref<10000x128xf32, #tpu.memory_space<hbm>>) dst(%arg13 : memref<128x128xf32, #tpu.memory_space<vmem>>)
      %dma_start3A_95 = arith.constant 0 : i32
      %dma_start3A_96 = arith.constant 0 : i32
      %dma_start3A_97 = tpu.memref_slice %arg21[%dma_start3A_95, %dma_start3A_96] : memref<10112x128xf32, #tpu.memory_space<vmem_shared>> -> memref<10112x128xf32, #tpu.memory_space<vmem_shared>>
      tpu.enqueue_indirect_dma source(%arg13 : memref<128x128xf32, #tpu.memory_space<vmem>>) target(%dma_start3A_97 : memref<10112x128xf32, #tpu.memory_space<vmem_shared>>) offsets(%arg10 : memref<128xi32, #tpu.memory_space<vmem>>) semaphore(%arg19 : memref<!tpu.dma_semaphore, #tpu.memory_space<semaphore_mem>>) {add = true}
      %mul3A_98 = arith.constant 3 : i32
      %mul3A_99 = arith.muli %mul3A_98, %scan3A_45 : i32
      %add3A_100 = arith.constant 2 : i32
      %add3A_101 = arith.addi %mul3A_99, %add3A_100 : i32
      %add3A_102 = arith.constant 2 : i32
      %add3A_103 = arith.addi %add3A_101, %add3A_102 : i32
      %lt3A_104 = arith.constant 78 : i32
      %lt3A_105 = arith.cmpi slt, %add3A_103, %lt3A_104 : i32
      %ge3A_106 = arith.constant 1 : i32
      %ge3A_107 = arith.cmpi sge, %add3A_101, %ge3A_106 : i32
      %and3A_108 = arith.andi %lt3A_105, %ge3A_107 : i1
      %convert_element_type3A_109 = arith.extui %and3A_108 : i1 to i32
      %cond3A_110 = arith.constant 0 : i32
      %cond3A_111 = arith.cmpi ne, %convert_element_type3A_109, %cond3A_110 : i32
      scf.if %cond3A_111 {
        %dma_wait3A_125 = arith.constant 0 : i32
        %dma_wait3A_126 = arith.constant 0 : i32
        %dma_wait3A_127 = tpu.memref_slice %arg21[%dma_wait3A_125, %dma_wait3A_126] : memref<10112x128xf32, #tpu.memory_space<vmem_shared>> -> memref<10112x128xf32, #tpu.memory_space<vmem_shared>>
        tpu.wait_indirect_dma semaphore(%arg19 : memref<!tpu.dma_semaphore, #tpu.memory_space<semaphore_mem>>) src(%arg13 : memref<128x128xf32, #tpu.memory_space<vmem>>) dst(%dma_wait3A_127 : memref<10112x128xf32, #tpu.memory_space<vmem_shared>>)
      } else {
      }
      %add3A_112 = arith.constant 2 : i32
      %add3A_113 = arith.addi %add3A_101, %add3A_112 : i32
      %lt3A_114 = arith.constant 78 : i32
      %lt3A_115 = arith.cmpi slt, %add3A_113, %lt3A_114 : i32
      %convert_element_type3A_116 = arith.extui %lt3A_115 : i1 to i32
      %cond3A_117 = arith.constant 0 : i32
      %cond3A_118 = arith.cmpi ne, %convert_element_type3A_116, %cond3A_117 : i32
      scf.if %cond3A_118 {
        %add3A_125 = arith.addi %mul3A_2, %add3A_101 : i32
        %add3A_126 = arith.constant 2 : i32
        %add3A_127 = arith.addi %add3A_125, %add3A_126 : i32
        "tpu.region"() ({
          %run_scoped3A = tpu.sem_alloc : memref<!tpu.dma_semaphore, #tpu.memory_space<semaphore_mem>>
          %dma_start3A_131 = arith.constant 0 : i32
          %dma_start3A_132 = tpu.memref_slice %arg3[%add3A_127, %dma_start3A_131] : memref<2500x128xi32, #tpu.memory_space<hbm>> -> memref<1x128xi32, #tpu.memory_space<hbm>>
          %dma_start3A_133 = tpu.memref_squeeze %dma_start3A_132 : memref<1x128xi32, #tpu.memory_space<hbm>> -> memref<128xi32, #tpu.memory_space<hbm>>
          %dma_start3A_134 = arith.constant 0 : i32
          %dma_start3A_135 = tpu.memref_slice %arg3[%add3A_127, %dma_start3A_134] : memref<2500x128xi32, #tpu.memory_space<hbm>> -> memref<1x128xi32, #tpu.memory_space<hbm>>
          %dma_start3A_136 = tpu.memref_squeeze %dma_start3A_135 : memref<1x128xi32, #tpu.memory_space<hbm>> -> memref<128xi32, #tpu.memory_space<hbm>>
          tpu.enqueue_dma source(%dma_start3A_136 : memref<128xi32, #tpu.memory_space<hbm>>) target(%arg7 : memref<128xi32, #tpu.memory_space<vmem>>) target_semaphore(%run_scoped3A : memref<!tpu.dma_semaphore, #tpu.memory_space<semaphore_mem>>)
          %dma_wait3A_137 = arith.constant 0 : i32
          %dma_wait3A_138 = tpu.memref_slice %arg3[%add3A_127, %dma_wait3A_137] : memref<2500x128xi32, #tpu.memory_space<hbm>> -> memref<1x128xi32, #tpu.memory_space<hbm>>
          %dma_wait3A_139 = tpu.memref_squeeze %dma_wait3A_138 : memref<1x128xi32, #tpu.memory_space<hbm>> -> memref<128xi32, #tpu.memory_space<hbm>>
          %dma_wait3A_140 = arith.constant 0 : i32
          %dma_wait3A_141 = tpu.memref_slice %arg3[%add3A_127, %dma_wait3A_140] : memref<2500x128xi32, #tpu.memory_space<hbm>> -> memref<1x128xi32, #tpu.memory_space<hbm>>
          %dma_wait3A_142 = tpu.memref_squeeze %dma_wait3A_141 : memref<1x128xi32, #tpu.memory_space<hbm>> -> memref<128xi32, #tpu.memory_space<hbm>>
          tpu.wait_dma2 semaphore(%run_scoped3A : memref<!tpu.dma_semaphore, #tpu.memory_space<semaphore_mem>>) src(%dma_wait3A_142 : memref<128xi32, #tpu.memory_space<hbm>>) dst(%arg7 : memref<128xi32, #tpu.memory_space<vmem>>)
          tpu.yield
        }) : () -> ()
        "tpu.region"() ({
          %run_scoped3A = tpu.sem_alloc : memref<!tpu.dma_semaphore, #tpu.memory_space<semaphore_mem>>
          %dma_start3A_131 = arith.constant 0 : i32
          %dma_start3A_132 = tpu.memref_slice %arg4[%add3A_127, %dma_start3A_131] : memref<2500x128xi32, #tpu.memory_space<hbm>> -> memref<1x128xi32, #tpu.memory_space<hbm>>
          %dma_start3A_133 = tpu.memref_squeeze %dma_start3A_132 : memref<1x128xi32, #tpu.memory_space<hbm>> -> memref<128xi32, #tpu.memory_space<hbm>>
          %dma_start3A_134 = arith.constant 0 : i32
          %dma_start3A_135 = tpu.memref_slice %arg4[%add3A_127, %dma_start3A_134] : memref<2500x128xi32, #tpu.memory_space<hbm>> -> memref<1x128xi32, #tpu.memory_space<hbm>>
          %dma_start3A_136 = tpu.memref_squeeze %dma_start3A_135 : memref<1x128xi32, #tpu.memory_space<hbm>> -> memref<128xi32, #tpu.memory_space<hbm>>
          tpu.enqueue_dma source(%dma_start3A_136 : memref<128xi32, #tpu.memory_space<hbm>>) target(%arg10 : memref<128xi32, #tpu.memory_space<vmem>>) target_semaphore(%run_scoped3A : memref<!tpu.dma_semaphore, #tpu.memory_space<semaphore_mem>>)
          %dma_wait3A_137 = arith.constant 0 : i32
          %dma_wait3A_138 = tpu.memref_slice %arg4[%add3A_127, %dma_wait3A_137] : memref<2500x128xi32, #tpu.memory_space<hbm>> -> memref<1x128xi32, #tpu.memory_space<hbm>>
          %dma_wait3A_139 = tpu.memref_squeeze %dma_wait3A_138 : memref<1x128xi32, #tpu.memory_space<hbm>> -> memref<128xi32, #tpu.memory_space<hbm>>
          %dma_wait3A_140 = arith.constant 0 : i32
          %dma_wait3A_141 = tpu.memref_slice %arg4[%add3A_127, %dma_wait3A_140] : memref<2500x128xi32, #tpu.memory_space<hbm>> -> memref<1x128xi32, #tpu.memory_space<hbm>>
          %dma_wait3A_142 = tpu.memref_squeeze %dma_wait3A_141 : memref<1x128xi32, #tpu.memory_space<hbm>> -> memref<128xi32, #tpu.memory_space<hbm>>
          tpu.wait_dma2 semaphore(%run_scoped3A : memref<!tpu.dma_semaphore, #tpu.memory_space<semaphore_mem>>) src(%dma_wait3A_142 : memref<128xi32, #tpu.memory_space<hbm>>) dst(%arg10 : memref<128xi32, #tpu.memory_space<vmem>>)
          tpu.yield
        }) : () -> ()
        %dma_start3A_128 = arith.constant 0 : i32
        %dma_start3A_129 = arith.constant 0 : i32
        %dma_start3A_130 = tpu.memref_slice %arg2[%dma_start3A_128, %dma_start3A_129] : memref<10000x128xf32, #tpu.memory_space<hbm>> -> memref<10000x128xf32, #tpu.memory_space<hbm>>
        tpu.enqueue_indirect_dma source(%dma_start3A_130 : memref<10000x128xf32, #tpu.memory_space<hbm>>) target(%arg13 : memref<128x128xf32, #tpu.memory_space<vmem>>) offsets(%arg7 : memref<128xi32, #tpu.memory_space<vmem>>) semaphore(%arg16 : memref<!tpu.dma_semaphore, #tpu.memory_space<semaphore_mem>>)
      } else {
      }
      %dma_wait3A_119 = arith.constant 0 : i32
      %dma_wait3A_120 = arith.constant 0 : i32
      %dma_wait3A_121 = tpu.memref_slice %arg2[%dma_wait3A_119, %dma_wait3A_120] : memref<10000x128xf32, #tpu.memory_space<hbm>> -> memref<10000x128xf32, #tpu.memory_space<hbm>>
      tpu.wait_indirect_dma semaphore(%arg17 : memref<!tpu.dma_semaphore, #tpu.memory_space<semaphore_mem>>) src(%dma_wait3A_121 : memref<10000x128xf32, #tpu.memory_space<hbm>>) dst(%arg14 : memref<128x128xf32, #tpu.memory_space<vmem>>)
      %dma_start3A_122 = arith.constant 0 : i32
      %dma_start3A_123 = arith.constant 0 : i32
      %dma_start3A_124 = tpu.memref_slice %arg21[%dma_start3A_122, %dma_start3A_123] : memref<10112x128xf32, #tpu.memory_space<vmem_shared>> -> memref<10112x128xf32, #tpu.memory_space<vmem_shared>>
      tpu.enqueue_indirect_dma source(%arg14 : memref<128x128xf32, #tpu.memory_space<vmem>>) target(%dma_start3A_124 : memref<10112x128xf32, #tpu.memory_space<vmem_shared>>) offsets(%arg11 : memref<128xi32, #tpu.memory_space<vmem>>) semaphore(%arg20 : memref<!tpu.dma_semaphore, #tpu.memory_space<semaphore_mem>>) {add = true}
    }
    %scan3A_33 = arith.constant 26 : i32
    %dma_wait3A = arith.constant 0 : i32
    %dma_wait3A_34 = arith.constant 0 : i32
    %dma_wait3A_35 = tpu.memref_slice %arg21[%dma_wait3A, %dma_wait3A_34] : memref<10112x128xf32, #tpu.memory_space<vmem_shared>> -> memref<10112x128xf32, #tpu.memory_space<vmem_shared>>
    tpu.wait_indirect_dma semaphore(%arg18 : memref<!tpu.dma_semaphore, #tpu.memory_space<semaphore_mem>>) src(%arg12 : memref<128x128xf32, #tpu.memory_space<vmem>>) dst(%dma_wait3A_35 : memref<10112x128xf32, #tpu.memory_space<vmem_shared>>)
    %dma_wait3A_36 = arith.constant 0 : i32
    %dma_wait3A_37 = arith.constant 0 : i32
    %dma_wait3A_38 = tpu.memref_slice %arg21[%dma_wait3A_36, %dma_wait3A_37] : memref<10112x128xf32, #tpu.memory_space<vmem_shared>> -> memref<10112x128xf32, #tpu.memory_space<vmem_shared>>
    tpu.wait_indirect_dma semaphore(%arg19 : memref<!tpu.dma_semaphore, #tpu.memory_space<semaphore_mem>>) src(%arg13 : memref<128x128xf32, #tpu.memory_space<vmem>>) dst(%dma_wait3A_38 : memref<10112x128xf32, #tpu.memory_space<vmem_shared>>)
    %dma_wait3A_39 = arith.constant 0 : i32
    %dma_wait3A_40 = arith.constant 0 : i32
    %dma_wait3A_41 = tpu.memref_slice %arg21[%dma_wait3A_39, %dma_wait3A_40] : memref<10112x128xf32, #tpu.memory_space<vmem_shared>> -> memref<10112x128xf32, #tpu.memory_space<vmem_shared>>
    tpu.wait_indirect_dma semaphore(%arg20 : memref<!tpu.dma_semaphore, #tpu.memory_space<semaphore_mem>>) src(%arg14 : memref<128x128xf32, #tpu.memory_space<vmem>>) dst(%dma_wait3A_41 : memref<10112x128xf32, #tpu.memory_space<vmem_shared>>)
    %lt3A = arith.constant 4 : i32
    %lt3A_42 = arith.cmpi slt, %add3A, %lt3A : i32
    %convert_element_type3A = arith.extui %lt3A_42 : i1 to i32
    %cond3A = arith.constant 0 : i32
    %cond3A_43 = arith.cmpi ne, %convert_element_type3A, %cond3A : i32
    scf.if %cond3A_43 {
      %add3A_45 = arith.constant 2496 : i32
      %add3A_46 = arith.addi %add3A_45, %add3A : i32
      "tpu.region"() ({
        %run_scoped3A = tpu.sem_alloc : memref<!tpu.dma_semaphore, #tpu.memory_space<semaphore_mem>>
        %dma_start3A_59 = arith.constant 0 : i32
        %dma_start3A_60 = tpu.memref_slice %arg3[%add3A_46, %dma_start3A_59] : memref<2500x128xi32, #tpu.memory_space<hbm>> -> memref<1x128xi32, #tpu.memory_space<hbm>>
        %dma_start3A_61 = tpu.memref_squeeze %dma_start3A_60 : memref<1x128xi32, #tpu.memory_space<hbm>> -> memref<128xi32, #tpu.memory_space<hbm>>
        %dma_start3A_62 = arith.constant 0 : i32
        %dma_start3A_63 = tpu.memref_slice %arg3[%add3A_46, %dma_start3A_62] : memref<2500x128xi32, #tpu.memory_space<hbm>> -> memref<1x128xi32, #tpu.memory_space<hbm>>
        %dma_start3A_64 = tpu.memref_squeeze %dma_start3A_63 : memref<1x128xi32, #tpu.memory_space<hbm>> -> memref<128xi32, #tpu.memory_space<hbm>>
        tpu.enqueue_dma source(%dma_start3A_64 : memref<128xi32, #tpu.memory_space<hbm>>) target(%arg6 : memref<128xi32, #tpu.memory_space<vmem>>) target_semaphore(%run_scoped3A : memref<!tpu.dma_semaphore, #tpu.memory_space<semaphore_mem>>)
        %dma_wait3A_65 = arith.constant 0 : i32
        %dma_wait3A_66 = tpu.memref_slice %arg3[%add3A_46, %dma_wait3A_65] : memref<2500x128xi32, #tpu.memory_space<hbm>> -> memref<1x128xi32, #tpu.memory_space<hbm>>
        %dma_wait3A_67 = tpu.memref_squeeze %dma_wait3A_66 : memref<1x128xi32, #tpu.memory_space<hbm>> -> memref<128xi32, #tpu.memory_space<hbm>>
        %dma_wait3A_68 = arith.constant 0 : i32
        %dma_wait3A_69 = tpu.memref_slice %arg3[%add3A_46, %dma_wait3A_68] : memref<2500x128xi32, #tpu.memory_space<hbm>> -> memref<1x128xi32, #tpu.memory_space<hbm>>
        %dma_wait3A_70 = tpu.memref_squeeze %dma_wait3A_69 : memref<1x128xi32, #tpu.memory_space<hbm>> -> memref<128xi32, #tpu.memory_space<hbm>>
        tpu.wait_dma2 semaphore(%run_scoped3A : memref<!tpu.dma_semaphore, #tpu.memory_space<semaphore_mem>>) src(%dma_wait3A_70 : memref<128xi32, #tpu.memory_space<hbm>>) dst(%arg6 : memref<128xi32, #tpu.memory_space<vmem>>)
        tpu.yield
      }) : () -> ()
      "tpu.region"() ({
        %run_scoped3A = tpu.sem_alloc : memref<!tpu.dma_semaphore, #tpu.memory_space<semaphore_mem>>
        %dma_start3A_59 = arith.constant 0 : i32
        %dma_start3A_60 = tpu.memref_slice %arg4[%add3A_46, %dma_start3A_59] : memref<2500x128xi32, #tpu.memory_space<hbm>> -> memref<1x128xi32, #tpu.memory_space<hbm>>
        %dma_start3A_61 = tpu.memref_squeeze %dma_start3A_60 : memref<1x128xi32, #tpu.memory_space<hbm>> -> memref<128xi32, #tpu.memory_space<hbm>>
        %dma_start3A_62 = arith.constant 0 : i32
        %dma_start3A_63 = tpu.memref_slice %arg4[%add3A_46, %dma_start3A_62] : memref<2500x128xi32, #tpu.memory_space<hbm>> -> memref<1x128xi32, #tpu.memory_space<hbm>>
        %dma_start3A_64 = tpu.memref_squeeze %dma_start3A_63 : memref<1x128xi32, #tpu.memory_space<hbm>> -> memref<128xi32, #tpu.memory_space<hbm>>
        tpu.enqueue_dma source(%dma_start3A_64 : memref<128xi32, #tpu.memory_space<hbm>>) target(%arg9 : memref<128xi32, #tpu.memory_space<vmem>>) target_semaphore(%run_scoped3A : memref<!tpu.dma_semaphore, #tpu.memory_space<semaphore_mem>>)
        %dma_wait3A_65 = arith.constant 0 : i32
        %dma_wait3A_66 = tpu.memref_slice %arg4[%add3A_46, %dma_wait3A_65] : memref<2500x128xi32, #tpu.memory_space<hbm>> -> memref<1x128xi32, #tpu.memory_space<hbm>>
        %dma_wait3A_67 = tpu.memref_squeeze %dma_wait3A_66 : memref<1x128xi32, #tpu.memory_space<hbm>> -> memref<128xi32, #tpu.memory_space<hbm>>
        %dma_wait3A_68 = arith.constant 0 : i32
        %dma_wait3A_69 = tpu.memref_slice %arg4[%add3A_46, %dma_wait3A_68] : memref<2500x128xi32, #tpu.memory_space<hbm>> -> memref<1x128xi32, #tpu.memory_space<hbm>>
        %dma_wait3A_70 = tpu.memref_squeeze %dma_wait3A_69 : memref<1x128xi32, #tpu.memory_space<hbm>> -> memref<128xi32, #tpu.memory_space<hbm>>
        tpu.wait_dma2 semaphore(%run_scoped3A : memref<!tpu.dma_semaphore, #tpu.memory_space<semaphore_mem>>) src(%dma_wait3A_70 : memref<128xi32, #tpu.memory_space<hbm>>) dst(%arg9 : memref<128xi32, #tpu.memory_space<vmem>>)
        tpu.yield
      }) : () -> ()
      %dma_start3A_47 = arith.constant 0 : i32
      %dma_start3A_48 = arith.constant 0 : i32
      %dma_start3A_49 = tpu.memref_slice %arg2[%dma_start3A_47, %dma_start3A_48] : memref<10000x128xf32, #tpu.memory_space<hbm>> -> memref<10000x128xf32, #tpu.memory_space<hbm>>
      tpu.enqueue_indirect_dma source(%dma_start3A_49 : memref<10000x128xf32, #tpu.memory_space<hbm>>) target(%arg12 : memref<128x128xf32, #tpu.memory_space<vmem>>) offsets(%arg6 : memref<128xi32, #tpu.memory_space<vmem>>) semaphore(%arg15 : memref<!tpu.dma_semaphore, #tpu.memory_space<semaphore_mem>>)
      %dma_wait3A_50 = arith.constant 0 : i32
      %dma_wait3A_51 = arith.constant 0 : i32
      %dma_wait3A_52 = tpu.memref_slice %arg2[%dma_wait3A_50, %dma_wait3A_51] : memref<10000x128xf32, #tpu.memory_space<hbm>> -> memref<10000x128xf32, #tpu.memory_space<hbm>>
      tpu.wait_indirect_dma semaphore(%arg15 : memref<!tpu.dma_semaphore, #tpu.memory_space<semaphore_mem>>) src(%dma_wait3A_52 : memref<10000x128xf32, #tpu.memory_space<hbm>>) dst(%arg12 : memref<128x128xf32, #tpu.memory_space<vmem>>)
      %dma_start3A_53 = arith.constant 0 : i32
      %dma_start3A_54 = arith.constant 0 : i32
      %dma_start3A_55 = tpu.memref_slice %arg21[%dma_start3A_53, %dma_start3A_54] : memref<10112x128xf32, #tpu.memory_space<vmem_shared>> -> memref<10112x128xf32, #tpu.memory_space<vmem_shared>>
      tpu.enqueue_indirect_dma source(%arg12 : memref<128x128xf32, #tpu.memory_space<vmem>>) target(%dma_start3A_55 : memref<10112x128xf32, #tpu.memory_space<vmem_shared>>) offsets(%arg9 : memref<128xi32, #tpu.memory_space<vmem>>) semaphore(%arg18 : memref<!tpu.dma_semaphore, #tpu.memory_space<semaphore_mem>>) {add = true}
      %dma_wait3A_56 = arith.constant 0 : i32
      %dma_wait3A_57 = arith.constant 0 : i32
      %dma_wait3A_58 = tpu.memref_slice %arg21[%dma_wait3A_56, %dma_wait3A_57] : memref<10112x128xf32, #tpu.memory_space<vmem_shared>> -> memref<10112x128xf32, #tpu.memory_space<vmem_shared>>
      tpu.wait_indirect_dma semaphore(%arg18 : memref<!tpu.dma_semaphore, #tpu.memory_space<semaphore_mem>>) src(%arg12 : memref<128x128xf32, #tpu.memory_space<vmem>>) dst(%dma_wait3A_58 : memref<10112x128xf32, #tpu.memory_space<vmem_shared>>)
    } else {
    }
    %barrier3A_44 = arith.constant 0 : index
    tpu.barrier barrier_id(%barrier3A_44)
    "tpu.region"() ({
      %run_scoped3A = tpu.sem_alloc : memref<!tpu.dma_semaphore, #tpu.memory_space<semaphore_mem>>
      %dma_start3A_45 = arith.constant 0 : i32
      %dma_start3A_46 = tpu.memref_slice %arg5[%arg0, %mul3A_10, %dma_start3A_45] : memref<2x10112x128xf32, #tpu.memory_space<hbm>> -> memref<1x632x128xf32, #tpu.memory_space<hbm>>
      %dma_start3A_47 = tpu.memref_squeeze %dma_start3A_46 : memref<1x632x128xf32, #tpu.memory_space<hbm>> -> memref<632x128xf32, #tpu.memory_space<hbm>>
      %dma_start3A_48 = arith.constant 0 : i32
      %dma_start3A_49 = tpu.memref_slice %arg21[%mul3A_10, %dma_start3A_48] : memref<10112x128xf32, #tpu.memory_space<vmem_shared>> -> memref<632x128xf32, #tpu.memory_space<vmem_shared>>
      tpu.enqueue_dma source(%dma_start3A_49 : memref<632x128xf32, #tpu.memory_space<vmem_shared>>) target(%dma_start3A_47 : memref<632x128xf32, #tpu.memory_space<hbm>>) target_semaphore(%run_scoped3A : memref<!tpu.dma_semaphore, #tpu.memory_space<semaphore_mem>>)
      %dma_wait3A_50 = arith.constant 0 : i32
      %dma_wait3A_51 = tpu.memref_slice %arg5[%arg0, %mul3A_10, %dma_wait3A_50] : memref<2x10112x128xf32, #tpu.memory_space<hbm>> -> memref<1x632x128xf32, #tpu.memory_space<hbm>>
      %dma_wait3A_52 = tpu.memref_squeeze %dma_wait3A_51 : memref<1x632x128xf32, #tpu.memory_space<hbm>> -> memref<632x128xf32, #tpu.memory_space<hbm>>
      %dma_wait3A_53 = arith.constant 0 : i32
      %dma_wait3A_54 = tpu.memref_slice %arg21[%mul3A_10, %dma_wait3A_53] : memref<10112x128xf32, #tpu.memory_space<vmem_shared>> -> memref<632x128xf32, #tpu.memory_space<vmem_shared>>
      tpu.wait_dma2 semaphore(%run_scoped3A : memref<!tpu.dma_semaphore, #tpu.memory_space<semaphore_mem>>) src(%dma_wait3A_54 : memref<632x128xf32, #tpu.memory_space<vmem_shared>>) dst(%dma_wait3A_52 : memref<632x128xf32, #tpu.memory_space<hbm>>)
      tpu.yield
    }) : () -> ()
    return
  }
}

#map = affine_map<(d0, d1) -> (0, 0)>
#map1 = affine_map<(d0, d1) -> (0, 0, 0)>
module attributes {stable_mosaic.version = 14 : i64} {
  func.func @_deg_call(%arg0: i32, %arg1: i32, %arg2: memref<2500x128xi32, #tpu.memory_space<hbm>>, %arg3: memref<2x10112x16xf32, #tpu.memory_space<hbm>>, %arg4: memref<128x16xf32, #tpu.memory_space<vmem>>, %arg5: memref<128xi32, #tpu.memory_space<vmem>>, %arg6: memref<!tpu.dma_semaphore, #tpu.memory_space<semaphore_mem>>, %arg7: memref<10112x16xf32, #tpu.memory_space<vmem_shared>>) attributes {dimension_semantics = [#tpu.dimension_semantics<core_parallel>, #tpu.dimension_semantics<subcore_parallel>], iteration_bounds = array<i64: 2, 16>, scalar_prefetch = 0 : i64, scratch_operands = 4 : i64, tpu.core_type = #tpu.core_type<sc_vector_subcore>, window_params = [{transform_indices = #map}, {transform_indices = #map1}]} {
    %mul3A = arith.constant 16 : i32
    %mul3A_0 = arith.muli %arg0, %mul3A : i32
    %add3A = arith.addi %mul3A_0, %arg1 : i32
    %lt3A = arith.constant 4 : i32
    %lt3A_1 = arith.cmpi slt, %add3A, %lt3A : i32
    %jit3A = arith.constant 1 : i32
    %jit3A_2 = arith.constant 0 : i32
    %select_n3A = arith.select %lt3A_1, %jit3A, %jit3A_2 : i32
    %add3A_3 = arith.constant 78 : i32
    %add3A_4 = arith.addi %add3A_3, %select_n3A : i32
    %mul3A_5 = arith.constant 78 : i32
    %mul3A_6 = arith.muli %add3A, %mul3A_5 : i32
    %min3A = arith.constant 4 : i32
    %min3A_7 = arith.minsi %add3A, %min3A : i32
    %add3A_8 = arith.addi %mul3A_6, %min3A_7 : i32
    %mul3A_9 = arith.constant 632 : i32
    %mul3A_10 = arith.muli %arg1, %mul3A_9 : i32
    %broadcast_in_dim3A = arith.constant 0.000000e+00 : f32
    %broadcast_in_dim3A_11 = vector.broadcast %broadcast_in_dim3A : f32 to vector<16xf32>
    %scan3A = arith.constant 0 : i32
    %scan3A_12 = arith.constant 0 : i32
    %scan3A_13 = arith.constant 128 : i32
    %scan3A_14 = arith.addi %scan3A_12, %scan3A_13 : i32
    %scan3A_15 = arith.constant 1 : i32
    scf.for %scan3A_45 = %scan3A_12 to %scan3A_14 step %scan3A_15  : i32 {
      %swap3A = arith.index_cast %scan3A_45 : i32 to index
      %swap3A_46 = arith.constant 0 : index
      %swap3A_47 = tpu.vector_load %arg4[%swap3A, %swap3A_46] {strides = array<i32>} : memref<128x16xf32, #tpu.memory_space<vmem>>, vector<1x16xf32>,
      %swap3A_48 = vector.shape_cast %swap3A_47 : vector<1x16xf32> to vector<16xf32>
      %swap3A_49 = vector.shape_cast %broadcast_in_dim3A_11 : vector<16xf32> to vector<1x16xf32>
      tpu.vector_store %arg4[%swap3A, %swap3A_46], %swap3A_49 {strides = array<i32>} : memref<128x16xf32, #tpu.memory_space<vmem>>, vector<1x16xf32>,
    }
    %scan3A_16 = arith.constant 128 : i32
    %add3A_17 = arith.constant 0 : i32
    %add3A_18 = arith.addi %mul3A_10, %add3A_17 : i32
    "tpu.region"() ({
      %run_scoped3A = tpu.sem_alloc : memref<!tpu.dma_semaphore, #tpu.memory_space<semaphore_mem>>
      %dma_start3A = arith.constant 0 : i32
      %dma_start3A_45 = tpu.memref_slice %arg7[%add3A_18, %dma_start3A] : memref<10112x16xf32, #tpu.memory_space<vmem_shared>> -> memref<128x16xf32, #tpu.memory_space<vmem_shared>>
      %dma_start3A_46 = arith.constant 0 : i32
      %dma_start3A_47 = tpu.memref_slice %arg7[%add3A_18, %dma_start3A_46] : memref<10112x16xf32, #tpu.memory_space<vmem_shared>> -> memref<128x16xf32, #tpu.memory_space<vmem_shared>>
      tpu.enqueue_dma source(%arg4 : memref<128x16xf32, #tpu.memory_space<vmem>>) target(%dma_start3A_47 : memref<128x16xf32, #tpu.memory_space<vmem_shared>>) target_semaphore(%run_scoped3A : memref<!tpu.dma_semaphore, #tpu.memory_space<semaphore_mem>>)
      %dma_wait3A = arith.constant 0 : i32
      %dma_wait3A_48 = tpu.memref_slice %arg7[%add3A_18, %dma_wait3A] : memref<10112x16xf32, #tpu.memory_space<vmem_shared>> -> memref<128x16xf32, #tpu.memory_space<vmem_shared>>
      %dma_wait3A_49 = arith.constant 0 : i32
      %dma_wait3A_50 = tpu.memref_slice %arg7[%add3A_18, %dma_wait3A_49] : memref<10112x16xf32, #tpu.memory_space<vmem_shared>> -> memref<128x16xf32, #tpu.memory_space<vmem_shared>>
      tpu.wait_dma2 semaphore(%run_scoped3A : memref<!tpu.dma_semaphore, #tpu.memory_space<semaphore_mem>>) src(%arg4 : memref<128x16xf32, #tpu.memory_space<vmem>>) dst(%dma_wait3A_50 : memref<128x16xf32, #tpu.memory_space<vmem_shared>>)
      tpu.yield
    }) : () -> ()
    %add3A_19 = arith.constant 128 : i32
    %add3A_20 = arith.addi %mul3A_10, %add3A_19 : i32
    "tpu.region"() ({
      %run_scoped3A = tpu.sem_alloc : memref<!tpu.dma_semaphore, #tpu.memory_space<semaphore_mem>>
      %dma_start3A = arith.constant 0 : i32
      %dma_start3A_45 = tpu.memref_slice %arg7[%add3A_20, %dma_start3A] : memref<10112x16xf32, #tpu.memory_space<vmem_shared>> -> memref<128x16xf32, #tpu.memory_space<vmem_shared>>
      %dma_start3A_46 = arith.constant 0 : i32
      %dma_start3A_47 = tpu.memref_slice %arg7[%add3A_20, %dma_start3A_46] : memref<10112x16xf32, #tpu.memory_space<vmem_shared>> -> memref<128x16xf32, #tpu.memory_space<vmem_shared>>
      tpu.enqueue_dma source(%arg4 : memref<128x16xf32, #tpu.memory_space<vmem>>) target(%dma_start3A_47 : memref<128x16xf32, #tpu.memory_space<vmem_shared>>) target_semaphore(%run_scoped3A : memref<!tpu.dma_semaphore, #tpu.memory_space<semaphore_mem>>)
      %dma_wait3A = arith.constant 0 : i32
      %dma_wait3A_48 = tpu.memref_slice %arg7[%add3A_20, %dma_wait3A] : memref<10112x16xf32, #tpu.memory_space<vmem_shared>> -> memref<128x16xf32, #tpu.memory_space<vmem_shared>>
      %dma_wait3A_49 = arith.constant 0 : i32
      %dma_wait3A_50 = tpu.memref_slice %arg7[%add3A_20, %dma_wait3A_49] : memref<10112x16xf32, #tpu.memory_space<vmem_shared>> -> memref<128x16xf32, #tpu.memory_space<vmem_shared>>
      tpu.wait_dma2 semaphore(%run_scoped3A : memref<!tpu.dma_semaphore, #tpu.memory_space<semaphore_mem>>) src(%arg4 : memref<128x16xf32, #tpu.memory_space<vmem>>) dst(%dma_wait3A_50 : memref<128x16xf32, #tpu.memory_space<vmem_shared>>)
      tpu.yield
    }) : () -> ()
    %add3A_21 = arith.constant 256 : i32
    %add3A_22 = arith.addi %mul3A_10, %add3A_21 : i32
    "tpu.region"() ({
      %run_scoped3A = tpu.sem_alloc : memref<!tpu.dma_semaphore, #tpu.memory_space<semaphore_mem>>
      %dma_start3A = arith.constant 0 : i32
      %dma_start3A_45 = tpu.memref_slice %arg7[%add3A_22, %dma_start3A] : memref<10112x16xf32, #tpu.memory_space<vmem_shared>> -> memref<128x16xf32, #tpu.memory_space<vmem_shared>>
      %dma_start3A_46 = arith.constant 0 : i32
      %dma_start3A_47 = tpu.memref_slice %arg7[%add3A_22, %dma_start3A_46] : memref<10112x16xf32, #tpu.memory_space<vmem_shared>> -> memref<128x16xf32, #tpu.memory_space<vmem_shared>>
      tpu.enqueue_dma source(%arg4 : memref<128x16xf32, #tpu.memory_space<vmem>>) target(%dma_start3A_47 : memref<128x16xf32, #tpu.memory_space<vmem_shared>>) target_semaphore(%run_scoped3A : memref<!tpu.dma_semaphore, #tpu.memory_space<semaphore_mem>>)
      %dma_wait3A = arith.constant 0 : i32
      %dma_wait3A_48 = tpu.memref_slice %arg7[%add3A_22, %dma_wait3A] : memref<10112x16xf32, #tpu.memory_space<vmem_shared>> -> memref<128x16xf32, #tpu.memory_space<vmem_shared>>
      %dma_wait3A_49 = arith.constant 0 : i32
      %dma_wait3A_50 = tpu.memref_slice %arg7[%add3A_22, %dma_wait3A_49] : memref<10112x16xf32, #tpu.memory_space<vmem_shared>> -> memref<128x16xf32, #tpu.memory_space<vmem_shared>>
      tpu.wait_dma2 semaphore(%run_scoped3A : memref<!tpu.dma_semaphore, #tpu.memory_space<semaphore_mem>>) src(%arg4 : memref<128x16xf32, #tpu.memory_space<vmem>>) dst(%dma_wait3A_50 : memref<128x16xf32, #tpu.memory_space<vmem_shared>>)
      tpu.yield
    }) : () -> ()
    %add3A_23 = arith.constant 384 : i32
    %add3A_24 = arith.addi %mul3A_10, %add3A_23 : i32
    "tpu.region"() ({
      %run_scoped3A = tpu.sem_alloc : memref<!tpu.dma_semaphore, #tpu.memory_space<semaphore_mem>>
      %dma_start3A = arith.constant 0 : i32
      %dma_start3A_45 = tpu.memref_slice %arg7[%add3A_24, %dma_start3A] : memref<10112x16xf32, #tpu.memory_space<vmem_shared>> -> memref<128x16xf32, #tpu.memory_space<vmem_shared>>
      %dma_start3A_46 = arith.constant 0 : i32
      %dma_start3A_47 = tpu.memref_slice %arg7[%add3A_24, %dma_start3A_46] : memref<10112x16xf32, #tpu.memory_space<vmem_shared>> -> memref<128x16xf32, #tpu.memory_space<vmem_shared>>
      tpu.enqueue_dma source(%arg4 : memref<128x16xf32, #tpu.memory_space<vmem>>) target(%dma_start3A_47 : memref<128x16xf32, #tpu.memory_space<vmem_shared>>) target_semaphore(%run_scoped3A : memref<!tpu.dma_semaphore, #tpu.memory_space<semaphore_mem>>)
      %dma_wait3A = arith.constant 0 : i32
      %dma_wait3A_48 = tpu.memref_slice %arg7[%add3A_24, %dma_wait3A] : memref<10112x16xf32, #tpu.memory_space<vmem_shared>> -> memref<128x16xf32, #tpu.memory_space<vmem_shared>>
      %dma_wait3A_49 = arith.constant 0 : i32
      %dma_wait3A_50 = tpu.memref_slice %arg7[%add3A_24, %dma_wait3A_49] : memref<10112x16xf32, #tpu.memory_space<vmem_shared>> -> memref<128x16xf32, #tpu.memory_space<vmem_shared>>
      tpu.wait_dma2 semaphore(%run_scoped3A : memref<!tpu.dma_semaphore, #tpu.memory_space<semaphore_mem>>) src(%arg4 : memref<128x16xf32, #tpu.memory_space<vmem>>) dst(%dma_wait3A_50 : memref<128x16xf32, #tpu.memory_space<vmem_shared>>)
      tpu.yield
    }) : () -> ()
    %add3A_25 = arith.constant 512 : i32
    %add3A_26 = arith.addi %mul3A_10, %add3A_25 : i32
    "tpu.region"() ({
      %run_scoped3A = tpu.sem_alloc : memref<!tpu.dma_semaphore, #tpu.memory_space<semaphore_mem>>
      %dma_start3A = arith.constant 0 : i32
      %dma_start3A_45 = arith.constant 0 : i32
      %dma_start3A_46 = tpu.memref_slice %arg4[%dma_start3A, %dma_start3A_45] : memref<128x16xf32, #tpu.memory_space<vmem>> -> memref<120x16xf32, #tpu.memory_space<vmem>>
      %dma_start3A_47 = arith.constant 0 : i32
      %dma_start3A_48 = tpu.memref_slice %arg7[%add3A_26, %dma_start3A_47] : memref<10112x16xf32, #tpu.memory_space<vmem_shared>> -> memref<120x16xf32, #tpu.memory_space<vmem_shared>>
      %dma_start3A_49 = arith.constant 0 : i32
      %dma_start3A_50 = tpu.memref_slice %arg7[%add3A_26, %dma_start3A_49] : memref<10112x16xf32, #tpu.memory_space<vmem_shared>> -> memref<120x16xf32, #tpu.memory_space<vmem_shared>>
      %dma_start3A_51 = arith.constant 0 : i32
      %dma_start3A_52 = arith.constant 0 : i32
      %dma_start3A_53 = tpu.memref_slice %arg4[%dma_start3A_51, %dma_start3A_52] : memref<128x16xf32, #tpu.memory_space<vmem>> -> memref<120x16xf32, #tpu.memory_space<vmem>>
      tpu.enqueue_dma source(%dma_start3A_53 : memref<120x16xf32, #tpu.memory_space<vmem>>) target(%dma_start3A_50 : memref<120x16xf32, #tpu.memory_space<vmem_shared>>) target_semaphore(%run_scoped3A : memref<!tpu.dma_semaphore, #tpu.memory_space<semaphore_mem>>)
      %dma_wait3A = arith.constant 0 : i32
      %dma_wait3A_54 = arith.constant 0 : i32
      %dma_wait3A_55 = tpu.memref_slice %arg4[%dma_wait3A, %dma_wait3A_54] : memref<128x16xf32, #tpu.memory_space<vmem>> -> memref<120x16xf32, #tpu.memory_space<vmem>>
      %dma_wait3A_56 = arith.constant 0 : i32
      %dma_wait3A_57 = tpu.memref_slice %arg7[%add3A_26, %dma_wait3A_56] : memref<10112x16xf32, #tpu.memory_space<vmem_shared>> -> memref<120x16xf32, #tpu.memory_space<vmem_shared>>
      %dma_wait3A_58 = arith.constant 0 : i32
      %dma_wait3A_59 = tpu.memref_slice %arg7[%add3A_26, %dma_wait3A_58] : memref<10112x16xf32, #tpu.memory_space<vmem_shared>> -> memref<120x16xf32, #tpu.memory_space<vmem_shared>>
      %dma_wait3A_60 = arith.constant 0 : i32
      %dma_wait3A_61 = arith.constant 0 : i32
      %dma_wait3A_62 = tpu.memref_slice %arg4[%dma_wait3A_60, %dma_wait3A_61] : memref<128x16xf32, #tpu.memory_space<vmem>> -> memref<120x16xf32, #tpu.memory_space<vmem>>
      tpu.wait_dma2 semaphore(%run_scoped3A : memref<!tpu.dma_semaphore, #tpu.memory_space<semaphore_mem>>) src(%dma_wait3A_62 : memref<120x16xf32, #tpu.memory_space<vmem>>) dst(%dma_wait3A_59 : memref<120x16xf32, #tpu.memory_space<vmem_shared>>)
      tpu.yield
    }) : () -> ()
    %barrier3A = arith.constant 0 : index
    tpu.barrier barrier_id(%barrier3A)
    %broadcast_in_dim3A_27 = arith.constant 1.000000e+00 : f32
    %broadcast_in_dim3A_28 = vector.broadcast %broadcast_in_dim3A_27 : f32 to vector<16xf32>
    %scan3A_29 = arith.constant 0 : i32
    %scan3A_30 = arith.constant 0 : i32
    %scan3A_31 = arith.constant 128 : i32
    %scan3A_32 = arith.addi %scan3A_30, %scan3A_31 : i32
    %scan3A_33 = arith.constant 1 : i32
    scf.for %scan3A_45 = %scan3A_30 to %scan3A_32 step %scan3A_33  : i32 {
      %swap3A = arith.index_cast %scan3A_45 : i32 to index
      %swap3A_46 = arith.constant 0 : index
      %swap3A_47 = tpu.vector_load %arg4[%swap3A, %swap3A_46] {strides = array<i32>} : memref<128x16xf32, #tpu.memory_space<vmem>>, vector<1x16xf32>,
      %swap3A_48 = vector.shape_cast %swap3A_47 : vector<1x16xf32> to vector<16xf32>
      %swap3A_49 = vector.shape_cast %broadcast_in_dim3A_28 : vector<16xf32> to vector<1x16xf32>
      tpu.vector_store %arg4[%swap3A, %swap3A_46], %swap3A_49 {strides = array<i32>} : memref<128x16xf32, #tpu.memory_space<vmem>>, vector<1x16xf32>,
    }
    %scan3A_34 = arith.constant 128 : i32
    %while3A = arith.constant 0 : i32
    %while3A_35 = arith.constant 0 : i32
    %while3A_36 = arith.subi %add3A_4, %while3A_35 : i32
    %while3A_37 = arith.addi %while3A_35, %while3A_36 : i32
    %while3A_38 = arith.constant 1 : i32
    %while3A_39 = arith.divsi %while3A_36, %while3A_38 : i32
    %while3A_40 = arith.muli %while3A_39, %while3A_38 : i32
    %while3A_41 = arith.addi %while3A_35, %while3A_40 : i32
    %while3A_42 = arith.constant 1 : i32
    scf.for %while3A_45 = %while3A_35 to %while3A_41 step %while3A_42  : i32 {
      %add3A_46 = arith.addi %add3A_8, %while3A_45 : i32
      "tpu.region"() ({
        %run_scoped3A = tpu.sem_alloc : memref<!tpu.dma_semaphore, #tpu.memory_space<semaphore_mem>>
        %dma_start3A = arith.constant 0 : i32
        %dma_start3A_47 = tpu.memref_slice %arg2[%add3A_46, %dma_start3A] : memref<2500x128xi32, #tpu.memory_space<hbm>> -> memref<1x128xi32, #tpu.memory_space<hbm>>
        %dma_start3A_48 = tpu.memref_squeeze %dma_start3A_47 : memref<1x128xi32, #tpu.memory_space<hbm>> -> memref<128xi32, #tpu.memory_space<hbm>>
        %dma_start3A_49 = arith.constant 0 : i32
        %dma_start3A_50 = tpu.memref_slice %arg2[%add3A_46, %dma_start3A_49] : memref<2500x128xi32, #tpu.memory_space<hbm>> -> memref<1x128xi32, #tpu.memory_space<hbm>>
        %dma_start3A_51 = tpu.memref_squeeze %dma_start3A_50 : memref<1x128xi32, #tpu.memory_space<hbm>> -> memref<128xi32, #tpu.memory_space<hbm>>
        tpu.enqueue_dma source(%dma_start3A_51 : memref<128xi32, #tpu.memory_space<hbm>>) target(%arg5 : memref<128xi32, #tpu.memory_space<vmem>>) target_semaphore(%run_scoped3A : memref<!tpu.dma_semaphore, #tpu.memory_space<semaphore_mem>>)
        %dma_wait3A = arith.constant 0 : i32
        %dma_wait3A_52 = tpu.memref_slice %arg2[%add3A_46, %dma_wait3A] : memref<2500x128xi32, #tpu.memory_space<hbm>> -> memref<1x128xi32, #tpu.memory_space<hbm>>
        %dma_wait3A_53 = tpu.memref_squeeze %dma_wait3A_52 : memref<1x128xi32, #tpu.memory_space<hbm>> -> memref<128xi32, #tpu.memory_space<hbm>>
        %dma_wait3A_54 = arith.constant 0 : i32
        %dma_wait3A_55 = tpu.memref_slice %arg2[%add3A_46, %dma_wait3A_54] : memref<2500x128xi32, #tpu.memory_space<hbm>> -> memref<1x128xi32, #tpu.memory_space<hbm>>
        %dma_wait3A_56 = tpu.memref_squeeze %dma_wait3A_55 : memref<1x128xi32, #tpu.memory_space<hbm>> -> memref<128xi32, #tpu.memory_space<hbm>>
        tpu.wait_dma2 semaphore(%run_scoped3A : memref<!tpu.dma_semaphore, #tpu.memory_space<semaphore_mem>>) src(%dma_wait3A_56 : memref<128xi32, #tpu.memory_space<hbm>>) dst(%arg5 : memref<128xi32, #tpu.memory_space<vmem>>)
        tpu.yield
      }) : () -> ()
      "tpu.region"() ({
        %run_scoped3A = tpu.sem_alloc : memref<!tpu.dma_semaphore, #tpu.memory_space<semaphore_mem>>
        %dma_start3A = arith.constant 0 : i32
        %dma_start3A_47 = arith.constant 0 : i32
        %dma_start3A_48 = tpu.memref_slice %arg7[%dma_start3A, %dma_start3A_47] : memref<10112x16xf32, #tpu.memory_space<vmem_shared>> -> memref<10112x16xf32, #tpu.memory_space<vmem_shared>>
        tpu.enqueue_indirect_dma source(%arg4 : memref<128x16xf32, #tpu.memory_space<vmem>>) target(%dma_start3A_48 : memref<10112x16xf32, #tpu.memory_space<vmem_shared>>) offsets(%arg5 : memref<128xi32, #tpu.memory_space<vmem>>) semaphore(%run_scoped3A : memref<!tpu.dma_semaphore, #tpu.memory_space<semaphore_mem>>) {add = true}
        %dma_wait3A = arith.constant 0 : i32
        %dma_wait3A_49 = arith.constant 0 : i32
        %dma_wait3A_50 = tpu.memref_slice %arg7[%dma_wait3A, %dma_wait3A_49] : memref<10112x16xf32, #tpu.memory_space<vmem_shared>> -> memref<10112x16xf32, #tpu.memory_space<vmem_shared>>
        tpu.wait_indirect_dma semaphore(%run_scoped3A : memref<!tpu.dma_semaphore, #tpu.memory_space<semaphore_mem>>) src(%arg4 : memref<128x16xf32, #tpu.memory_space<vmem>>) dst(%dma_wait3A_50 : memref<10112x16xf32, #tpu.memory_space<vmem_shared>>)
        tpu.yield
      }) : () -> ()
    }
    %while3A_43 = arith.constant 1 : i32
    scf.for %while3A_45 = %while3A_41 to %while3A_37 step %while3A_43  : i32 {
      %add3A_46 = arith.addi %add3A_8, %while3A_45 : i32
      "tpu.region"() ({
        %run_scoped3A = tpu.sem_alloc : memref<!tpu.dma_semaphore, #tpu.memory_space<semaphore_mem>>
        %dma_start3A = arith.constant 0 : i32
        %dma_start3A_47 = tpu.memref_slice %arg2[%add3A_46, %dma_start3A] : memref<2500x128xi32, #tpu.memory_space<hbm>> -> memref<1x128xi32, #tpu.memory_space<hbm>>
        %dma_start3A_48 = tpu.memref_squeeze %dma_start3A_47 : memref<1x128xi32, #tpu.memory_space<hbm>> -> memref<128xi32, #tpu.memory_space<hbm>>
        %dma_start3A_49 = arith.constant 0 : i32
        %dma_start3A_50 = tpu.memref_slice %arg2[%add3A_46, %dma_start3A_49] : memref<2500x128xi32, #tpu.memory_space<hbm>> -> memref<1x128xi32, #tpu.memory_space<hbm>>
        %dma_start3A_51 = tpu.memref_squeeze %dma_start3A_50 : memref<1x128xi32, #tpu.memory_space<hbm>> -> memref<128xi32, #tpu.memory_space<hbm>>
        tpu.enqueue_dma source(%dma_start3A_51 : memref<128xi32, #tpu.memory_space<hbm>>) target(%arg5 : memref<128xi32, #tpu.memory_space<vmem>>) target_semaphore(%run_scoped3A : memref<!tpu.dma_semaphore, #tpu.memory_space<semaphore_mem>>)
        %dma_wait3A = arith.constant 0 : i32
        %dma_wait3A_52 = tpu.memref_slice %arg2[%add3A_46, %dma_wait3A] : memref<2500x128xi32, #tpu.memory_space<hbm>> -> memref<1x128xi32, #tpu.memory_space<hbm>>
        %dma_wait3A_53 = tpu.memref_squeeze %dma_wait3A_52 : memref<1x128xi32, #tpu.memory_space<hbm>> -> memref<128xi32, #tpu.memory_space<hbm>>
        %dma_wait3A_54 = arith.constant 0 : i32
        %dma_wait3A_55 = tpu.memref_slice %arg2[%add3A_46, %dma_wait3A_54] : memref<2500x128xi32, #tpu.memory_space<hbm>> -> memref<1x128xi32, #tpu.memory_space<hbm>>
        %dma_wait3A_56 = tpu.memref_squeeze %dma_wait3A_55 : memref<1x128xi32, #tpu.memory_space<hbm>> -> memref<128xi32, #tpu.memory_space<hbm>>
        tpu.wait_dma2 semaphore(%run_scoped3A : memref<!tpu.dma_semaphore, #tpu.memory_space<semaphore_mem>>) src(%dma_wait3A_56 : memref<128xi32, #tpu.memory_space<hbm>>) dst(%arg5 : memref<128xi32, #tpu.memory_space<vmem>>)
        tpu.yield
      }) : () -> ()
      "tpu.region"() ({
        %run_scoped3A = tpu.sem_alloc : memref<!tpu.dma_semaphore, #tpu.memory_space<semaphore_mem>>
        %dma_start3A = arith.constant 0 : i32
        %dma_start3A_47 = arith.constant 0 : i32
        %dma_start3A_48 = tpu.memref_slice %arg7[%dma_start3A, %dma_start3A_47] : memref<10112x16xf32, #tpu.memory_space<vmem_shared>> -> memref<10112x16xf32, #tpu.memory_space<vmem_shared>>
        tpu.enqueue_indirect_dma source(%arg4 : memref<128x16xf32, #tpu.memory_space<vmem>>) target(%dma_start3A_48 : memref<10112x16xf32, #tpu.memory_space<vmem_shared>>) offsets(%arg5 : memref<128xi32, #tpu.memory_space<vmem>>) semaphore(%run_scoped3A : memref<!tpu.dma_semaphore, #tpu.memory_space<semaphore_mem>>) {add = true}
        %dma_wait3A = arith.constant 0 : i32
        %dma_wait3A_49 = arith.constant 0 : i32
        %dma_wait3A_50 = tpu.memref_slice %arg7[%dma_wait3A, %dma_wait3A_49] : memref<10112x16xf32, #tpu.memory_space<vmem_shared>> -> memref<10112x16xf32, #tpu.memory_space<vmem_shared>>
        tpu.wait_indirect_dma semaphore(%run_scoped3A : memref<!tpu.dma_semaphore, #tpu.memory_space<semaphore_mem>>) src(%arg4 : memref<128x16xf32, #tpu.memory_space<vmem>>) dst(%dma_wait3A_50 : memref<10112x16xf32, #tpu.memory_space<vmem_shared>>)
        tpu.yield
      }) : () -> ()
    }
    %barrier3A_44 = arith.constant 0 : index
    tpu.barrier barrier_id(%barrier3A_44)
    "tpu.region"() ({
      %run_scoped3A = tpu.sem_alloc : memref<!tpu.dma_semaphore, #tpu.memory_space<semaphore_mem>>
      %dma_start3A = arith.constant 0 : i32
      %dma_start3A_45 = tpu.memref_slice %arg3[%arg0, %mul3A_10, %dma_start3A] : memref<2x10112x16xf32, #tpu.memory_space<hbm>> -> memref<1x632x16xf32, #tpu.memory_space<hbm>>
      %dma_start3A_46 = tpu.memref_squeeze %dma_start3A_45 : memref<1x632x16xf32, #tpu.memory_space<hbm>> -> memref<632x16xf32, #tpu.memory_space<hbm>>
      %dma_start3A_47 = arith.constant 0 : i32
      %dma_start3A_48 = tpu.memref_slice %arg7[%mul3A_10, %dma_start3A_47] : memref<10112x16xf32, #tpu.memory_space<vmem_shared>> -> memref<632x16xf32, #tpu.memory_space<vmem_shared>>
      tpu.enqueue_dma source(%dma_start3A_48 : memref<632x16xf32, #tpu.memory_space<vmem_shared>>) target(%dma_start3A_46 : memref<632x16xf32, #tpu.memory_space<hbm>>) target_semaphore(%run_scoped3A : memref<!tpu.dma_semaphore, #tpu.memory_space<semaphore_mem>>)
      %dma_wait3A = arith.constant 0 : i32
      %dma_wait3A_49 = tpu.memref_slice %arg3[%arg0, %mul3A_10, %dma_wait3A] : memref<2x10112x16xf32, #tpu.memory_space<hbm>> -> memref<1x632x16xf32, #tpu.memory_space<hbm>>
      %dma_wait3A_50 = tpu.memref_squeeze %dma_wait3A_49 : memref<1x632x16xf32, #tpu.memory_space<hbm>> -> memref<632x16xf32, #tpu.memory_space<hbm>>
      %dma_wait3A_51 = arith.constant 0 : i32
      %dma_wait3A_52 = tpu.memref_slice %arg7[%mul3A_10, %dma_wait3A_51] : memref<10112x16xf32, #tpu.memory_space<vmem_shared>> -> memref<632x16xf32, #tpu.memory_space<vmem_shared>>
      tpu.wait_dma2 semaphore(%run_scoped3A : memref<!tpu.dma_semaphore, #tpu.memory_space<semaphore_mem>>) src(%dma_wait3A_52 : memref<632x16xf32, #tpu.memory_space<vmem_shared>>) dst(%dma_wait3A_50 : memref<632x16xf32, #tpu.memory_space<hbm>>)
      tpu.yield
    }) : () -> ()
    return
  }
}

#map = affine_map<(d0, d1) -> (0, 0)>
#map1 = affine_map<(d0, d1) -> (0, 0, 0)>
module attributes {stable_mosaic.version = 14 : i64} {
  func.func @_agg_call(%arg0: i32, %arg1: i32, %arg2: memref<10000x128xf32, #tpu.memory_space<hbm>>, %arg3: memref<2500x128xi32, #tpu.memory_space<hbm>>, %arg4: memref<2500x128xi32, #tpu.memory_space<hbm>>, %arg5: memref<2x10112x128xf32, #tpu.memory_space<hbm>>, %arg6: memref<128xi32, #tpu.memory_space<vmem>>, %arg7: memref<128xi32, #tpu.memory_space<vmem>>, %arg8: memref<128xi32, #tpu.memory_space<vmem>>, %arg9: memref<128xi32, #tpu.memory_space<vmem>>, %arg10: memref<128xi32, #tpu.memory_space<vmem>>, %arg11: memref<128xi32, #tpu.memory_space<vmem>>, %arg12: memref<128x128xf32, #tpu.memory_space<vmem>>, %arg13: memref<128x128xf32, #tpu.memory_space<vmem>>, %arg14: memref<128x128xf32, #tpu.memory_space<vmem>>, %arg15: memref<!tpu.dma_semaphore, #tpu.memory_space<semaphore_mem>>, %arg16: memref<!tpu.dma_semaphore, #tpu.memory_space<semaphore_mem>>, %arg17: memref<!tpu.dma_semaphore, #tpu.memory_space<semaphore_mem>>, %arg18: memref<!tpu.dma_semaphore, #tpu.memory_space<semaphore_mem>>, %arg19: memref<!tpu.dma_semaphore, #tpu.memory_space<semaphore_mem>>, %arg20: memref<!tpu.dma_semaphore, #tpu.memory_space<semaphore_mem>>, %arg21: memref<10112x128xf32, #tpu.memory_space<vmem_shared>>) attributes {dimension_semantics = [#tpu.dimension_semantics<core_parallel>, #tpu.dimension_semantics<subcore_parallel>], iteration_bounds = array<i64: 2, 16>, scalar_prefetch = 0 : i64, scratch_operands = 16 : i64, tpu.core_type = #tpu.core_type<sc_vector_subcore>, window_params = [{transform_indices = #map}, {transform_indices = #map}, {transform_indices = #map}, {transform_indices = #map1}]} {
    %mul3A = arith.constant 16 : i32
    %mul3A_0 = arith.muli %arg0, %mul3A : i32
    %add3A = arith.addi %mul3A_0, %arg1 : i32
    %mul3A_1 = arith.constant 78 : i32
    %mul3A_2 = arith.muli %add3A, %mul3A_1 : i32
    %broadcast_in_dim3A = arith.constant 0.000000e+00 : f32
    %broadcast_in_dim3A_3 = vector.broadcast %broadcast_in_dim3A : f32 to vector<16xf32>
    %scan3A = arith.constant 0 : i32
    %scan3A_4 = arith.constant 0 : i32
    %scan3A_5 = arith.constant 128 : i32
    %scan3A_6 = arith.addi %scan3A_4, %scan3A_5 : i32
    %scan3A_7 = arith.constant 1 : i32
    scf.for %scan3A_45 = %scan3A_4 to %scan3A_6 step %scan3A_7  : i32 {
      %swap3A = arith.index_cast %scan3A_45 : i32 to index
      %swap3A_46 = arith.constant 0 : index
      %swap3A_47 = tpu.vector_load %arg12[%swap3A, %swap3A_46] {strides = array<i32>} : memref<128x128xf32, #tpu.memory_space<vmem>>, vector<1x16xf32>,
      %swap3A_48 = vector.shape_cast %swap3A_47 : vector<1x16xf32> to vector<16xf32>
      %swap3A_49 = vector.shape_cast %broadcast_in_dim3A_3 : vector<16xf32> to vector<1x16xf32>
      tpu.vector_store %arg12[%swap3A, %swap3A_46], %swap3A_49 {strides = array<i32>} : memref<128x128xf32, #tpu.memory_space<vmem>>, vector<1x16xf32>,
      %swap3A_50 = arith.index_cast %scan3A_45 : i32 to index
      %swap3A_51 = arith.constant 16 : index
      %swap3A_52 = tpu.vector_load %arg12[%swap3A_50, %swap3A_51] {strides = array<i32>} : memref<128x128xf32, #tpu.memory_space<vmem>>, vector<1x16xf32>,
      %swap3A_53 = vector.shape_cast %swap3A_52 : vector<1x16xf32> to vector<16xf32>
      %swap3A_54 = vector.shape_cast %broadcast_in_dim3A_3 : vector<16xf32> to vector<1x16xf32>
      tpu.vector_store %arg12[%swap3A_50, %swap3A_51], %swap3A_54 {strides = array<i32>} : memref<128x128xf32, #tpu.memory_space<vmem>>, vector<1x16xf32>,
      %swap3A_55 = arith.index_cast %scan3A_45 : i32 to index
      %swap3A_56 = arith.constant 32 : index
      %swap3A_57 = tpu.vector_load %arg12[%swap3A_55, %swap3A_56] {strides = array<i32>} : memref<128x128xf32, #tpu.memory_space<vmem>>, vector<1x16xf32>,
      %swap3A_58 = vector.shape_cast %swap3A_57 : vector<1x16xf32> to vector<16xf32>
      %swap3A_59 = vector.shape_cast %broadcast_in_dim3A_3 : vector<16xf32> to vector<1x16xf32>
      tpu.vector_store %arg12[%swap3A_55, %swap3A_56], %swap3A_59 {strides = array<i32>} : memref<128x128xf32, #tpu.memory_space<vmem>>, vector<1x16xf32>,
      %swap3A_60 = arith.index_cast %scan3A_45 : i32 to index
      %swap3A_61 = arith.constant 48 : index
      %swap3A_62 = tpu.vector_load %arg12[%swap3A_60, %swap3A_61] {strides = array<i32>} : memref<128x128xf32, #tpu.memory_space<vmem>>, vector<1x16xf32>,
      %swap3A_63 = vector.shape_cast %swap3A_62 : vector<1x16xf32> to vector<16xf32>
      %swap3A_64 = vector.shape_cast %broadcast_in_dim3A_3 : vector<16xf32> to vector<1x16xf32>
      tpu.vector_store %arg12[%swap3A_60, %swap3A_61], %swap3A_64 {strides = array<i32>} : memref<128x128xf32, #tpu.memory_space<vmem>>, vector<1x16xf32>,
      %swap3A_65 = arith.index_cast %scan3A_45 : i32 to index
      %swap3A_66 = arith.constant 64 : index
      %swap3A_67 = tpu.vector_load %arg12[%swap3A_65, %swap3A_66] {strides = array<i32>} : memref<128x128xf32, #tpu.memory_space<vmem>>, vector<1x16xf32>,
      %swap3A_68 = vector.shape_cast %swap3A_67 : vector<1x16xf32> to vector<16xf32>
      %swap3A_69 = vector.shape_cast %broadcast_in_dim3A_3 : vector<16xf32> to vector<1x16xf32>
      tpu.vector_store %arg12[%swap3A_65, %swap3A_66], %swap3A_69 {strides = array<i32>} : memref<128x128xf32, #tpu.memory_space<vmem>>, vector<1x16xf32>,
      %swap3A_70 = arith.index_cast %scan3A_45 : i32 to index
      %swap3A_71 = arith.constant 80 : index
      %swap3A_72 = tpu.vector_load %arg12[%swap3A_70, %swap3A_71] {strides = array<i32>} : memref<128x128xf32, #tpu.memory_space<vmem>>, vector<1x16xf32>,
      %swap3A_73 = vector.shape_cast %swap3A_72 : vector<1x16xf32> to vector<16xf32>
      %swap3A_74 = vector.shape_cast %broadcast_in_dim3A_3 : vector<16xf32> to vector<1x16xf32>
      tpu.vector_store %arg12[%swap3A_70, %swap3A_71], %swap3A_74 {strides = array<i32>} : memref<128x128xf32, #tpu.memory_space<vmem>>, vector<1x16xf32>,
      %swap3A_75 = arith.index_cast %scan3A_45 : i32 to index
      %swap3A_76 = arith.constant 96 : index
      %swap3A_77 = tpu.vector_load %arg12[%swap3A_75, %swap3A_76] {strides = array<i32>} : memref<128x128xf32, #tpu.memory_space<vmem>>, vector<1x16xf32>,
      %swap3A_78 = vector.shape_cast %swap3A_77 : vector<1x16xf32> to vector<16xf32>
      %swap3A_79 = vector.shape_cast %broadcast_in_dim3A_3 : vector<16xf32> to vector<1x16xf32>
      tpu.vector_store %arg12[%swap3A_75, %swap3A_76], %swap3A_79 {strides = array<i32>} : memref<128x128xf32, #tpu.memory_space<vmem>>, vector<1x16xf32>,
      %swap3A_80 = arith.index_cast %scan3A_45 : i32 to index
      %swap3A_81 = arith.constant 112 : index
      %swap3A_82 = tpu.vector_load %arg12[%swap3A_80, %swap3A_81] {strides = array<i32>} : memref<128x128xf32, #tpu.memory_space<vmem>>, vector<1x16xf32>,
      %swap3A_83 = vector.shape_cast %swap3A_82 : vector<1x16xf32> to vector<16xf32>
      %swap3A_84 = vector.shape_cast %broadcast_in_dim3A_3 : vector<16xf32> to vector<1x16xf32>
      tpu.vector_store %arg12[%swap3A_80, %swap3A_81], %swap3A_84 {strides = array<i32>} : memref<128x128xf32, #tpu.memory_space<vmem>>, vector<1x16xf32>,
    }
    %scan3A_8 = arith.constant 128 : i32
    %mul3A_9 = arith.constant 632 : i32
    %mul3A_10 = arith.muli %arg1, %mul3A_9 : i32
    %add3A_11 = arith.constant 0 : i32
    %add3A_12 = arith.addi %mul3A_10, %add3A_11 : i32
    "tpu.region"() ({
      %run_scoped3A = tpu.sem_alloc : memref<!tpu.dma_semaphore, #tpu.memory_space<semaphore_mem>>
      %dma_start3A_45 = arith.constant 0 : i32
      %dma_start3A_46 = tpu.memref_slice %arg21[%add3A_12, %dma_start3A_45] : memref<10112x128xf32, #tpu.memory_space<vmem_shared>> -> memref<128x128xf32, #tpu.memory_space<vmem_shared>>
      %dma_start3A_47 = arith.constant 0 : i32
      %dma_start3A_48 = tpu.memref_slice %arg21[%add3A_12, %dma_start3A_47] : memref<10112x128xf32, #tpu.memory_space<vmem_shared>> -> memref<128x128xf32, #tpu.memory_space<vmem_shared>>
      tpu.enqueue_dma source(%arg12 : memref<128x128xf32, #tpu.memory_space<vmem>>) target(%dma_start3A_48 : memref<128x128xf32, #tpu.memory_space<vmem_shared>>) target_semaphore(%run_scoped3A : memref<!tpu.dma_semaphore, #tpu.memory_space<semaphore_mem>>)
      %dma_wait3A_49 = arith.constant 0 : i32
      %dma_wait3A_50 = tpu.memref_slice %arg21[%add3A_12, %dma_wait3A_49] : memref<10112x128xf32, #tpu.memory_space<vmem_shared>> -> memref<128x128xf32, #tpu.memory_space<vmem_shared>>
      %dma_wait3A_51 = arith.constant 0 : i32
      %dma_wait3A_52 = tpu.memref_slice %arg21[%add3A_12, %dma_wait3A_51] : memref<10112x128xf32, #tpu.memory_space<vmem_shared>> -> memref<128x128xf32, #tpu.memory_space<vmem_shared>>
      tpu.wait_dma2 semaphore(%run_scoped3A : memref<!tpu.dma_semaphore, #tpu.memory_space<semaphore_mem>>) src(%arg12 : memref<128x128xf32, #tpu.memory_space<vmem>>) dst(%dma_wait3A_52 : memref<128x128xf32, #tpu.memory_space<vmem_shared>>)
      tpu.yield
    }) : () -> ()
    %add3A_13 = arith.constant 128 : i32
    %add3A_14 = arith.addi %mul3A_10, %add3A_13 : i32
    "tpu.region"() ({
      %run_scoped3A = tpu.sem_alloc : memref<!tpu.dma_semaphore, #tpu.memory_space<semaphore_mem>>
      %dma_start3A_45 = arith.constant 0 : i32
      %dma_start3A_46 = tpu.memref_slice %arg21[%add3A_14, %dma_start3A_45] : memref<10112x128xf32, #tpu.memory_space<vmem_shared>> -> memref<128x128xf32, #tpu.memory_space<vmem_shared>>
      %dma_start3A_47 = arith.constant 0 : i32
      %dma_start3A_48 = tpu.memref_slice %arg21[%add3A_14, %dma_start3A_47] : memref<10112x128xf32, #tpu.memory_space<vmem_shared>> -> memref<128x128xf32, #tpu.memory_space<vmem_shared>>
      tpu.enqueue_dma source(%arg12 : memref<128x128xf32, #tpu.memory_space<vmem>>) target(%dma_start3A_48 : memref<128x128xf32, #tpu.memory_space<vmem_shared>>) target_semaphore(%run_scoped3A : memref<!tpu.dma_semaphore, #tpu.memory_space<semaphore_mem>>)
      %dma_wait3A_49 = arith.constant 0 : i32
      %dma_wait3A_50 = tpu.memref_slice %arg21[%add3A_14, %dma_wait3A_49] : memref<10112x128xf32, #tpu.memory_space<vmem_shared>> -> memref<128x128xf32, #tpu.memory_space<vmem_shared>>
      %dma_wait3A_51 = arith.constant 0 : i32
      %dma_wait3A_52 = tpu.memref_slice %arg21[%add3A_14, %dma_wait3A_51] : memref<10112x128xf32, #tpu.memory_space<vmem_shared>> -> memref<128x128xf32, #tpu.memory_space<vmem_shared>>
      tpu.wait_dma2 semaphore(%run_scoped3A : memref<!tpu.dma_semaphore, #tpu.memory_space<semaphore_mem>>) src(%arg12 : memref<128x128xf32, #tpu.memory_space<vmem>>) dst(%dma_wait3A_52 : memref<128x128xf32, #tpu.memory_space<vmem_shared>>)
      tpu.yield
    }) : () -> ()
    %add3A_15 = arith.constant 256 : i32
    %add3A_16 = arith.addi %mul3A_10, %add3A_15 : i32
    "tpu.region"() ({
      %run_scoped3A = tpu.sem_alloc : memref<!tpu.dma_semaphore, #tpu.memory_space<semaphore_mem>>
      %dma_start3A_45 = arith.constant 0 : i32
      %dma_start3A_46 = tpu.memref_slice %arg21[%add3A_16, %dma_start3A_45] : memref<10112x128xf32, #tpu.memory_space<vmem_shared>> -> memref<128x128xf32, #tpu.memory_space<vmem_shared>>
      %dma_start3A_47 = arith.constant 0 : i32
      %dma_start3A_48 = tpu.memref_slice %arg21[%add3A_16, %dma_start3A_47] : memref<10112x128xf32, #tpu.memory_space<vmem_shared>> -> memref<128x128xf32, #tpu.memory_space<vmem_shared>>
      tpu.enqueue_dma source(%arg12 : memref<128x128xf32, #tpu.memory_space<vmem>>) target(%dma_start3A_48 : memref<128x128xf32, #tpu.memory_space<vmem_shared>>) target_semaphore(%run_scoped3A : memref<!tpu.dma_semaphore, #tpu.memory_space<semaphore_mem>>)
      %dma_wait3A_49 = arith.constant 0 : i32
      %dma_wait3A_50 = tpu.memref_slice %arg21[%add3A_16, %dma_wait3A_49] : memref<10112x128xf32, #tpu.memory_space<vmem_shared>> -> memref<128x128xf32, #tpu.memory_space<vmem_shared>>
      %dma_wait3A_51 = arith.constant 0 : i32
      %dma_wait3A_52 = tpu.memref_slice %arg21[%add3A_16, %dma_wait3A_51] : memref<10112x128xf32, #tpu.memory_space<vmem_shared>> -> memref<128x128xf32, #tpu.memory_space<vmem_shared>>
      tpu.wait_dma2 semaphore(%run_scoped3A : memref<!tpu.dma_semaphore, #tpu.memory_space<semaphore_mem>>) src(%arg12 : memref<128x128xf32, #tpu.memory_space<vmem>>) dst(%dma_wait3A_52 : memref<128x128xf32, #tpu.memory_space<vmem_shared>>)
      tpu.yield
    }) : () -> ()
    %add3A_17 = arith.constant 384 : i32
    %add3A_18 = arith.addi %mul3A_10, %add3A_17 : i32
    "tpu.region"() ({
      %run_scoped3A = tpu.sem_alloc : memref<!tpu.dma_semaphore, #tpu.memory_space<semaphore_mem>>
      %dma_start3A_45 = arith.constant 0 : i32
      %dma_start3A_46 = tpu.memref_slice %arg21[%add3A_18, %dma_start3A_45] : memref<10112x128xf32, #tpu.memory_space<vmem_shared>> -> memref<128x128xf32, #tpu.memory_space<vmem_shared>>
      %dma_start3A_47 = arith.constant 0 : i32
      %dma_start3A_48 = tpu.memref_slice %arg21[%add3A_18, %dma_start3A_47] : memref<10112x128xf32, #tpu.memory_space<vmem_shared>> -> memref<128x128xf32, #tpu.memory_space<vmem_shared>>
      tpu.enqueue_dma source(%arg12 : memref<128x128xf32, #tpu.memory_space<vmem>>) target(%dma_start3A_48 : memref<128x128xf32, #tpu.memory_space<vmem_shared>>) target_semaphore(%run_scoped3A : memref<!tpu.dma_semaphore, #tpu.memory_space<semaphore_mem>>)
      %dma_wait3A_49 = arith.constant 0 : i32
      %dma_wait3A_50 = tpu.memref_slice %arg21[%add3A_18, %dma_wait3A_49] : memref<10112x128xf32, #tpu.memory_space<vmem_shared>> -> memref<128x128xf32, #tpu.memory_space<vmem_shared>>
      %dma_wait3A_51 = arith.constant 0 : i32
      %dma_wait3A_52 = tpu.memref_slice %arg21[%add3A_18, %dma_wait3A_51] : memref<10112x128xf32, #tpu.memory_space<vmem_shared>> -> memref<128x128xf32, #tpu.memory_space<vmem_shared>>
      tpu.wait_dma2 semaphore(%run_scoped3A : memref<!tpu.dma_semaphore, #tpu.memory_space<semaphore_mem>>) src(%arg12 : memref<128x128xf32, #tpu.memory_space<vmem>>) dst(%dma_wait3A_52 : memref<128x128xf32, #tpu.memory_space<vmem_shared>>)
      tpu.yield
    }) : () -> ()
    %add3A_19 = arith.constant 512 : i32
    %add3A_20 = arith.addi %mul3A_10, %add3A_19 : i32
    "tpu.region"() ({
      %run_scoped3A = tpu.sem_alloc : memref<!tpu.dma_semaphore, #tpu.memory_space<semaphore_mem>>
      %dma_start3A_45 = arith.constant 0 : i32
      %dma_start3A_46 = arith.constant 0 : i32
      %dma_start3A_47 = tpu.memref_slice %arg12[%dma_start3A_45, %dma_start3A_46] : memref<128x128xf32, #tpu.memory_space<vmem>> -> memref<120x128xf32, #tpu.memory_space<vmem>>
      %dma_start3A_48 = arith.constant 0 : i32
      %dma_start3A_49 = tpu.memref_slice %arg21[%add3A_20, %dma_start3A_48] : memref<10112x128xf32, #tpu.memory_space<vmem_shared>> -> memref<120x128xf32, #tpu.memory_space<vmem_shared>>
      %dma_start3A_50 = arith.constant 0 : i32
      %dma_start3A_51 = tpu.memref_slice %arg21[%add3A_20, %dma_start3A_50] : memref<10112x128xf32, #tpu.memory_space<vmem_shared>> -> memref<120x128xf32, #tpu.memory_space<vmem_shared>>
      %dma_start3A_52 = arith.constant 0 : i32
      %dma_start3A_53 = arith.constant 0 : i32
      %dma_start3A_54 = tpu.memref_slice %arg12[%dma_start3A_52, %dma_start3A_53] : memref<128x128xf32, #tpu.memory_space<vmem>> -> memref<120x128xf32, #tpu.memory_space<vmem>>
      tpu.enqueue_dma source(%dma_start3A_54 : memref<120x128xf32, #tpu.memory_space<vmem>>) target(%dma_start3A_51 : memref<120x128xf32, #tpu.memory_space<vmem_shared>>) target_semaphore(%run_scoped3A : memref<!tpu.dma_semaphore, #tpu.memory_space<semaphore_mem>>)
      %dma_wait3A_55 = arith.constant 0 : i32
      %dma_wait3A_56 = arith.constant 0 : i32
      %dma_wait3A_57 = tpu.memref_slice %arg12[%dma_wait3A_55, %dma_wait3A_56] : memref<128x128xf32, #tpu.memory_space<vmem>> -> memref<120x128xf32, #tpu.memory_space<vmem>>
      %dma_wait3A_58 = arith.constant 0 : i32
      %dma_wait3A_59 = tpu.memref_slice %arg21[%add3A_20, %dma_wait3A_58] : memref<10112x128xf32, #tpu.memory_space<vmem_shared>> -> memref<120x128xf32, #tpu.memory_space<vmem_shared>>
      %dma_wait3A_60 = arith.constant 0 : i32
      %dma_wait3A_61 = tpu.memref_slice %arg21[%add3A_20, %dma_wait3A_60] : memref<10112x128xf32, #tpu.memory_space<vmem_shared>> -> memref<120x128xf32, #tpu.memory_space<vmem_shared>>
      %dma_wait3A_62 = arith.constant 0 : i32
      %dma_wait3A_63 = arith.constant 0 : i32
      %dma_wait3A_64 = tpu.memref_slice %arg12[%dma_wait3A_62, %dma_wait3A_63] : memref<128x128xf32, #tpu.memory_space<vmem>> -> memref<120x128xf32, #tpu.memory_space<vmem>>
      tpu.wait_dma2 semaphore(%run_scoped3A : memref<!tpu.dma_semaphore, #tpu.memory_space<semaphore_mem>>) src(%dma_wait3A_64 : memref<120x128xf32, #tpu.memory_space<vmem>>) dst(%dma_wait3A_61 : memref<120x128xf32, #tpu.memory_space<vmem_shared>>)
      tpu.yield
    }) : () -> ()
    %barrier3A = arith.constant 0 : index
    tpu.barrier barrier_id(%barrier3A)
    "tpu.region"() ({
      %run_scoped3A = tpu.sem_alloc : memref<!tpu.dma_semaphore, #tpu.memory_space<semaphore_mem>>
      %dma_start3A_45 = arith.constant 0 : i32
      %dma_start3A_46 = tpu.memref_slice %arg3[%mul3A_2, %dma_start3A_45] : memref<2500x128xi32, #tpu.memory_space<hbm>> -> memref<1x128xi32, #tpu.memory_space<hbm>>
      %dma_start3A_47 = tpu.memref_squeeze %dma_start3A_46 : memref<1x128xi32, #tpu.memory_space<hbm>> -> memref<128xi32, #tpu.memory_space<hbm>>
      %dma_start3A_48 = arith.constant 0 : i32
      %dma_start3A_49 = tpu.memref_slice %arg3[%mul3A_2, %dma_start3A_48] : memref<2500x128xi32, #tpu.memory_space<hbm>> -> memref<1x128xi32, #tpu.memory_space<hbm>>
      %dma_start3A_50 = tpu.memref_squeeze %dma_start3A_49 : memref<1x128xi32, #tpu.memory_space<hbm>> -> memref<128xi32, #tpu.memory_space<hbm>>
      tpu.enqueue_dma source(%dma_start3A_50 : memref<128xi32, #tpu.memory_space<hbm>>) target(%arg6 : memref<128xi32, #tpu.memory_space<vmem>>) target_semaphore(%run_scoped3A : memref<!tpu.dma_semaphore, #tpu.memory_space<semaphore_mem>>)
      %dma_wait3A_51 = arith.constant 0 : i32
      %dma_wait3A_52 = tpu.memref_slice %arg3[%mul3A_2, %dma_wait3A_51] : memref<2500x128xi32, #tpu.memory_space<hbm>> -> memref<1x128xi32, #tpu.memory_space<hbm>>
      %dma_wait3A_53 = tpu.memref_squeeze %dma_wait3A_52 : memref<1x128xi32, #tpu.memory_space<hbm>> -> memref<128xi32, #tpu.memory_space<hbm>>
      %dma_wait3A_54 = arith.constant 0 : i32
      %dma_wait3A_55 = tpu.memref_slice %arg3[%mul3A_2, %dma_wait3A_54] : memref<2500x128xi32, #tpu.memory_space<hbm>> -> memref<1x128xi32, #tpu.memory_space<hbm>>
      %dma_wait3A_56 = tpu.memref_squeeze %dma_wait3A_55 : memref<1x128xi32, #tpu.memory_space<hbm>> -> memref<128xi32, #tpu.memory_space<hbm>>
      tpu.wait_dma2 semaphore(%run_scoped3A : memref<!tpu.dma_semaphore, #tpu.memory_space<semaphore_mem>>) src(%dma_wait3A_56 : memref<128xi32, #tpu.memory_space<hbm>>) dst(%arg6 : memref<128xi32, #tpu.memory_space<vmem>>)
      tpu.yield
    }) : () -> ()
    "tpu.region"() ({
      %run_scoped3A = tpu.sem_alloc : memref<!tpu.dma_semaphore, #tpu.memory_space<semaphore_mem>>
      %dma_start3A_45 = arith.constant 0 : i32
      %dma_start3A_46 = tpu.memref_slice %arg4[%mul3A_2, %dma_start3A_45] : memref<2500x128xi32, #tpu.memory_space<hbm>> -> memref<1x128xi32, #tpu.memory_space<hbm>>
      %dma_start3A_47 = tpu.memref_squeeze %dma_start3A_46 : memref<1x128xi32, #tpu.memory_space<hbm>> -> memref<128xi32, #tpu.memory_space<hbm>>
      %dma_start3A_48 = arith.constant 0 : i32
      %dma_start3A_49 = tpu.memref_slice %arg4[%mul3A_2, %dma_start3A_48] : memref<2500x128xi32, #tpu.memory_space<hbm>> -> memref<1x128xi32, #tpu.memory_space<hbm>>
      %dma_start3A_50 = tpu.memref_squeeze %dma_start3A_49 : memref<1x128xi32, #tpu.memory_space<hbm>> -> memref<128xi32, #tpu.memory_space<hbm>>
      tpu.enqueue_dma source(%dma_start3A_50 : memref<128xi32, #tpu.memory_space<hbm>>) target(%arg9 : memref<128xi32, #tpu.memory_space<vmem>>) target_semaphore(%run_scoped3A : memref<!tpu.dma_semaphore, #tpu.memory_space<semaphore_mem>>)
      %dma_wait3A_51 = arith.constant 0 : i32
      %dma_wait3A_52 = tpu.memref_slice %arg4[%mul3A_2, %dma_wait3A_51] : memref<2500x128xi32, #tpu.memory_space<hbm>> -> memref<1x128xi32, #tpu.memory_space<hbm>>
      %dma_wait3A_53 = tpu.memref_squeeze %dma_wait3A_52 : memref<1x128xi32, #tpu.memory_space<hbm>> -> memref<128xi32, #tpu.memory_space<hbm>>
      %dma_wait3A_54 = arith.constant 0 : i32
      %dma_wait3A_55 = tpu.memref_slice %arg4[%mul3A_2, %dma_wait3A_54] : memref<2500x128xi32, #tpu.memory_space<hbm>> -> memref<1x128xi32, #tpu.memory_space<hbm>>
      %dma_wait3A_56 = tpu.memref_squeeze %dma_wait3A_55 : memref<1x128xi32, #tpu.memory_space<hbm>> -> memref<128xi32, #tpu.memory_space<hbm>>
      tpu.wait_dma2 semaphore(%run_scoped3A : memref<!tpu.dma_semaphore, #tpu.memory_space<semaphore_mem>>) src(%dma_wait3A_56 : memref<128xi32, #tpu.memory_space<hbm>>) dst(%arg9 : memref<128xi32, #tpu.memory_space<vmem>>)
      tpu.yield
    }) : () -> ()
    %dma_start3A = arith.constant 0 : i32
    %dma_start3A_21 = arith.constant 0 : i32
    %dma_start3A_22 = tpu.memref_slice %arg2[%dma_start3A, %dma_start3A_21] : memref<10000x128xf32, #tpu.memory_space<hbm>> -> memref<10000x128xf32, #tpu.memory_space<hbm>>
    tpu.enqueue_indirect_dma source(%dma_start3A_22 : memref<10000x128xf32, #tpu.memory_space<hbm>>) target(%arg12 : memref<128x128xf32, #tpu.memory_space<vmem>>) offsets(%arg6 : memref<128xi32, #tpu.memory_space<vmem>>) semaphore(%arg15 : memref<!tpu.dma_semaphore, #tpu.memory_space<semaphore_mem>>)
    %add3A_23 = arith.constant 1 : i32
    %add3A_24 = arith.addi %mul3A_2, %add3A_23 : i32
    "tpu.region"() ({
      %run_scoped3A = tpu.sem_alloc : memref<!tpu.dma_semaphore, #tpu.memory_space<semaphore_mem>>
      %dma_start3A_45 = arith.constant 0 : i32
      %dma_start3A_46 = tpu.memref_slice %arg3[%add3A_24, %dma_start3A_45] : memref<2500x128xi32, #tpu.memory_space<hbm>> -> memref<1x128xi32, #tpu.memory_space<hbm>>
      %dma_start3A_47 = tpu.memref_squeeze %dma_start3A_46 : memref<1x128xi32, #tpu.memory_space<hbm>> -> memref<128xi32, #tpu.memory_space<hbm>>
      %dma_start3A_48 = arith.constant 0 : i32
      %dma_start3A_49 = tpu.memref_slice %arg3[%add3A_24, %dma_start3A_48] : memref<2500x128xi32, #tpu.memory_space<hbm>> -> memref<1x128xi32, #tpu.memory_space<hbm>>
      %dma_start3A_50 = tpu.memref_squeeze %dma_start3A_49 : memref<1x128xi32, #tpu.memory_space<hbm>> -> memref<128xi32, #tpu.memory_space<hbm>>
      tpu.enqueue_dma source(%dma_start3A_50 : memref<128xi32, #tpu.memory_space<hbm>>) target(%arg7 : memref<128xi32, #tpu.memory_space<vmem>>) target_semaphore(%run_scoped3A : memref<!tpu.dma_semaphore, #tpu.memory_space<semaphore_mem>>)
      %dma_wait3A_51 = arith.constant 0 : i32
      %dma_wait3A_52 = tpu.memref_slice %arg3[%add3A_24, %dma_wait3A_51] : memref<2500x128xi32, #tpu.memory_space<hbm>> -> memref<1x128xi32, #tpu.memory_space<hbm>>
      %dma_wait3A_53 = tpu.memref_squeeze %dma_wait3A_52 : memref<1x128xi32, #tpu.memory_space<hbm>> -> memref<128xi32, #tpu.memory_space<hbm>>
      %dma_wait3A_54 = arith.constant 0 : i32
      %dma_wait3A_55 = tpu.memref_slice %arg3[%add3A_24, %dma_wait3A_54] : memref<2500x128xi32, #tpu.memory_space<hbm>> -> memref<1x128xi32, #tpu.memory_space<hbm>>
      %dma_wait3A_56 = tpu.memref_squeeze %dma_wait3A_55 : memref<1x128xi32, #tpu.memory_space<hbm>> -> memref<128xi32, #tpu.memory_space<hbm>>
      tpu.wait_dma2 semaphore(%run_scoped3A : memref<!tpu.dma_semaphore, #tpu.memory_space<semaphore_mem>>) src(%dma_wait3A_56 : memref<128xi32, #tpu.memory_space<hbm>>) dst(%arg7 : memref<128xi32, #tpu.memory_space<vmem>>)
      tpu.yield
    }) : () -> ()
    "tpu.region"() ({
      %run_scoped3A = tpu.sem_alloc : memref<!tpu.dma_semaphore, #tpu.memory_space<semaphore_mem>>
      %dma_start3A_45 = arith.constant 0 : i32
      %dma_start3A_46 = tpu.memref_slice %arg4[%add3A_24, %dma_start3A_45] : memref<2500x128xi32, #tpu.memory_space<hbm>> -> memref<1x128xi32, #tpu.memory_space<hbm>>
      %dma_start3A_47 = tpu.memref_squeeze %dma_start3A_46 : memref<1x128xi32, #tpu.memory_space<hbm>> -> memref<128xi32, #tpu.memory_space<hbm>>
      %dma_start3A_48 = arith.constant 0 : i32
      %dma_start3A_49 = tpu.memref_slice %arg4[%add3A_24, %dma_start3A_48] : memref<2500x128xi32, #tpu.memory_space<hbm>> -> memref<1x128xi32, #tpu.memory_space<hbm>>
      %dma_start3A_50 = tpu.memref_squeeze %dma_start3A_49 : memref<1x128xi32, #tpu.memory_space<hbm>> -> memref<128xi32, #tpu.memory_space<hbm>>
      tpu.enqueue_dma source(%dma_start3A_50 : memref<128xi32, #tpu.memory_space<hbm>>) target(%arg10 : memref<128xi32, #tpu.memory_space<vmem>>) target_semaphore(%run_scoped3A : memref<!tpu.dma_semaphore, #tpu.memory_space<semaphore_mem>>)
      %dma_wait3A_51 = arith.constant 0 : i32
      %dma_wait3A_52 = tpu.memref_slice %arg4[%add3A_24, %dma_wait3A_51] : memref<2500x128xi32, #tpu.memory_space<hbm>> -> memref<1x128xi32, #tpu.memory_space<hbm>>
      %dma_wait3A_53 = tpu.memref_squeeze %dma_wait3A_52 : memref<1x128xi32, #tpu.memory_space<hbm>> -> memref<128xi32, #tpu.memory_space<hbm>>
      %dma_wait3A_54 = arith.constant 0 : i32
      %dma_wait3A_55 = tpu.memref_slice %arg4[%add3A_24, %dma_wait3A_54] : memref<2500x128xi32, #tpu.memory_space<hbm>> -> memref<1x128xi32, #tpu.memory_space<hbm>>
      %dma_wait3A_56 = tpu.memref_squeeze %dma_wait3A_55 : memref<1x128xi32, #tpu.memory_space<hbm>> -> memref<128xi32, #tpu.memory_space<hbm>>
      tpu.wait_dma2 semaphore(%run_scoped3A : memref<!tpu.dma_semaphore, #tpu.memory_space<semaphore_mem>>) src(%dma_wait3A_56 : memref<128xi32, #tpu.memory_space<hbm>>) dst(%arg10 : memref<128xi32, #tpu.memory_space<vmem>>)
      tpu.yield
    }) : () -> ()
    %dma_start3A_25 = arith.constant 0 : i32
    %dma_start3A_26 = arith.constant 0 : i32
    %dma_start3A_27 = tpu.memref_slice %arg2[%dma_start3A_25, %dma_start3A_26] : memref<10000x128xf32, #tpu.memory_space<hbm>> -> memref<10000x128xf32, #tpu.memory_space<hbm>>
    tpu.enqueue_indirect_dma source(%dma_start3A_27 : memref<10000x128xf32, #tpu.memory_space<hbm>>) target(%arg13 : memref<128x128xf32, #tpu.memory_space<vmem>>) offsets(%arg7 : memref<128xi32, #tpu.memory_space<vmem>>) semaphore(%arg16 : memref<!tpu.dma_semaphore, #tpu.memory_space<semaphore_mem>>)
    %scan3A_28 = arith.constant 0 : i32
    %scan3A_29 = arith.constant 0 : i32
    %scan3A_30 = arith.constant 26 : i32
    %scan3A_31 = arith.addi %scan3A_29, %scan3A_30 : i32
    %scan3A_32 = arith.constant 1 : i32
    scf.for %scan3A_45 = %scan3A_29 to %scan3A_31 step %scan3A_32  : i32 {
      %mul3A_46 = arith.constant 3 : i32
      %mul3A_47 = arith.muli %mul3A_46, %scan3A_45 : i32
      %add3A_48 = arith.constant 0 : i32
      %add3A_49 = arith.addi %mul3A_47, %add3A_48 : i32
      %add3A_50 = arith.constant 2 : i32
      %add3A_51 = arith.addi %add3A_49, %add3A_50 : i32
      %lt3A_52 = arith.constant 78 : i32
      %lt3A_53 = arith.cmpi slt, %add3A_51, %lt3A_52 : i32
      %ge3A = arith.constant 1 : i32
      %ge3A_54 = arith.cmpi sge, %add3A_49, %ge3A : i32
      %and3A = arith.andi %lt3A_53, %ge3A_54 : i1
      %convert_element_type3A_55 = arith.extui %and3A : i1 to i32
      %cond3A_56 = arith.constant 0 : i32
      %cond3A_57 = arith.cmpi ne, %convert_element_type3A_55, %cond3A_56 : i32
      scf.if %cond3A_57 {
        %dma_wait3A_125 = arith.constant 0 : i32
        %dma_wait3A_126 = arith.constant 0 : i32
        %dma_wait3A_127 = tpu.memref_slice %arg21[%dma_wait3A_125, %dma_wait3A_126] : memref<10112x128xf32, #tpu.memory_space<vmem_shared>> -> memref<10112x128xf32, #tpu.memory_space<vmem_shared>>
        tpu.wait_indirect_dma semaphore(%arg20 : memref<!tpu.dma_semaphore, #tpu.memory_space<semaphore_mem>>) src(%arg14 : memref<128x128xf32, #tpu.memory_space<vmem>>) dst(%dma_wait3A_127 : memref<10112x128xf32, #tpu.memory_space<vmem_shared>>)
      } else {
      }
      %add3A_58 = arith.constant 2 : i32
      %add3A_59 = arith.addi %add3A_49, %add3A_58 : i32
      %lt3A_60 = arith.constant 78 : i32
      %lt3A_61 = arith.cmpi slt, %add3A_59, %lt3A_60 : i32
      %convert_element_type3A_62 = arith.extui %lt3A_61 : i1 to i32
      %cond3A_63 = arith.constant 0 : i32
      %cond3A_64 = arith.cmpi ne, %convert_element_type3A_62, %cond3A_63 : i32
      scf.if %cond3A_64 {
        %add3A_125 = arith.addi %mul3A_2, %add3A_49 : i32
        %add3A_126 = arith.constant 2 : i32
        %add3A_127 = arith.addi %add3A_125, %add3A_126 : i32
        "tpu.region"() ({
          %run_scoped3A = tpu.sem_alloc : memref<!tpu.dma_semaphore, #tpu.memory_space<semaphore_mem>>
          %dma_start3A_131 = arith.constant 0 : i32
          %dma_start3A_132 = tpu.memref_slice %arg3[%add3A_127, %dma_start3A_131] : memref<2500x128xi32, #tpu.memory_space<hbm>> -> memref<1x128xi32, #tpu.memory_space<hbm>>
          %dma_start3A_133 = tpu.memref_squeeze %dma_start3A_132 : memref<1x128xi32, #tpu.memory_space<hbm>> -> memref<128xi32, #tpu.memory_space<hbm>>
          %dma_start3A_134 = arith.constant 0 : i32
          %dma_start3A_135 = tpu.memref_slice %arg3[%add3A_127, %dma_start3A_134] : memref<2500x128xi32, #tpu.memory_space<hbm>> -> memref<1x128xi32, #tpu.memory_space<hbm>>
          %dma_start3A_136 = tpu.memref_squeeze %dma_start3A_135 : memref<1x128xi32, #tpu.memory_space<hbm>> -> memref<128xi32, #tpu.memory_space<hbm>>
          tpu.enqueue_dma source(%dma_start3A_136 : memref<128xi32, #tpu.memory_space<hbm>>) target(%arg8 : memref<128xi32, #tpu.memory_space<vmem>>) target_semaphore(%run_scoped3A : memref<!tpu.dma_semaphore, #tpu.memory_space<semaphore_mem>>)
          %dma_wait3A_137 = arith.constant 0 : i32
          %dma_wait3A_138 = tpu.memref_slice %arg3[%add3A_127, %dma_wait3A_137] : memref<2500x128xi32, #tpu.memory_space<hbm>> -> memref<1x128xi32, #tpu.memory_space<hbm>>
          %dma_wait3A_139 = tpu.memref_squeeze %dma_wait3A_138 : memref<1x128xi32, #tpu.memory_space<hbm>> -> memref<128xi32, #tpu.memory_space<hbm>>
          %dma_wait3A_140 = arith.constant 0 : i32
          %dma_wait3A_141 = tpu.memref_slice %arg3[%add3A_127, %dma_wait3A_140] : memref<2500x128xi32, #tpu.memory_space<hbm>> -> memref<1x128xi32, #tpu.memory_space<hbm>>
          %dma_wait3A_142 = tpu.memref_squeeze %dma_wait3A_141 : memref<1x128xi32, #tpu.memory_space<hbm>> -> memref<128xi32, #tpu.memory_space<hbm>>
          tpu.wait_dma2 semaphore(%run_scoped3A : memref<!tpu.dma_semaphore, #tpu.memory_space<semaphore_mem>>) src(%dma_wait3A_142 : memref<128xi32, #tpu.memory_space<hbm>>) dst(%arg8 : memref<128xi32, #tpu.memory_space<vmem>>)
          tpu.yield
        }) : () -> ()
        "tpu.region"() ({
          %run_scoped3A = tpu.sem_alloc : memref<!tpu.dma_semaphore, #tpu.memory_space<semaphore_mem>>
          %dma_start3A_131 = arith.constant 0 : i32
          %dma_start3A_132 = tpu.memref_slice %arg4[%add3A_127, %dma_start3A_131] : memref<2500x128xi32, #tpu.memory_space<hbm>> -> memref<1x128xi32, #tpu.memory_space<hbm>>
          %dma_start3A_133 = tpu.memref_squeeze %dma_start3A_132 : memref<1x128xi32, #tpu.memory_space<hbm>> -> memref<128xi32, #tpu.memory_space<hbm>>
          %dma_start3A_134 = arith.constant 0 : i32
          %dma_start3A_135 = tpu.memref_slice %arg4[%add3A_127, %dma_start3A_134] : memref<2500x128xi32, #tpu.memory_space<hbm>> -> memref<1x128xi32, #tpu.memory_space<hbm>>
          %dma_start3A_136 = tpu.memref_squeeze %dma_start3A_135 : memref<1x128xi32, #tpu.memory_space<hbm>> -> memref<128xi32, #tpu.memory_space<hbm>>
          tpu.enqueue_dma source(%dma_start3A_136 : memref<128xi32, #tpu.memory_space<hbm>>) target(%arg11 : memref<128xi32, #tpu.memory_space<vmem>>) target_semaphore(%run_scoped3A : memref<!tpu.dma_semaphore, #tpu.memory_space<semaphore_mem>>)
          %dma_wait3A_137 = arith.constant 0 : i32
          %dma_wait3A_138 = tpu.memref_slice %arg4[%add3A_127, %dma_wait3A_137] : memref<2500x128xi32, #tpu.memory_space<hbm>> -> memref<1x128xi32, #tpu.memory_space<hbm>>
          %dma_wait3A_139 = tpu.memref_squeeze %dma_wait3A_138 : memref<1x128xi32, #tpu.memory_space<hbm>> -> memref<128xi32, #tpu.memory_space<hbm>>
          %dma_wait3A_140 = arith.constant 0 : i32
          %dma_wait3A_141 = tpu.memref_slice %arg4[%add3A_127, %dma_wait3A_140] : memref<2500x128xi32, #tpu.memory_space<hbm>> -> memref<1x128xi32, #tpu.memory_space<hbm>>
          %dma_wait3A_142 = tpu.memref_squeeze %dma_wait3A_141 : memref<1x128xi32, #tpu.memory_space<hbm>> -> memref<128xi32, #tpu.memory_space<hbm>>
          tpu.wait_dma2 semaphore(%run_scoped3A : memref<!tpu.dma_semaphore, #tpu.memory_space<semaphore_mem>>) src(%dma_wait3A_142 : memref<128xi32, #tpu.memory_space<hbm>>) dst(%arg11 : memref<128xi32, #tpu.memory_space<vmem>>)
          tpu.yield
        }) : () -> ()
        %dma_start3A_128 = arith.constant 0 : i32
        %dma_start3A_129 = arith.constant 0 : i32
        %dma_start3A_130 = tpu.memref_slice %arg2[%dma_start3A_128, %dma_start3A_129] : memref<10000x128xf32, #tpu.memory_space<hbm>> -> memref<10000x128xf32, #tpu.memory_space<hbm>>
        tpu.enqueue_indirect_dma source(%dma_start3A_130 : memref<10000x128xf32, #tpu.memory_space<hbm>>) target(%arg14 : memref<128x128xf32, #tpu.memory_space<vmem>>) offsets(%arg8 : memref<128xi32, #tpu.memory_space<vmem>>) semaphore(%arg17 : memref<!tpu.dma_semaphore, #tpu.memory_space<semaphore_mem>>)
      } else {
      }
      %dma_wait3A_65 = arith.constant 0 : i32
      %dma_wait3A_66 = arith.constant 0 : i32
      %dma_wait3A_67 = tpu.memref_slice %arg2[%dma_wait3A_65, %dma_wait3A_66] : memref<10000x128xf32, #tpu.memory_space<hbm>> -> memref<10000x128xf32, #tpu.memory_space<hbm>>
      tpu.wait_indirect_dma semaphore(%arg15 : memref<!tpu.dma_semaphore, #tpu.memory_space<semaphore_mem>>) src(%dma_wait3A_67 : memref<10000x128xf32, #tpu.memory_space<hbm>>) dst(%arg12 : memref<128x128xf32, #tpu.memory_space<vmem>>)
      %dma_start3A_68 = arith.constant 0 : i32
      %dma_start3A_69 = arith.constant 0 : i32
      %dma_start3A_70 = tpu.memref_slice %arg21[%dma_start3A_68, %dma_start3A_69] : memref<10112x128xf32, #tpu.memory_space<vmem_shared>> -> memref<10112x128xf32, #tpu.memory_space<vmem_shared>>
      tpu.enqueue_indirect_dma source(%arg12 : memref<128x128xf32, #tpu.memory_space<vmem>>) target(%dma_start3A_70 : memref<10112x128xf32, #tpu.memory_space<vmem_shared>>) offsets(%arg9 : memref<128xi32, #tpu.memory_space<vmem>>) semaphore(%arg18 : memref<!tpu.dma_semaphore, #tpu.memory_space<semaphore_mem>>) {add = true}
      %mul3A_71 = arith.constant 3 : i32
      %mul3A_72 = arith.muli %mul3A_71, %scan3A_45 : i32
      %add3A_73 = arith.constant 1 : i32
      %add3A_74 = arith.addi %mul3A_72, %add3A_73 : i32
      %add3A_75 = arith.constant 2 : i32
      %add3A_76 = arith.addi %add3A_74, %add3A_75 : i32
      %lt3A_77 = arith.constant 78 : i32
      %lt3A_78 = arith.cmpi slt, %add3A_76, %lt3A_77 : i32
      %ge3A_79 = arith.constant 1 : i32
      %ge3A_80 = arith.cmpi sge, %add3A_74, %ge3A_79 : i32
      %and3A_81 = arith.andi %lt3A_78, %ge3A_80 : i1
      %convert_element_type3A_82 = arith.extui %and3A_81 : i1 to i32
      %cond3A_83 = arith.constant 0 : i32
      %cond3A_84 = arith.cmpi ne, %convert_element_type3A_82, %cond3A_83 : i32
      scf.if %cond3A_84 {
        %dma_wait3A_125 = arith.constant 0 : i32
        %dma_wait3A_126 = arith.constant 0 : i32
        %dma_wait3A_127 = tpu.memref_slice %arg21[%dma_wait3A_125, %dma_wait3A_126] : memref<10112x128xf32, #tpu.memory_space<vmem_shared>> -> memref<10112x128xf32, #tpu.memory_space<vmem_shared>>
        tpu.wait_indirect_dma semaphore(%arg18 : memref<!tpu.dma_semaphore, #tpu.memory_space<semaphore_mem>>) src(%arg12 : memref<128x128xf32, #tpu.memory_space<vmem>>) dst(%dma_wait3A_127 : memref<10112x128xf32, #tpu.memory_space<vmem_shared>>)
      } else {
      }
      %add3A_85 = arith.constant 2 : i32
      %add3A_86 = arith.addi %add3A_74, %add3A_85 : i32
      %lt3A_87 = arith.constant 78 : i32
      %lt3A_88 = arith.cmpi slt, %add3A_86, %lt3A_87 : i32
      %convert_element_type3A_89 = arith.extui %lt3A_88 : i1 to i32
      %cond3A_90 = arith.constant 0 : i32
      %cond3A_91 = arith.cmpi ne, %convert_element_type3A_89, %cond3A_90 : i32
      scf.if %cond3A_91 {
        %add3A_125 = arith.addi %mul3A_2, %add3A_74 : i32
        %add3A_126 = arith.constant 2 : i32
        %add3A_127 = arith.addi %add3A_125, %add3A_126 : i32
        "tpu.region"() ({
          %run_scoped3A = tpu.sem_alloc : memref<!tpu.dma_semaphore, #tpu.memory_space<semaphore_mem>>
          %dma_start3A_131 = arith.constant 0 : i32
          %dma_start3A_132 = tpu.memref_slice %arg3[%add3A_127, %dma_start3A_131] : memref<2500x128xi32, #tpu.memory_space<hbm>> -> memref<1x128xi32, #tpu.memory_space<hbm>>
          %dma_start3A_133 = tpu.memref_squeeze %dma_start3A_132 : memref<1x128xi32, #tpu.memory_space<hbm>> -> memref<128xi32, #tpu.memory_space<hbm>>
          %dma_start3A_134 = arith.constant 0 : i32
          %dma_start3A_135 = tpu.memref_slice %arg3[%add3A_127, %dma_start3A_134] : memref<2500x128xi32, #tpu.memory_space<hbm>> -> memref<1x128xi32, #tpu.memory_space<hbm>>
          %dma_start3A_136 = tpu.memref_squeeze %dma_start3A_135 : memref<1x128xi32, #tpu.memory_space<hbm>> -> memref<128xi32, #tpu.memory_space<hbm>>
          tpu.enqueue_dma source(%dma_start3A_136 : memref<128xi32, #tpu.memory_space<hbm>>) target(%arg6 : memref<128xi32, #tpu.memory_space<vmem>>) target_semaphore(%run_scoped3A : memref<!tpu.dma_semaphore, #tpu.memory_space<semaphore_mem>>)
          %dma_wait3A_137 = arith.constant 0 : i32
          %dma_wait3A_138 = tpu.memref_slice %arg3[%add3A_127, %dma_wait3A_137] : memref<2500x128xi32, #tpu.memory_space<hbm>> -> memref<1x128xi32, #tpu.memory_space<hbm>>
          %dma_wait3A_139 = tpu.memref_squeeze %dma_wait3A_138 : memref<1x128xi32, #tpu.memory_space<hbm>> -> memref<128xi32, #tpu.memory_space<hbm>>
          %dma_wait3A_140 = arith.constant 0 : i32
          %dma_wait3A_141 = tpu.memref_slice %arg3[%add3A_127, %dma_wait3A_140] : memref<2500x128xi32, #tpu.memory_space<hbm>> -> memref<1x128xi32, #tpu.memory_space<hbm>>
          %dma_wait3A_142 = tpu.memref_squeeze %dma_wait3A_141 : memref<1x128xi32, #tpu.memory_space<hbm>> -> memref<128xi32, #tpu.memory_space<hbm>>
          tpu.wait_dma2 semaphore(%run_scoped3A : memref<!tpu.dma_semaphore, #tpu.memory_space<semaphore_mem>>) src(%dma_wait3A_142 : memref<128xi32, #tpu.memory_space<hbm>>) dst(%arg6 : memref<128xi32, #tpu.memory_space<vmem>>)
          tpu.yield
        }) : () -> ()
        "tpu.region"() ({
          %run_scoped3A = tpu.sem_alloc : memref<!tpu.dma_semaphore, #tpu.memory_space<semaphore_mem>>
          %dma_start3A_131 = arith.constant 0 : i32
          %dma_start3A_132 = tpu.memref_slice %arg4[%add3A_127, %dma_start3A_131] : memref<2500x128xi32, #tpu.memory_space<hbm>> -> memref<1x128xi32, #tpu.memory_space<hbm>>
          %dma_start3A_133 = tpu.memref_squeeze %dma_start3A_132 : memref<1x128xi32, #tpu.memory_space<hbm>> -> memref<128xi32, #tpu.memory_space<hbm>>
          %dma_start3A_134 = arith.constant 0 : i32
          %dma_start3A_135 = tpu.memref_slice %arg4[%add3A_127, %dma_start3A_134] : memref<2500x128xi32, #tpu.memory_space<hbm>> -> memref<1x128xi32, #tpu.memory_space<hbm>>
          %dma_start3A_136 = tpu.memref_squeeze %dma_start3A_135 : memref<1x128xi32, #tpu.memory_space<hbm>> -> memref<128xi32, #tpu.memory_space<hbm>>
          tpu.enqueue_dma source(%dma_start3A_136 : memref<128xi32, #tpu.memory_space<hbm>>) target(%arg9 : memref<128xi32, #tpu.memory_space<vmem>>) target_semaphore(%run_scoped3A : memref<!tpu.dma_semaphore, #tpu.memory_space<semaphore_mem>>)
          %dma_wait3A_137 = arith.constant 0 : i32
          %dma_wait3A_138 = tpu.memref_slice %arg4[%add3A_127, %dma_wait3A_137] : memref<2500x128xi32, #tpu.memory_space<hbm>> -> memref<1x128xi32, #tpu.memory_space<hbm>>
          %dma_wait3A_139 = tpu.memref_squeeze %dma_wait3A_138 : memref<1x128xi32, #tpu.memory_space<hbm>> -> memref<128xi32, #tpu.memory_space<hbm>>
          %dma_wait3A_140 = arith.constant 0 : i32
          %dma_wait3A_141 = tpu.memref_slice %arg4[%add3A_127, %dma_wait3A_140] : memref<2500x128xi32, #tpu.memory_space<hbm>> -> memref<1x128xi32, #tpu.memory_space<hbm>>
          %dma_wait3A_142 = tpu.memref_squeeze %dma_wait3A_141 : memref<1x128xi32, #tpu.memory_space<hbm>> -> memref<128xi32, #tpu.memory_space<hbm>>
          tpu.wait_dma2 semaphore(%run_scoped3A : memref<!tpu.dma_semaphore, #tpu.memory_space<semaphore_mem>>) src(%dma_wait3A_142 : memref<128xi32, #tpu.memory_space<hbm>>) dst(%arg9 : memref<128xi32, #tpu.memory_space<vmem>>)
          tpu.yield
        }) : () -> ()
        %dma_start3A_128 = arith.constant 0 : i32
        %dma_start3A_129 = arith.constant 0 : i32
        %dma_start3A_130 = tpu.memref_slice %arg2[%dma_start3A_128, %dma_start3A_129] : memref<10000x128xf32, #tpu.memory_space<hbm>> -> memref<10000x128xf32, #tpu.memory_space<hbm>>
        tpu.enqueue_indirect_dma source(%dma_start3A_130 : memref<10000x128xf32, #tpu.memory_space<hbm>>) target(%arg12 : memref<128x128xf32, #tpu.memory_space<vmem>>) offsets(%arg6 : memref<128xi32, #tpu.memory_space<vmem>>) semaphore(%arg15 : memref<!tpu.dma_semaphore, #tpu.memory_space<semaphore_mem>>)
      } else {
      }
      %dma_wait3A_92 = arith.constant 0 : i32
      %dma_wait3A_93 = arith.constant 0 : i32
      %dma_wait3A_94 = tpu.memref_slice %arg2[%dma_wait3A_92, %dma_wait3A_93] : memref<10000x128xf32, #tpu.memory_space<hbm>> -> memref<10000x128xf32, #tpu.memory_space<hbm>>
      tpu.wait_indirect_dma semaphore(%arg16 : memref<!tpu.dma_semaphore, #tpu.memory_space<semaphore_mem>>) src(%dma_wait3A_94 : memref<10000x128xf32, #tpu.memory_space<hbm>>) dst(%arg13 : memref<128x128xf32, #tpu.memory_space<vmem>>)
      %dma_start3A_95 = arith.constant 0 : i32
      %dma_start3A_96 = arith.constant 0 : i32
      %dma_start3A_97 = tpu.memref_slice %arg21[%dma_start3A_95, %dma_start3A_96] : memref<10112x128xf32, #tpu.memory_space<vmem_shared>> -> memref<10112x128xf32, #tpu.memory_space<vmem_shared>>
      tpu.enqueue_indirect_dma source(%arg13 : memref<128x128xf32, #tpu.memory_space<vmem>>) target(%dma_start3A_97 : memref<10112x128xf32, #tpu.memory_space<vmem_shared>>) offsets(%arg10 : memref<128xi32, #tpu.memory_space<vmem>>) semaphore(%arg19 : memref<!tpu.dma_semaphore, #tpu.memory_space<semaphore_mem>>) {add = true}
      %mul3A_98 = arith.constant 3 : i32
      %mul3A_99 = arith.muli %mul3A_98, %scan3A_45 : i32
      %add3A_100 = arith.constant 2 : i32
      %add3A_101 = arith.addi %mul3A_99, %add3A_100 : i32
      %add3A_102 = arith.constant 2 : i32
      %add3A_103 = arith.addi %add3A_101, %add3A_102 : i32
      %lt3A_104 = arith.constant 78 : i32
      %lt3A_105 = arith.cmpi slt, %add3A_103, %lt3A_104 : i32
      %ge3A_106 = arith.constant 1 : i32
      %ge3A_107 = arith.cmpi sge, %add3A_101, %ge3A_106 : i32
      %and3A_108 = arith.andi %lt3A_105, %ge3A_107 : i1
      %convert_element_type3A_109 = arith.extui %and3A_108 : i1 to i32
      %cond3A_110 = arith.constant 0 : i32
      %cond3A_111 = arith.cmpi ne, %convert_element_type3A_109, %cond3A_110 : i32
      scf.if %cond3A_111 {
        %dma_wait3A_125 = arith.constant 0 : i32
        %dma_wait3A_126 = arith.constant 0 : i32
        %dma_wait3A_127 = tpu.memref_slice %arg21[%dma_wait3A_125, %dma_wait3A_126] : memref<10112x128xf32, #tpu.memory_space<vmem_shared>> -> memref<10112x128xf32, #tpu.memory_space<vmem_shared>>
        tpu.wait_indirect_dma semaphore(%arg19 : memref<!tpu.dma_semaphore, #tpu.memory_space<semaphore_mem>>) src(%arg13 : memref<128x128xf32, #tpu.memory_space<vmem>>) dst(%dma_wait3A_127 : memref<10112x128xf32, #tpu.memory_space<vmem_shared>>)
      } else {
      }
      %add3A_112 = arith.constant 2 : i32
      %add3A_113 = arith.addi %add3A_101, %add3A_112 : i32
      %lt3A_114 = arith.constant 78 : i32
      %lt3A_115 = arith.cmpi slt, %add3A_113, %lt3A_114 : i32
      %convert_element_type3A_116 = arith.extui %lt3A_115 : i1 to i32
      %cond3A_117 = arith.constant 0 : i32
      %cond3A_118 = arith.cmpi ne, %convert_element_type3A_116, %cond3A_117 : i32
      scf.if %cond3A_118 {
        %add3A_125 = arith.addi %mul3A_2, %add3A_101 : i32
        %add3A_126 = arith.constant 2 : i32
        %add3A_127 = arith.addi %add3A_125, %add3A_126 : i32
        "tpu.region"() ({
          %run_scoped3A = tpu.sem_alloc : memref<!tpu.dma_semaphore, #tpu.memory_space<semaphore_mem>>
          %dma_start3A_131 = arith.constant 0 : i32
          %dma_start3A_132 = tpu.memref_slice %arg3[%add3A_127, %dma_start3A_131] : memref<2500x128xi32, #tpu.memory_space<hbm>> -> memref<1x128xi32, #tpu.memory_space<hbm>>
          %dma_start3A_133 = tpu.memref_squeeze %dma_start3A_132 : memref<1x128xi32, #tpu.memory_space<hbm>> -> memref<128xi32, #tpu.memory_space<hbm>>
          %dma_start3A_134 = arith.constant 0 : i32
          %dma_start3A_135 = tpu.memref_slice %arg3[%add3A_127, %dma_start3A_134] : memref<2500x128xi32, #tpu.memory_space<hbm>> -> memref<1x128xi32, #tpu.memory_space<hbm>>
          %dma_start3A_136 = tpu.memref_squeeze %dma_start3A_135 : memref<1x128xi32, #tpu.memory_space<hbm>> -> memref<128xi32, #tpu.memory_space<hbm>>
          tpu.enqueue_dma source(%dma_start3A_136 : memref<128xi32, #tpu.memory_space<hbm>>) target(%arg7 : memref<128xi32, #tpu.memory_space<vmem>>) target_semaphore(%run_scoped3A : memref<!tpu.dma_semaphore, #tpu.memory_space<semaphore_mem>>)
          %dma_wait3A_137 = arith.constant 0 : i32
          %dma_wait3A_138 = tpu.memref_slice %arg3[%add3A_127, %dma_wait3A_137] : memref<2500x128xi32, #tpu.memory_space<hbm>> -> memref<1x128xi32, #tpu.memory_space<hbm>>
          %dma_wait3A_139 = tpu.memref_squeeze %dma_wait3A_138 : memref<1x128xi32, #tpu.memory_space<hbm>> -> memref<128xi32, #tpu.memory_space<hbm>>
          %dma_wait3A_140 = arith.constant 0 : i32
          %dma_wait3A_141 = tpu.memref_slice %arg3[%add3A_127, %dma_wait3A_140] : memref<2500x128xi32, #tpu.memory_space<hbm>> -> memref<1x128xi32, #tpu.memory_space<hbm>>
          %dma_wait3A_142 = tpu.memref_squeeze %dma_wait3A_141 : memref<1x128xi32, #tpu.memory_space<hbm>> -> memref<128xi32, #tpu.memory_space<hbm>>
          tpu.wait_dma2 semaphore(%run_scoped3A : memref<!tpu.dma_semaphore, #tpu.memory_space<semaphore_mem>>) src(%dma_wait3A_142 : memref<128xi32, #tpu.memory_space<hbm>>) dst(%arg7 : memref<128xi32, #tpu.memory_space<vmem>>)
          tpu.yield
        }) : () -> ()
        "tpu.region"() ({
          %run_scoped3A = tpu.sem_alloc : memref<!tpu.dma_semaphore, #tpu.memory_space<semaphore_mem>>
          %dma_start3A_131 = arith.constant 0 : i32
          %dma_start3A_132 = tpu.memref_slice %arg4[%add3A_127, %dma_start3A_131] : memref<2500x128xi32, #tpu.memory_space<hbm>> -> memref<1x128xi32, #tpu.memory_space<hbm>>
          %dma_start3A_133 = tpu.memref_squeeze %dma_start3A_132 : memref<1x128xi32, #tpu.memory_space<hbm>> -> memref<128xi32, #tpu.memory_space<hbm>>
          %dma_start3A_134 = arith.constant 0 : i32
          %dma_start3A_135 = tpu.memref_slice %arg4[%add3A_127, %dma_start3A_134] : memref<2500x128xi32, #tpu.memory_space<hbm>> -> memref<1x128xi32, #tpu.memory_space<hbm>>
          %dma_start3A_136 = tpu.memref_squeeze %dma_start3A_135 : memref<1x128xi32, #tpu.memory_space<hbm>> -> memref<128xi32, #tpu.memory_space<hbm>>
          tpu.enqueue_dma source(%dma_start3A_136 : memref<128xi32, #tpu.memory_space<hbm>>) target(%arg10 : memref<128xi32, #tpu.memory_space<vmem>>) target_semaphore(%run_scoped3A : memref<!tpu.dma_semaphore, #tpu.memory_space<semaphore_mem>>)
          %dma_wait3A_137 = arith.constant 0 : i32
          %dma_wait3A_138 = tpu.memref_slice %arg4[%add3A_127, %dma_wait3A_137] : memref<2500x128xi32, #tpu.memory_space<hbm>> -> memref<1x128xi32, #tpu.memory_space<hbm>>
          %dma_wait3A_139 = tpu.memref_squeeze %dma_wait3A_138 : memref<1x128xi32, #tpu.memory_space<hbm>> -> memref<128xi32, #tpu.memory_space<hbm>>
          %dma_wait3A_140 = arith.constant 0 : i32
          %dma_wait3A_141 = tpu.memref_slice %arg4[%add3A_127, %dma_wait3A_140] : memref<2500x128xi32, #tpu.memory_space<hbm>> -> memref<1x128xi32, #tpu.memory_space<hbm>>
          %dma_wait3A_142 = tpu.memref_squeeze %dma_wait3A_141 : memref<1x128xi32, #tpu.memory_space<hbm>> -> memref<128xi32, #tpu.memory_space<hbm>>
          tpu.wait_dma2 semaphore(%run_scoped3A : memref<!tpu.dma_semaphore, #tpu.memory_space<semaphore_mem>>) src(%dma_wait3A_142 : memref<128xi32, #tpu.memory_space<hbm>>) dst(%arg10 : memref<128xi32, #tpu.memory_space<vmem>>)
          tpu.yield
        }) : () -> ()
        %dma_start3A_128 = arith.constant 0 : i32
        %dma_start3A_129 = arith.constant 0 : i32
        %dma_start3A_130 = tpu.memref_slice %arg2[%dma_start3A_128, %dma_start3A_129] : memref<10000x128xf32, #tpu.memory_space<hbm>> -> memref<10000x128xf32, #tpu.memory_space<hbm>>
        tpu.enqueue_indirect_dma source(%dma_start3A_130 : memref<10000x128xf32, #tpu.memory_space<hbm>>) target(%arg13 : memref<128x128xf32, #tpu.memory_space<vmem>>) offsets(%arg7 : memref<128xi32, #tpu.memory_space<vmem>>) semaphore(%arg16 : memref<!tpu.dma_semaphore, #tpu.memory_space<semaphore_mem>>)
      } else {
      }
      %dma_wait3A_119 = arith.constant 0 : i32
      %dma_wait3A_120 = arith.constant 0 : i32
      %dma_wait3A_121 = tpu.memref_slice %arg2[%dma_wait3A_119, %dma_wait3A_120] : memref<10000x128xf32, #tpu.memory_space<hbm>> -> memref<10000x128xf32, #tpu.memory_space<hbm>>
      tpu.wait_indirect_dma semaphore(%arg17 : memref<!tpu.dma_semaphore, #tpu.memory_space<semaphore_mem>>) src(%dma_wait3A_121 : memref<10000x128xf32, #tpu.memory_space<hbm>>) dst(%arg14 : memref<128x128xf32, #tpu.memory_space<vmem>>)
      %dma_start3A_122 = arith.constant 0 : i32
      %dma_start3A_123 = arith.constant 0 : i32
      %dma_start3A_124 = tpu.memref_slice %arg21[%dma_start3A_122, %dma_start3A_123] : memref<10112x128xf32, #tpu.memory_space<vmem_shared>> -> memref<10112x128xf32, #tpu.memory_space<vmem_shared>>
      tpu.enqueue_indirect_dma source(%arg14 : memref<128x128xf32, #tpu.memory_space<vmem>>) target(%dma_start3A_124 : memref<10112x128xf32, #tpu.memory_space<vmem_shared>>) offsets(%arg11 : memref<128xi32, #tpu.memory_space<vmem>>) semaphore(%arg20 : memref<!tpu.dma_semaphore, #tpu.memory_space<semaphore_mem>>) {add = true}
    }
    %scan3A_33 = arith.constant 26 : i32
    %dma_wait3A = arith.constant 0 : i32
    %dma_wait3A_34 = arith.constant 0 : i32
    %dma_wait3A_35 = tpu.memref_slice %arg21[%dma_wait3A, %dma_wait3A_34] : memref<10112x128xf32, #tpu.memory_space<vmem_shared>> -> memref<10112x128xf32, #tpu.memory_space<vmem_shared>>
    tpu.wait_indirect_dma semaphore(%arg18 : memref<!tpu.dma_semaphore, #tpu.memory_space<semaphore_mem>>) src(%arg12 : memref<128x128xf32, #tpu.memory_space<vmem>>) dst(%dma_wait3A_35 : memref<10112x128xf32, #tpu.memory_space<vmem_shared>>)
    %dma_wait3A_36 = arith.constant 0 : i32
    %dma_wait3A_37 = arith.constant 0 : i32
    %dma_wait3A_38 = tpu.memref_slice %arg21[%dma_wait3A_36, %dma_wait3A_37] : memref<10112x128xf32, #tpu.memory_space<vmem_shared>> -> memref<10112x128xf32, #tpu.memory_space<vmem_shared>>
    tpu.wait_indirect_dma semaphore(%arg19 : memref<!tpu.dma_semaphore, #tpu.memory_space<semaphore_mem>>) src(%arg13 : memref<128x128xf32, #tpu.memory_space<vmem>>) dst(%dma_wait3A_38 : memref<10112x128xf32, #tpu.memory_space<vmem_shared>>)
    %dma_wait3A_39 = arith.constant 0 : i32
    %dma_wait3A_40 = arith.constant 0 : i32
    %dma_wait3A_41 = tpu.memref_slice %arg21[%dma_wait3A_39, %dma_wait3A_40] : memref<10112x128xf32, #tpu.memory_space<vmem_shared>> -> memref<10112x128xf32, #tpu.memory_space<vmem_shared>>
    tpu.wait_indirect_dma semaphore(%arg20 : memref<!tpu.dma_semaphore, #tpu.memory_space<semaphore_mem>>) src(%arg14 : memref<128x128xf32, #tpu.memory_space<vmem>>) dst(%dma_wait3A_41 : memref<10112x128xf32, #tpu.memory_space<vmem_shared>>)
    %lt3A = arith.constant 4 : i32
    %lt3A_42 = arith.cmpi slt, %add3A, %lt3A : i32
    %convert_element_type3A = arith.extui %lt3A_42 : i1 to i32
    %cond3A = arith.constant 0 : i32
    %cond3A_43 = arith.cmpi ne, %convert_element_type3A, %cond3A : i32
    scf.if %cond3A_43 {
      %add3A_45 = arith.constant 2496 : i32
      %add3A_46 = arith.addi %add3A_45, %add3A : i32
      "tpu.region"() ({
        %run_scoped3A = tpu.sem_alloc : memref<!tpu.dma_semaphore, #tpu.memory_space<semaphore_mem>>
        %dma_start3A_59 = arith.constant 0 : i32
        %dma_start3A_60 = tpu.memref_slice %arg3[%add3A_46, %dma_start3A_59] : memref<2500x128xi32, #tpu.memory_space<hbm>> -> memref<1x128xi32, #tpu.memory_space<hbm>>
        %dma_start3A_61 = tpu.memref_squeeze %dma_start3A_60 : memref<1x128xi32, #tpu.memory_space<hbm>> -> memref<128xi32, #tpu.memory_space<hbm>>
        %dma_start3A_62 = arith.constant 0 : i32
        %dma_start3A_63 = tpu.memref_slice %arg3[%add3A_46, %dma_start3A_62] : memref<2500x128xi32, #tpu.memory_space<hbm>> -> memref<1x128xi32, #tpu.memory_space<hbm>>
        %dma_start3A_64 = tpu.memref_squeeze %dma_start3A_63 : memref<1x128xi32, #tpu.memory_space<hbm>> -> memref<128xi32, #tpu.memory_space<hbm>>
        tpu.enqueue_dma source(%dma_start3A_64 : memref<128xi32, #tpu.memory_space<hbm>>) target(%arg6 : memref<128xi32, #tpu.memory_space<vmem>>) target_semaphore(%run_scoped3A : memref<!tpu.dma_semaphore, #tpu.memory_space<semaphore_mem>>)
        %dma_wait3A_65 = arith.constant 0 : i32
        %dma_wait3A_66 = tpu.memref_slice %arg3[%add3A_46, %dma_wait3A_65] : memref<2500x128xi32, #tpu.memory_space<hbm>> -> memref<1x128xi32, #tpu.memory_space<hbm>>
        %dma_wait3A_67 = tpu.memref_squeeze %dma_wait3A_66 : memref<1x128xi32, #tpu.memory_space<hbm>> -> memref<128xi32, #tpu.memory_space<hbm>>
        %dma_wait3A_68 = arith.constant 0 : i32
        %dma_wait3A_69 = tpu.memref_slice %arg3[%add3A_46, %dma_wait3A_68] : memref<2500x128xi32, #tpu.memory_space<hbm>> -> memref<1x128xi32, #tpu.memory_space<hbm>>
        %dma_wait3A_70 = tpu.memref_squeeze %dma_wait3A_69 : memref<1x128xi32, #tpu.memory_space<hbm>> -> memref<128xi32, #tpu.memory_space<hbm>>
        tpu.wait_dma2 semaphore(%run_scoped3A : memref<!tpu.dma_semaphore, #tpu.memory_space<semaphore_mem>>) src(%dma_wait3A_70 : memref<128xi32, #tpu.memory_space<hbm>>) dst(%arg6 : memref<128xi32, #tpu.memory_space<vmem>>)
        tpu.yield
      }) : () -> ()
      "tpu.region"() ({
        %run_scoped3A = tpu.sem_alloc : memref<!tpu.dma_semaphore, #tpu.memory_space<semaphore_mem>>
        %dma_start3A_59 = arith.constant 0 : i32
        %dma_start3A_60 = tpu.memref_slice %arg4[%add3A_46, %dma_start3A_59] : memref<2500x128xi32, #tpu.memory_space<hbm>> -> memref<1x128xi32, #tpu.memory_space<hbm>>
        %dma_start3A_61 = tpu.memref_squeeze %dma_start3A_60 : memref<1x128xi32, #tpu.memory_space<hbm>> -> memref<128xi32, #tpu.memory_space<hbm>>
        %dma_start3A_62 = arith.constant 0 : i32
        %dma_start3A_63 = tpu.memref_slice %arg4[%add3A_46, %dma_start3A_62] : memref<2500x128xi32, #tpu.memory_space<hbm>> -> memref<1x128xi32, #tpu.memory_space<hbm>>
        %dma_start3A_64 = tpu.memref_squeeze %dma_start3A_63 : memref<1x128xi32, #tpu.memory_space<hbm>> -> memref<128xi32, #tpu.memory_space<hbm>>
        tpu.enqueue_dma source(%dma_start3A_64 : memref<128xi32, #tpu.memory_space<hbm>>) target(%arg9 : memref<128xi32, #tpu.memory_space<vmem>>) target_semaphore(%run_scoped3A : memref<!tpu.dma_semaphore, #tpu.memory_space<semaphore_mem>>)
        %dma_wait3A_65 = arith.constant 0 : i32
        %dma_wait3A_66 = tpu.memref_slice %arg4[%add3A_46, %dma_wait3A_65] : memref<2500x128xi32, #tpu.memory_space<hbm>> -> memref<1x128xi32, #tpu.memory_space<hbm>>
        %dma_wait3A_67 = tpu.memref_squeeze %dma_wait3A_66 : memref<1x128xi32, #tpu.memory_space<hbm>> -> memref<128xi32, #tpu.memory_space<hbm>>
        %dma_wait3A_68 = arith.constant 0 : i32
        %dma_wait3A_69 = tpu.memref_slice %arg4[%add3A_46, %dma_wait3A_68] : memref<2500x128xi32, #tpu.memory_space<hbm>> -> memref<1x128xi32, #tpu.memory_space<hbm>>
        %dma_wait3A_70 = tpu.memref_squeeze %dma_wait3A_69 : memref<1x128xi32, #tpu.memory_space<hbm>> -> memref<128xi32, #tpu.memory_space<hbm>>
        tpu.wait_dma2 semaphore(%run_scoped3A : memref<!tpu.dma_semaphore, #tpu.memory_space<semaphore_mem>>) src(%dma_wait3A_70 : memref<128xi32, #tpu.memory_space<hbm>>) dst(%arg9 : memref<128xi32, #tpu.memory_space<vmem>>)
        tpu.yield
      }) : () -> ()
      %dma_start3A_47 = arith.constant 0 : i32
      %dma_start3A_48 = arith.constant 0 : i32
      %dma_start3A_49 = tpu.memref_slice %arg2[%dma_start3A_47, %dma_start3A_48] : memref<10000x128xf32, #tpu.memory_space<hbm>> -> memref<10000x128xf32, #tpu.memory_space<hbm>>
      tpu.enqueue_indirect_dma source(%dma_start3A_49 : memref<10000x128xf32, #tpu.memory_space<hbm>>) target(%arg12 : memref<128x128xf32, #tpu.memory_space<vmem>>) offsets(%arg6 : memref<128xi32, #tpu.memory_space<vmem>>) semaphore(%arg15 : memref<!tpu.dma_semaphore, #tpu.memory_space<semaphore_mem>>)
      %dma_wait3A_50 = arith.constant 0 : i32
      %dma_wait3A_51 = arith.constant 0 : i32
      %dma_wait3A_52 = tpu.memref_slice %arg2[%dma_wait3A_50, %dma_wait3A_51] : memref<10000x128xf32, #tpu.memory_space<hbm>> -> memref<10000x128xf32, #tpu.memory_space<hbm>>
      tpu.wait_indirect_dma semaphore(%arg15 : memref<!tpu.dma_semaphore, #tpu.memory_space<semaphore_mem>>) src(%dma_wait3A_52 : memref<10000x128xf32, #tpu.memory_space<hbm>>) dst(%arg12 : memref<128x128xf32, #tpu.memory_space<vmem>>)
      %dma_start3A_53 = arith.constant 0 : i32
      %dma_start3A_54 = arith.constant 0 : i32
      %dma_start3A_55 = tpu.memref_slice %arg21[%dma_start3A_53, %dma_start3A_54] : memref<10112x128xf32, #tpu.memory_space<vmem_shared>> -> memref<10112x128xf32, #tpu.memory_space<vmem_shared>>
      tpu.enqueue_indirect_dma source(%arg12 : memref<128x128xf32, #tpu.memory_space<vmem>>) target(%dma_start3A_55 : memref<10112x128xf32, #tpu.memory_space<vmem_shared>>) offsets(%arg9 : memref<128xi32, #tpu.memory_space<vmem>>) semaphore(%arg18 : memref<!tpu.dma_semaphore, #tpu.memory_space<semaphore_mem>>) {add = true}
      %dma_wait3A_56 = arith.constant 0 : i32
      %dma_wait3A_57 = arith.constant 0 : i32
      %dma_wait3A_58 = tpu.memref_slice %arg21[%dma_wait3A_56, %dma_wait3A_57] : memref<10112x128xf32, #tpu.memory_space<vmem_shared>> -> memref<10112x128xf32, #tpu.memory_space<vmem_shared>>
      tpu.wait_indirect_dma semaphore(%arg18 : memref<!tpu.dma_semaphore, #tpu.memory_space<semaphore_mem>>) src(%arg12 : memref<128x128xf32, #tpu.memory_space<vmem>>) dst(%dma_wait3A_58 : memref<10112x128xf32, #tpu.memory_space<vmem_shared>>)
    } else {
    }
    %barrier3A_44 = arith.constant 0 : index
    tpu.barrier barrier_id(%barrier3A_44)
    "tpu.region"() ({
      %run_scoped3A = tpu.sem_alloc : memref<!tpu.dma_semaphore, #tpu.memory_space<semaphore_mem>>
      %dma_start3A_45 = arith.constant 0 : i32
      %dma_start3A_46 = tpu.memref_slice %arg5[%arg0, %mul3A_10, %dma_start3A_45] : memref<2x10112x128xf32, #tpu.memory_space<hbm>> -> memref<1x632x128xf32, #tpu.memory_space<hbm>>
      %dma_start3A_47 = tpu.memref_squeeze %dma_start3A_46 : memref<1x632x128xf32, #tpu.memory_space<hbm>> -> memref<632x128xf32, #tpu.memory_space<hbm>>
      %dma_start3A_48 = arith.constant 0 : i32
      %dma_start3A_49 = tpu.memref_slice %arg21[%mul3A_10, %dma_start3A_48] : memref<10112x128xf32, #tpu.memory_space<vmem_shared>> -> memref<632x128xf32, #tpu.memory_space<vmem_shared>>
      tpu.enqueue_dma source(%dma_start3A_49 : memref<632x128xf32, #tpu.memory_space<vmem_shared>>) target(%dma_start3A_47 : memref<632x128xf32, #tpu.memory_space<hbm>>) target_semaphore(%run_scoped3A : memref<!tpu.dma_semaphore, #tpu.memory_space<semaphore_mem>>)
      %dma_wait3A_50 = arith.constant 0 : i32
      %dma_wait3A_51 = tpu.memref_slice %arg5[%arg0, %mul3A_10, %dma_wait3A_50] : memref<2x10112x128xf32, #tpu.memory_space<hbm>> -> memref<1x632x128xf32, #tpu.memory_space<hbm>>
      %dma_wait3A_52 = tpu.memref_squeeze %dma_wait3A_51 : memref<1x632x128xf32, #tpu.memory_space<hbm>> -> memref<632x128xf32, #tpu.memory_space<hbm>>
      %dma_wait3A_53 = arith.constant 0 : i32
      %dma_wait3A_54 = tpu.memref_slice %arg21[%mul3A_10, %dma_wait3A_53] : memref<10112x128xf32, #tpu.memory_space<vmem_shared>> -> memref<632x128xf32, #tpu.memory_space<vmem_shared>>
      tpu.wait_dma2 semaphore(%run_scoped3A : memref<!tpu.dma_semaphore, #tpu.memory_space<semaphore_mem>>) src(%dma_wait3A_54 : memref<632x128xf32, #tpu.memory_space<vmem_shared>>) dst(%dma_wait3A_52 : memref<632x128xf32, #tpu.memory_space<hbm>>)
      tpu.yield
    }) : () -> ()
    return
  }
}

module attributes {stable_mosaic.version = 14 : i64} {
  func.func @_tc1_body(%arg0: i32, %arg1: memref<2000x128xf32, #tpu.memory_space<vmem>>, %arg2: memref<128x128xf32, #tpu.memory_space<vmem>>, %arg3: memref<2x2000x16xf32, #tpu.memory_space<vmem>>, %arg4: memref<2000x128xf32, #tpu.memory_space<vmem>>, %arg5: memref<2000x1xf32, #tpu.memory_space<vmem>>) attributes {dimension_semantics = [#tpu.dimension_semantics<arbitrary>], iteration_bounds = array<i64: 5>, scalar_prefetch = 0 : i64, scratch_operands = 0 : i64, tpu.core_type = #tpu.core_type<tc>, window_params = [{transform_indices = @transform_0, window_bounds = array<i64: 2000, 128>}, {pipeline_mode = #tpu.pipeline_mode<synchronous>, transform_indices = @transform_1, window_bounds = array<i64: 128, 128>}, {transform_indices = @transform_2, window_bounds = array<i64: 2, 2000, 16>}, {transform_indices = @transform_3, window_bounds = array<i64: 2000, 128>}, {transform_indices = @transform_4, window_bounds = array<i64: 2000, 1>}]} {
    %get3A = arith.constant 0 : index
    %get3A_0 = arith.constant 0 : index
    %get3A_1 = arith.constant 0 : index
    %get3A_2 = vector.load %arg3[%get3A, %get3A_0, %get3A_1] : memref<2x2000x16xf32, #tpu.memory_space<vmem>>, vector<1x2000x1xf32>
    %get3A_3 = vector.shape_cast %get3A_2 : vector<1x2000x1xf32> to vector<2000x1xf32>
    %get3A_4 = arith.constant 1 : index
    %get3A_5 = arith.constant 0 : index
    %get3A_6 = arith.constant 0 : index
    %get3A_7 = vector.load %arg3[%get3A_4, %get3A_5, %get3A_6] : memref<2x2000x16xf32, #tpu.memory_space<vmem>>, vector<1x2000x1xf32>
    %get3A_8 = vector.shape_cast %get3A_7 : vector<1x2000x1xf32> to vector<2000x1xf32>
    %add3A = arith.addf %get3A_3, %get3A_8 : vector<2000x1xf32>
    %add3A_9 = arith.constant 1.000000e+00 : f32
    %add3A_10 = vector.broadcast %add3A_9 : f32 to vector<2000x1xf32>
    %add3A_11 = arith.addf %add3A, %add3A_10 : vector<2000x1xf32>
    %rsqrt3A = math.rsqrt %add3A_11 : vector<2000x1xf32>
    %get3A_12 = arith.constant 0 : index
    %get3A_13 = arith.constant 0 : index
    %get3A_14 = vector.load %arg1[%get3A_12, %get3A_13] : memref<2000x128xf32, #tpu.memory_space<vmem>>, vector<2000x128xf32>
    %get3A_15 = arith.constant 0 : index
    %get3A_16 = arith.constant 0 : index
    %get3A_17 = vector.load %arg2[%get3A_15, %get3A_16] : memref<128x128xf32, #tpu.memory_space<vmem>>, vector<128x128xf32>
    %dot_general3A = arith.constant dense<0.000000e+00> : vector<2000x128xf32>
    %dot_general3A_18 = tpu.matmul %get3A_14, %get3A_17, %dot_general3A {dimension_numbers = #tpu.dot_dimension_numbers<[1], [0], [0], [1], [0, 0, 1, 1], [], []>, transpose_lhs_hint = false} : vector<2000x128xf32>, vector<128x128xf32>, vector<2000x128xf32> -> vector<2000x128xf32>
    %mul3A = vector.broadcast %rsqrt3A : vector<2000x1xf32> to vector<2000x128xf32>
    %mul3A_19 = arith.mulf %dot_general3A_18, %mul3A : vector<2000x128xf32>
    %swap3A = arith.constant 0 : index
    %swap3A_20 = arith.constant 0 : index
    %swap3A_21 = vector.load %arg4[%swap3A, %swap3A_20] : memref<2000x128xf32, #tpu.memory_space<vmem>>, vector<2000x128xf32>
    tpu.vector_store %arg4[%swap3A, %swap3A_20], %mul3A_19 {strides = array<i32>} : memref<2000x128xf32, #tpu.memory_space<vmem>>, vector<2000x128xf32>,
    %swap3A_22 = arith.constant 0 : index
    %swap3A_23 = arith.constant 0 : index
    %swap3A_24 = vector.load %arg5[%swap3A_22, %swap3A_23] : memref<2000x1xf32, #tpu.memory_space<vmem>>, vector<2000x1xf32>
    tpu.vector_store %arg5[%swap3A_22, %swap3A_23], %rsqrt3A {strides = array<i32>} : memref<2000x1xf32, #tpu.memory_space<vmem>>, vector<2000x1xf32>,
    return
  }
  func.func @transform_0(%arg0: i32) -> (i32, i32) {
    %c0_i32 = arith.constant 0 : i32
    %c0_i32_0 = arith.constant 0 : i32
    return %arg0, %c0_i32 : i32, i32
  }
  func.func @transform_1(%arg0: i32) -> (i32, i32) {
    %c0_i32 = arith.constant 0 : i32
    %c0_i32_0 = arith.constant 0 : i32
    %c0_i32_1 = arith.constant 0 : i32
    return %c0_i32, %c0_i32_0 : i32, i32
  }
  func.func @transform_2(%arg0: i32) -> (i32, i32, i32) {
    %c0_i32 = arith.constant 0 : i32
    %c0_i32_0 = arith.constant 0 : i32
    %c0_i32_1 = arith.constant 0 : i32
    return %c0_i32, %arg0, %c0_i32_0 : i32, i32, i32
  }
  func.func @transform_3(%arg0: i32) -> (i32, i32) {
    %c0_i32 = arith.constant 0 : i32
    %c0_i32_0 = arith.constant 0 : i32
    return %arg0, %c0_i32 : i32, i32
  }
  func.func @transform_4(%arg0: i32) -> (i32, i32) {
    %c0_i32 = arith.constant 0 : i32
    %c0_i32_0 = arith.constant 0 : i32
    return %arg0, %c0_i32 : i32, i32
  }
}

module attributes {stable_mosaic.version = 14 : i64} {
  func.func @_tc2_body(%arg0: i32, %arg1: memref<2x2000x128xf32, #tpu.memory_space<vmem>>, %arg2: memref<2000x128xf32, #tpu.memory_space<vmem>>, %arg3: memref<2000x1xf32, #tpu.memory_space<vmem>>, %arg4: memref<1x128xf32, #tpu.memory_space<vmem>>, %arg5: memref<128x128xf32, #tpu.memory_space<vmem>>, %arg6: memref<2000x128xf32, #tpu.memory_space<vmem>>) attributes {dimension_semantics = [#tpu.dimension_semantics<arbitrary>], iteration_bounds = array<i64: 5>, scalar_prefetch = 0 : i64, scratch_operands = 0 : i64, tpu.core_type = #tpu.core_type<tc>, window_params = [{transform_indices = @transform_0, window_bounds = array<i64: 2, 2000, 128>}, {transform_indices = @transform_1, window_bounds = array<i64: 2000, 128>}, {transform_indices = @transform_2, window_bounds = array<i64: 2000, 1>}, {pipeline_mode = #tpu.pipeline_mode<synchronous>, transform_indices = @transform_3, window_bounds = array<i64: 1, 128>}, {pipeline_mode = #tpu.pipeline_mode<synchronous>, transform_indices = @transform_4, window_bounds = array<i64: 128, 128>}, {transform_indices = @transform_5, window_bounds = array<i64: 2000, 128>}]} {
    %get3A = arith.constant 0 : index
    %get3A_0 = arith.constant 0 : index
    %get3A_1 = vector.load %arg3[%get3A, %get3A_0] : memref<2000x1xf32, #tpu.memory_space<vmem>>, vector<2000x1xf32>
    %get3A_2 = arith.constant 0 : index
    %get3A_3 = arith.constant 0 : index
    %get3A_4 = arith.constant 0 : index
    %get3A_5 = vector.load %arg1[%get3A_2, %get3A_3, %get3A_4] : memref<2x2000x128xf32, #tpu.memory_space<vmem>>, vector<1x2000x128xf32>
    %get3A_6 = vector.shape_cast %get3A_5 : vector<1x2000x128xf32> to vector<2000x128xf32>
    %get3A_7 = arith.constant 1 : index
    %get3A_8 = arith.constant 0 : index
    %get3A_9 = arith.constant 0 : index
    %get3A_10 = vector.load %arg1[%get3A_7, %get3A_8, %get3A_9] : memref<2x2000x128xf32, #tpu.memory_space<vmem>>, vector<1x2000x128xf32>
    %get3A_11 = vector.shape_cast %get3A_10 : vector<1x2000x128xf32> to vector<2000x128xf32>
    %add3A = arith.addf %get3A_6, %get3A_11 : vector<2000x128xf32>
    %get3A_12 = arith.constant 0 : index
    %get3A_13 = arith.constant 0 : index
    %get3A_14 = vector.load %arg2[%get3A_12, %get3A_13] : memref<2000x128xf32, #tpu.memory_space<vmem>>, vector<2000x128xf32>
    %add3A_15 = arith.addf %add3A, %get3A_14 : vector<2000x128xf32>
    %mul3A = vector.broadcast %get3A_1 : vector<2000x1xf32> to vector<2000x128xf32>
    %mul3A_16 = arith.mulf %mul3A, %add3A_15 : vector<2000x128xf32>
    %get3A_17 = arith.constant 0 : index
    %get3A_18 = arith.constant 0 : index
    %get3A_19 = vector.load %arg4[%get3A_17, %get3A_18] : memref<1x128xf32, #tpu.memory_space<vmem>>, vector<1x128xf32>
    %add3A_20 = vector.broadcast %get3A_19 : vector<1x128xf32> to vector<2000x128xf32>
    %add3A_21 = arith.addf %mul3A_16, %add3A_20 : vector<2000x128xf32>
    %max3A = arith.constant 0.000000e+00 : f32
    %max3A_22 = vector.broadcast %max3A : f32 to vector<2000x128xf32>
    %max3A_23 = arith.maximumf %add3A_21, %max3A_22 : vector<2000x128xf32>
    %get3A_24 = arith.constant 0 : index
    %get3A_25 = arith.constant 0 : index
    %get3A_26 = vector.load %arg5[%get3A_24, %get3A_25] : memref<128x128xf32, #tpu.memory_space<vmem>>, vector<128x128xf32>
    %dot_general3A = arith.constant dense<0.000000e+00> : vector<2000x128xf32>
    %dot_general3A_27 = tpu.matmul %max3A_23, %get3A_26, %dot_general3A {dimension_numbers = #tpu.dot_dimension_numbers<[1], [0], [0], [1], [0, 0, 1, 1], [], []>, transpose_lhs_hint = false} : vector<2000x128xf32>, vector<128x128xf32>, vector<2000x128xf32> -> vector<2000x128xf32>
    %mul3A_28 = vector.broadcast %get3A_1 : vector<2000x1xf32> to vector<2000x128xf32>
    %mul3A_29 = arith.mulf %dot_general3A_27, %mul3A_28 : vector<2000x128xf32>
    %swap3A = arith.constant 0 : index
    %swap3A_30 = arith.constant 0 : index
    %swap3A_31 = vector.load %arg6[%swap3A, %swap3A_30] : memref<2000x128xf32, #tpu.memory_space<vmem>>, vector<2000x128xf32>
    tpu.vector_store %arg6[%swap3A, %swap3A_30], %mul3A_29 {strides = array<i32>} : memref<2000x128xf32, #tpu.memory_space<vmem>>, vector<2000x128xf32>,
    return
  }
  func.func @transform_0(%arg0: i32) -> (i32, i32, i32) {
    %c0_i32 = arith.constant 0 : i32
    %c0_i32_0 = arith.constant 0 : i32
    %c0_i32_1 = arith.constant 0 : i32
    return %c0_i32, %arg0, %c0_i32_0 : i32, i32, i32
  }
  func.func @transform_1(%arg0: i32) -> (i32, i32) {
    %c0_i32 = arith.constant 0 : i32
    %c0_i32_0 = arith.constant 0 : i32
    return %arg0, %c0_i32 : i32, i32
  }
  func.func @transform_2(%arg0: i32) -> (i32, i32) {
    %c0_i32 = arith.constant 0 : i32
    %c0_i32_0 = arith.constant 0 : i32
    return %arg0, %c0_i32 : i32, i32
  }
  func.func @transform_3(%arg0: i32) -> (i32, i32) {
    %c0_i32 = arith.constant 0 : i32
    %c0_i32_0 = arith.constant 0 : i32
    %c0_i32_1 = arith.constant 0 : i32
    return %c0_i32, %c0_i32_0 : i32, i32
  }
  func.func @transform_4(%arg0: i32) -> (i32, i32) {
    %c0_i32 = arith.constant 0 : i32
    %c0_i32_0 = arith.constant 0 : i32
    %c0_i32_1 = arith.constant 0 : i32
    return %c0_i32, %c0_i32_0 : i32, i32
  }
  func.func @transform_5(%arg0: i32) -> (i32, i32) {
    %c0_i32 = arith.constant 0 : i32
    %c0_i32_0 = arith.constant 0 : i32
    return %arg0, %c0_i32 : i32, i32
  }
}

module attributes {stable_mosaic.version = 14 : i64} {
  func.func @_tc3_body(%arg0: i32, %arg1: memref<2x2000x128xf32, #tpu.memory_space<vmem>>, %arg2: memref<2000x128xf32, #tpu.memory_space<vmem>>, %arg3: memref<2000x1xf32, #tpu.memory_space<vmem>>, %arg4: memref<1x128xf32, #tpu.memory_space<vmem>>, %arg5: memref<128x128xf32, #tpu.memory_space<vmem>>, %arg6: memref<1x128xf32, #tpu.memory_space<vmem>>, %arg7: memref<2000x128xf32, #tpu.memory_space<vmem>>) attributes {dimension_semantics = [#tpu.dimension_semantics<arbitrary>], iteration_bounds = array<i64: 5>, scalar_prefetch = 0 : i64, scratch_operands = 0 : i64, tpu.core_type = #tpu.core_type<tc>, window_params = [{transform_indices = @transform_0, window_bounds = array<i64: 2, 2000, 128>}, {transform_indices = @transform_1, window_bounds = array<i64: 2000, 128>}, {transform_indices = @transform_2, window_bounds = array<i64: 2000, 1>}, {pipeline_mode = #tpu.pipeline_mode<synchronous>, transform_indices = @transform_3, window_bounds = array<i64: 1, 128>}, {pipeline_mode = #tpu.pipeline_mode<synchronous>, transform_indices = @transform_4, window_bounds = array<i64: 128, 128>}, {pipeline_mode = #tpu.pipeline_mode<synchronous>, transform_indices = @transform_5, window_bounds = array<i64: 1, 128>}, {transform_indices = @transform_6, window_bounds = array<i64: 2000, 128>}]} {
    %get3A = arith.constant 0 : index
    %get3A_0 = arith.constant 0 : index
    %get3A_1 = vector.load %arg3[%get3A, %get3A_0] : memref<2000x1xf32, #tpu.memory_space<vmem>>, vector<2000x1xf32>
    %get3A_2 = arith.constant 0 : index
    %get3A_3 = arith.constant 0 : index
    %get3A_4 = arith.constant 0 : index
    %get3A_5 = vector.load %arg1[%get3A_2, %get3A_3, %get3A_4] : memref<2x2000x128xf32, #tpu.memory_space<vmem>>, vector<1x2000x128xf32>
    %get3A_6 = vector.shape_cast %get3A_5 : vector<1x2000x128xf32> to vector<2000x128xf32>
    %get3A_7 = arith.constant 1 : index
    %get3A_8 = arith.constant 0 : index
    %get3A_9 = arith.constant 0 : index
    %get3A_10 = vector.load %arg1[%get3A_7, %get3A_8, %get3A_9] : memref<2x2000x128xf32, #tpu.memory_space<vmem>>, vector<1x2000x128xf32>
    %get3A_11 = vector.shape_cast %get3A_10 : vector<1x2000x128xf32> to vector<2000x128xf32>
    %add3A = arith.addf %get3A_6, %get3A_11 : vector<2000x128xf32>
    %get3A_12 = arith.constant 0 : index
    %get3A_13 = arith.constant 0 : index
    %get3A_14 = vector.load %arg2[%get3A_12, %get3A_13] : memref<2000x128xf32, #tpu.memory_space<vmem>>, vector<2000x128xf32>
    %add3A_15 = arith.addf %add3A, %get3A_14 : vector<2000x128xf32>
    %mul3A = vector.broadcast %get3A_1 : vector<2000x1xf32> to vector<2000x128xf32>
    %mul3A_16 = arith.mulf %mul3A, %add3A_15 : vector<2000x128xf32>
    %get3A_17 = arith.constant 0 : index
    %get3A_18 = arith.constant 0 : index
    %get3A_19 = vector.load %arg4[%get3A_17, %get3A_18] : memref<1x128xf32, #tpu.memory_space<vmem>>, vector<1x128xf32>
    %add3A_20 = vector.broadcast %get3A_19 : vector<1x128xf32> to vector<2000x128xf32>
    %add3A_21 = arith.addf %mul3A_16, %add3A_20 : vector<2000x128xf32>
    %max3A = arith.constant 0.000000e+00 : f32
    %max3A_22 = vector.broadcast %max3A : f32 to vector<2000x128xf32>
    %max3A_23 = arith.maximumf %add3A_21, %max3A_22 : vector<2000x128xf32>
    %get3A_24 = arith.constant 0 : index
    %get3A_25 = arith.constant 0 : index
    %get3A_26 = vector.load %arg5[%get3A_24, %get3A_25] : memref<128x128xf32, #tpu.memory_space<vmem>>, vector<128x128xf32>
    %dot_general3A = arith.constant dense<0.000000e+00> : vector<2000x128xf32>
    %dot_general3A_27 = tpu.matmul %max3A_23, %get3A_26, %dot_general3A {dimension_numbers = #tpu.dot_dimension_numbers<[1], [0], [0], [1], [0, 0, 1, 1], [], []>, transpose_lhs_hint = false} : vector<2000x128xf32>, vector<128x128xf32>, vector<2000x128xf32> -> vector<2000x128xf32>
    %get3A_28 = arith.constant 0 : index
    %get3A_29 = arith.constant 0 : index
    %get3A_30 = vector.load %arg6[%get3A_28, %get3A_29] : memref<1x128xf32, #tpu.memory_space<vmem>>, vector<1x128xf32>
    %add3A_31 = vector.broadcast %get3A_30 : vector<1x128xf32> to vector<2000x128xf32>
    %add3A_32 = arith.addf %dot_general3A_27, %add3A_31 : vector<2000x128xf32>
    %reduce_max3A = arith.constant dense<0xFF800000> : vector<2000xf32>
    %reduce_max3A_33 = vector.multi_reduction <maximumf>, %add3A_32, %reduce_max3A [1] : vector<2000x128xf32> to vector<2000xf32>
    %broadcast_in_dim3A = vector.shape_cast %reduce_max3A_33 : vector<2000xf32> to vector<2000x1xf32>
    %sub3A = vector.broadcast %broadcast_in_dim3A : vector<2000x1xf32> to vector<2000x128xf32>
    %sub3A_34 = arith.subf %add3A_32, %sub3A : vector<2000x128xf32>
    %exp3A = math.exp %sub3A_34 : vector<2000x128xf32>
    %reduce_sum3A = arith.constant dense<0.000000e+00> : vector<2000xf32>
    %reduce_sum3A_35 = vector.multi_reduction <add>, %exp3A, %reduce_sum3A [1] : vector<2000x128xf32> to vector<2000xf32>
    %broadcast_in_dim3A_36 = vector.shape_cast %reduce_sum3A_35 : vector<2000xf32> to vector<2000x1xf32>
    %log3A = math.log %broadcast_in_dim3A_36 : vector<2000x1xf32>
    %add3A_37 = arith.addf %log3A, %broadcast_in_dim3A : vector<2000x1xf32>
    %sub3A_38 = vector.broadcast %add3A_37 : vector<2000x1xf32> to vector<2000x128xf32>
    %sub3A_39 = arith.subf %add3A_32, %sub3A_38 : vector<2000x128xf32>
    %swap3A = arith.constant 0 : index
    %swap3A_40 = arith.constant 0 : index
    %swap3A_41 = vector.load %arg7[%swap3A, %swap3A_40] : memref<2000x128xf32, #tpu.memory_space<vmem>>, vector<2000x128xf32>
    tpu.vector_store %arg7[%swap3A, %swap3A_40], %sub3A_39 {strides = array<i32>} : memref<2000x128xf32, #tpu.memory_space<vmem>>, vector<2000x128xf32>,
    return
  }
  func.func @transform_0(%arg0: i32) -> (i32, i32, i32) {
    %c0_i32 = arith.constant 0 : i32
    %c0_i32_0 = arith.constant 0 : i32
    %c0_i32_1 = arith.constant 0 : i32
    return %c0_i32, %arg0, %c0_i32_0 : i32, i32, i32
  }
  func.func @transform_1(%arg0: i32) -> (i32, i32) {
    %c0_i32 = arith.constant 0 : i32
    %c0_i32_0 = arith.constant 0 : i32
    return %arg0, %c0_i32 : i32, i32
  }
  func.func @transform_2(%arg0: i32) -> (i32, i32) {
    %c0_i32 = arith.constant 0 : i32
    %c0_i32_0 = arith.constant 0 : i32
    return %arg0, %c0_i32 : i32, i32
  }
  func.func @transform_3(%arg0: i32) -> (i32, i32) {
    %c0_i32 = arith.constant 0 : i32
    %c0_i32_0 = arith.constant 0 : i32
    %c0_i32_1 = arith.constant 0 : i32
    return %c0_i32, %c0_i32_0 : i32, i32
  }
  func.func @transform_4(%arg0: i32) -> (i32, i32) {
    %c0_i32 = arith.constant 0 : i32
    %c0_i32_0 = arith.constant 0 : i32
    %c0_i32_1 = arith.constant 0 : i32
    return %c0_i32, %c0_i32_0 : i32, i32
  }
  func.func @transform_5(%arg0: i32) -> (i32, i32) {
    %c0_i32 = arith.constant 0 : i32
    %c0_i32_0 = arith.constant 0 : i32
    %c0_i32_1 = arith.constant 0 : i32
    return %c0_i32, %c0_i32_0 : i32, i32
  }
  func.func @transform_6(%arg0: i32) -> (i32, i32) {
    %c0_i32 = arith.constant 0 : i32
    %c0_i32_0 = arith.constant 0 : i32
    return %arg0, %c0_i32 : i32, i32
  }
}

</mosaic_0001>

<sc_bundles>
// kernel: kernel.11.cloned.1.call-start
scs
__scs_entry_jumppad:
0x0: {  	(pc) =	sbr.rel $0x88, $3  }
0x1: {  	(tag) =	ssettag $0x0;
	lr =	simm.s32 $0x1  }
0x2: {  	[smem:$0x3F99] =	sst lr;
	_ =	strace $0xD0000000  }
0x3: {  	_ = 	snop  }
0x4: {  	_ = 	snop  }
0x5: {  	_ = 	snop  }
0x6: {  	_ = 	snop  }
0x7: {  	_ = 	snop  }
__scs_overlays_trampoline_lowered:
0x8: {  	[smem:$0x3FA8] =	sst s0  }
0x9: {  	[smem:$0x3FA9] =	sst s1  }
0xa: {  	[smem:$0x3FAA] =	sst s2  }
0xb: {  	[smem:$0x3FAB] =	sst s3  }
0xc: {  	[smem:$0x3FAC] =	sst s4  }
0xd: {  	[smem:$0x3FAD] =	sst s5  }
0xe: {  	[smem:$0x3FAE] =	sst s6  }
0xf: {  	[smem:$0x3FAF] =	sst s7  }
0x10: {  	[smem:$0x3FB0] =	sst s8  }
0x11: {  	[smem:$0x3FB1] =	sst s9;
	s0 =	simm.s32 @!p0 $0x0  }
0x12: {  	s1 =	sld [smem:$0x3F97];
	s0 =	simm.s32 @p0 $0x1  }
0x13: {  	[smem:$0x3FB2] =	sst s0;
	s0 =	simm.s32 @!p1 $0x0  }
0x14: {  	s2 =	sld [smem:$0x3F96];
	s0 =	simm.s32 @p1 $0x1  }
0x15: {  	[smem:$0x3FB3] =	sst s0;
	s0 =	simm.s32 @!p2 $0x0  }
0x16: {  	s3 =	sld [smem:$0x3FDB];
	s0 =	simm.s32 @p2 $0x1  }
0x17: {  	s4 =	simm.s32 $0x1BF5;
	[smem:$0x3FB5] =	sst s0  }
0x18: {  	s0 =	sld [smem:$0x3F98];
	_ =	swait.ge [sflag:s4], $0x0  }
0x19: {  	s7 =	sld [smem:$0x3F99]  }
0x1a: {  	s8 =	sadd.s32 $0xFFFFE003, lr  }
0x1b: {  	s9 =	sadd.s32 $0xFFFFFEF7, lr;
	s5 =	simm.s32 $0xFFFFFFFF;
	p2 =	slt.u32 s8, $0xFFFFF086  }
0x1c: {  	p1 =	slt.u32 s9, $0xF7A;
	s5 =	simm.s32 @!p2 $0x0  }
0x1d: {  	s5 =	simm.s32 @p1 $0x1;
	p0 =	seq.s32 s7, s2  }
0x1e: {  	s7 =	smul.u32 @!p0 $0xF7A, s2;
	p2 =	seq.s32 @!p0 s5, $0x0  }
0x1f: {  	s9 =	smul.u32 $0xF7A, s1;
	s8 =	simm.s32 @!p0 $0x1BF5;
	p2 =	por !p2, p0  }
0x20: {  	[sflag:s8] =	ssyncset.s32 @!p0 $0xFFFFF086;
	s6 =	sadd.s32 @!p0 s3, s7;
	s7 =	simm.s32 @!p0 $0x108  }
0x21: {  	s3 =	sadd.s32 s3, s9;
	s6 =	sadd.s32 @!p0 $0x88, s6;
	s7 =	simm.s32 @p2 $0x1082  }
0x22: {  	[simem:s7], [sflag:s8] =	dma.local @!p0 [hbm:s6], $0xF7A  }
0x23: {  	s9 =	sor.u32 $0xD0000000, s2;
	s6 =	simm.s32 $0x108;
	_ =	swait.ge @!p0 [sflag:s8], $0x0  }
0x24: {  	s3 =	sadd.s32 $0x88, s3;
	s6 =	simm.s32 @!p1 $0x1082;
	[sflag:s4] =	ssyncset.s32 $0xFFFFF086  }
0x25: {  	[simem:s6], [sflag:s4] =	dma.local [hbm:s3], $0xF7A  }
0x26: {  	[smem:$0x3F99] =	sst s1;
	(tag) =	ssettag s2;
	_ =	strace s9  }
0x27: {  	s1 =	sld [smem:$0x3FA9]  }
0x28: {  	s2 =	sld [smem:$0x3FAA]  }
0x29: {  	s4 =	sld [smem:$0x3FAC]  }
0x2a: {  	p0 =	seq.s32 s5, $0x0;
	s5 =	sld [smem:$0x3FAD]  }
0x2b: {  	s6 =	sld [smem:$0x3FAE]  }
0x2c: {  	s7 =	sld [smem:$0x3FAF]  }
0x2d: {  	s3 =	simm.s32 $0x108;
	s8 =	sld [smem:$0x3FB0]  }
0x2e: {  	s3 =	simm.s32 @!p0 $0x1082;
	s9 =	sld [smem:$0x3FB1]  }
0x2f: {  	lr =	sadd.s32 s0, s3;
	s0 =	sld [smem:$0x3FA8]  }
0x30: {  	s3 =	sld [smem:$0x3FAB]  }
0x31: {  	[smem:$0x3FB4] =	sst s10  }
0x32: {  	s10 =	sld [smem:$0x3FB2];
	_ =	sdelay $0x3  }
0x33: {  	p0 =	seq.s32 s10, $0x1;
	s10 =	sld [smem:$0x3FB4];
	_ =	sdelay $0x3  }
0x34: {  	[smem:$0x3FB4] =	sst s10  }
0x35: {  	s10 =	sld [smem:$0x3FB3];
	_ =	sdelay $0x3  }
0x36: {  	p1 =	seq.s32 s10, $0x1;
	s10 =	sld [smem:$0x3FB4];
	_ =	sdelay $0x3  }
0x37: {  	[smem:$0x3FB4] =	sst s10  }
0x38: {  	s10 =	sld [smem:$0x3FB5]  }
0x39: {  	_ = 	snop;
	(pc) =	sbr.ind lr, $3  }
0x3a: {  	_ = 	snop  }
0x3b: {  	_ = 	snop  }
0x3c: {  	p2 =	seq.s32 s10, $0x1;
	s10 =	sld [smem:$0x3FB4]  }
0x3d: {  	_ =	shalt  }
0x3e: {  	_ =	shalt  }
0x3f: {  	_ =	shalt  }
0x40: {  	_ =	shalt  }
0x41: {  	_ =	shalt  }
0x42: {  	_ =	shalt  }
0x43: {  	_ =	shalt  }
0x44: {  	_ =	shalt  }
0x45: {  	_ =	shalt  }
0x46: {  	_ =	shalt  }
0x47: {  	_ =	shalt  }
0x48: {  	_ =	shalt  }
0x49: {  	_ =	shalt  }
0x4a: {  	_ =	shalt  }
0x4b: {  	_ =	shalt  }
0x4c: {  	_ =	shalt  }
0x4d: {  	_ =	shalt  }
0x4e: {  	_ =	shalt  }
0x4f: {  	_ =	shalt  }
0x50: {  	_ =	shalt  }
0x51: {  	_ =	shalt  }
0x52: {  	_ =	shalt  }
0x53: {  	_ =	shalt  }
0x54: {  	_ =	shalt  }
0x55: {  	_ =	shalt  }
0x56: {  	_ =	shalt  }
0x57: {  	_ =	shalt  }
0x58: {  	_ =	shalt  }
0x59: {  	_ =	shalt  }
0x5a: {  	_ =	shalt  }
0x5b: {  	_ =	shalt  }
0x5c: {  	_ =	shalt  }
0x5d: {  	_ =	shalt  }
0x5e: {  	_ =	shalt  }
0x5f: {  	_ =	shalt  }
0x60: {  	_ =	shalt  }
0x61: {  	_ =	shalt  }
0x62: {  	_ =	shalt  }
0x63: {  	_ =	shalt  }
0x64: {  	_ =	shalt  }
0x65: {  	_ =	shalt  }
0x66: {  	_ =	shalt  }
0x67: {  	_ =	shalt  }
0x68: {  	_ =	shalt  }
0x69: {  	_ =	shalt  }
0x6a: {  	_ =	shalt  }
0x6b: {  	_ =	shalt  }
0x6c: {  	_ =	shalt  }
0x6d: {  	_ =	shalt  }
0x6e: {  	_ =	shalt  }
0x6f: {  	_ =	shalt  }
0x70: {  	_ =	shalt  }
0x71: {  	_ =	shalt  }
0x72: {  	_ =	shalt  }
0x73: {  	_ =	shalt  }
0x74: {  	_ =	shalt  }
0x75: {  	_ =	shalt  }
0x76: {  	_ =	shalt  }
0x77: {  	_ =	shalt  }
0x78: {  	_ =	shalt  }
0x79: {  	_ =	shalt  }
0x7a: {  	_ =	shalt  }
0x7b: {  	_ =	shalt  }
0x7c: {  	_ =	shalt  }
0x7d: {  	_ =	shalt  }
0x7e: {  	_ =	shalt  }
0x7f: {  	_ =	shalt  }
0x80: {  	_ =	shalt  }
0x81: {  	_ =	shalt  }
0x82: {  	_ =	shalt  }
0x83: {  	_ =	shalt  }
0x84: {  	_ =	shalt  }
0x85: {  	_ =	shalt  }
0x86: {  	_ =	shalt  }
0x87: {  	_ =	shalt  }
.Lfunc_end0:
.L_simem_size_0:
called_computation.1_lowered:
.L_overlay_start_0:
0x88: {  	s2 =	sld [smem:$0x3FD9]  }
0x89: {  	s3 =	sld [smem:$0x3FFE];
	_ =	sdelay $0x1  }
0x8a: {  	s1 =	srdreg.scid  }
0x8b: {  	s0 =	sand.u32 $0x1, s1  }
0x8c: {  	s17 =	sshll.u32 s0, $0xA;
	s2 =	sadd.s32 s3, s2  }
0x8d: {  	s2 =	sadd.s32 s2, s17  }
0x8e: {  	[smem:$0x3FC0] =	sst s2  }
0x8f: {  	_ = 	snop  }
0x90: {  	s2 =	sld [smem:$0x3FD0];
	(tm) =	ssettm $0x1  }
0x91: {  	s18 =	sld [smem:$0x3FFB];
	_ =	sdelay $0x3  }
0x92: {  	_ =	strace s18  }
0x93: {  	s3 =	sld [smem:$0x3FFC];
	_ =	sdelay $0x3  }
0x94: {  	_ =	strace s3  }
0x95: {  	s3 =	sld [smem:$0x3FFD];
	_ =	sdelay $0x3  }
0x96: {  	_ =	strace s3  }
0x97: {  	_ =	strace $0x8FFFFFFF  }
0x98: {  	s19 =	sld [smem:$0x3FDB];
	_ =	sdelay $0x1  }
0x99: {  	s4 =	simm.s32 $_scs_section_size  }
0x9a: {  	s5 =	simm.s32 $_size__tile_overlayer_lowered;
	s6 =	simm.s32 $_tile_overlayer_lowered  }
0x9b: {  	s22 =	simm.s32 $0x1BFF;
	s21 =	sshll.u32 s6, $0x1;
	s3 =	sadd.s32 s4, s19  }
0x9c: {  	s7 =	simm.s32 $0x0;
	s20 =	sshll.u32 s5, $0x1;
	s5 =	sadd.s32 s21, s3  }
0x9d: {  	[timem:s7], [sflag:s22] =	dma.local [hbm:s5], s20  }
0x9e: {  	_ =	swait.ge [sflag:s22], s20  }
0x9f: {  	s4 =	ssub.s32 $0x0, s20;
	[sflag:s22] =	ssyncset.done $0x0  }
0xa0: {  	[sflag:s22] =	ssyncadd.s32 s4;
	_ =	sdelay $0x1  }
0xa1: {  	s23 =	simm.s32 $0x1B8B  }
0xa2: {  	_ =	swait.ge [sflag:s23], $0x1  }
0xa3: {  	[sflag:s23] =	ssyncset.done $0x0  }
0xa4: {  	s25 =	simm.s32 $0x1B8E;
	s24 =	sld [smem:$0x3FFE];
	[sflag:s23] =	ssyncadd.s32 $0xFFFFFFFF  }
0xa5: {  	s26 =	simm.s32 $execute0_lowered;
	[smem:$0x3FD2] =	sst s25  }
0xa6: {  	s5 =	sshll.u32 s26, $0x1;
	_ =	strace $0x80000049;
	[dreg:$0x1] =	wrdreg $0xFFFFFFFF  }
0xa7: {  	s28 =	simm.s32 $_size_execute0_lowered;
	s3 =	sadd.s32 s3, s5;
	[dreg:$0x0] =	wrdreg $0x0  }
0xa8: {  	s5 =	sshll.u32 s28, $0x1;
	[dreg:$0x2] =	wrdreg s3  }
0xa9: {  	[dreg:$0x3] =	wrdreg s5  }
0xaa: {  	[dreg:$0x4] =	wrdreg $0xC0  }
0xab: {  	_ =	task [dreg:s7], $0x5FFFF  }
0xac: {  	[dreg:$0x1] =	wrdreg $0xFFFFFFFF  }
0xad: {  	[dreg:$0x0] =	wrdreg $0x60  }
0xae: {  	[dreg:$0x2] =	wrdreg s24  }
0xaf: {  	[dreg:$0x3] =	wrdreg s2  }
0xb0: {  	[dreg:$0x4] =	wrdreg $0xC3000  }
0xb1: {  	[dreg:$0x5] =	wrdreg $0x9  }
0xb2: {  	_ =	task.clear_ibuf [dreg:s7], $0x6FFFF;
	_ =	strace $0x90000049  }
0xb3: {  	s29 =	simm.s32 $0x9;
	_ =	strace $0x8000004B  }
0xb4: {  	_ =	swait.ge [sflag:s29], $0x1  }
0xb5: {  	[sflag:s29] =	ssyncadd.s32 $0xFFFFFFFF  }
0xb6: {  	_ =	strace $0x9000004B  }
0xb7: {  	_ =	sfence  }
0xb8: {  	s30 =	sld [smem:$0x0];
	_ =	sdelay $0x2  }
0xb9: {  	s31 =	sshll.u32 s1, $0xD;
	s1 =	sshrl.u32 s1, $0x2  }
0xba: {  	s3 =	sand.u32 $0x4000, s31;
	s1 =	sadd.s32 s1, s30  }
0xbb: {  	s0 =	sor.u32 s3, s0;
	s1 =	sshll.u32 s1, $0x11  }
0xbc: {  	s0 =	sor.u32 s1, s0  }
0xbd: {  	s0 =	sadd.s32 $0x8F2B, s0  }
0xbe: {  	[sflag:s0] =	ssyncadd.remote.s32 $0x1  }
0xbf: {  	_ =	sfence.sel $0xFFFF  }
0xc0: {  	[dreg:$0x0] =	wrdreg $0xFFFFFFFF;
	(pc) =	sbr.abs _section_cstart, $3  }
0xc1: {  	[dreg:$0x1] =	wrdreg $0xFFFFFFFF  }
0xc2: {  	_ =	task.clear_ibuf [dreg:s7], $0x2FFFF;
	_ =	strace $0x9FFFFFFF  }
0xc3: {  	(tm) =	ssettm $0x7FFFFFFF  }
tec
execute0_lowered:
.L_overlay_start_1:
0x0: {  	(tag) =	ssettag $0x1  }
0x1: {  	s0 =	rddreg [dreg:$0x0]  }
0x2: {  	s3 =	rddreg [dreg:$0x1]  }
0x3: {  	s1 =	rddreg [dreg:$0x2]  }
0x4: {  	s2 =	simm.s32 $0x0;
	s4 =	srdreg.scid;
	s17 =	stileid.u32  }
0x5: {  	s28 =	simm.s32 $0x280;
	s29 =	simm.s32 $0x8300;
	s30 =	simm.s32 $0x1  }
0x6: {  	s31 =	simm.s32 $0x3;
	[smem:$0x7FF] =	sst s2;
	s7 =	smul.u32 $0x13C00, s17  }
0x7: {  	s6 =	sand.u32 $0x1, s4;
	s4 =	sadd.s32 $0xC000, s0;
	s9 =	smul.u32 $0x4F000, s17  }
0x8: {  	s18 =	sadd.s32 $0x2200, s0;
	_ =	strace $0x8000004A;
	s5 =	smul.u32 $0x13C000, s6  }
0x9: {  	s8 =	sshll.u32 s6, $0x4;
	s26 =	ssub.s32 $0x2, s6;
	s6 =	smul.u32 $0x4E00, s6  }
0xa: {  	s8 =	sor.u32 s17, s8;
	s11 =	sshrl.u32 s26, $0x1;
	s5 =	sadd.s32 s7, s5  }
0xb: {  	s9 =	sshrl.u32 s9, $0x2;
	s10 =	smul.u32 $0x2700, s8;
	s5 =	sshrl.u32 s5, $0x3  }
0xc: {  	s12 =	smul.u32 $0x300, s8;
	s0 =	sadd.s32 s5, s0;
	s5 =	sadd.s32 s9, s1  }
0xd: {  	s7 =	ssub.s32 s26, s11;
	s26 =	smul.u32 $0x4E0, s17;
	s13 =	sadd.s32 $0x4000, s5  }
0xe: {  	s10 =	sand.u32 $0x7FC00, s10;
	s14 =	sadd.s32 $0x8000, s5;
	[dreg:$0x4] =	wrdreg s13  }
0xf: {  	s12 =	sand.u32 $0x300, s12;
	s15 =	sadd.s32 $0xC000, s5;
	[dreg:$0x5] =	wrdreg s14  }
0x10: {  	s10 =	sor.u32 s12, s10;
	s16 =	sadd.s32 $0x10000, s5;
	[dreg:$0x6] =	wrdreg s15  }
0x11: {  	p0 =	sgt.u32 s8, $0x3;
	[dreg:$0x7] =	wrdreg s16;
	s19 =	sshrl.u32 s10, $0x3  }
0x12: {  	s14 =	sshll.u32 s17, $0x4;
	s16 =	sadd.s32 $0x33200, s0;
	s17 =	smax.u32 s7, $0x1  }
0x13: {  	s0 =	simm.s32 $0x4;
	s20 =	sadd.s32 s3, s19;
	s13 =	sor.u32 $0x10, s19  }
0x14: {  	s21 =	sadd.s32 s18, s19;
	s15 =	sor.u32 $0x9C00, s14;
	[dreg:$0x8] =	wrdreg s20  }
0x15: {  	[dreg:$0x9] =	wrdreg s21;
	s22 =	sadd.s32 s3, s13;
	s23 =	sadd.s32 s18, s13  }
0x16: {  	s24 =	sadd.s32 s3, s15;
	s25 =	sadd.s32 s18, s15;
	[dreg:$0xa] =	wrdreg s22  }
0x17: {  	s3 =	sadd.s32 s6, s3;
	s6 =	sadd.s32 s6, s18;
	[dreg:$0xb] =	wrdreg s23  }
0x18: {  	s20 =	simm.s32 $0x300;
	s21 =	simm.s32 $0x7;
	[dreg:$0xc] =	wrdreg s24  }
0x19: {  	[dreg:$0xd] =	wrdreg s25;
	s18 =	sadd.s32 s26, s3;
	s19 =	sadd.s32 s26, s6  }
0x1a: {  	s22 =	simm.s32 $0x180;
	s23 =	simm.s32 $0x80;
	s26 =	simm.s32 $0x100  }
0x1b: {  	v0 =	vimm.f32 $0.0e+00;
	s24 =	simm.s32 $0x5;
	s25 =	simm.s32 $0x6;
	s3 =	simm.s32 $0x0  }
.LBB2_1:
0x1c: {  	s6 =	simm.s32 $0x0;
	s7 =	simm.s32 $0x200  }
.LBB2_2:
0x1d: {  	p1 =	sne.s32 s7, $0xFE00;
	[tilespmem:s6+$0x370] =	vst v0  }
0x1e: {  	[tilespmem:s6+$0x300] =	vst v0  }
0x1f: {  	[tilespmem:s6+$0x310] =	vst v0  }
.Ltmp0:
0x20: {  	[tilespmem:s6+$0x320] =	vst v0;
	(pc) =	sbr.rel @p1 .LBB2_2-.Ltmp0, $4  }
0x21: {  	[tilespmem:s6+$0x330] =	vst v0  }
0x22: {  	[tilespmem:s6+$0x340] =	vst v0  }
0x23: {  	[tilespmem:s6+$0x350] =	vst v0  }
0x24: {  	[tilespmem:s6+$0x360] =	vst v0;
	s6 =	sshra.s32 s7, $0x2;
	s7 =	sadd.s32 $0x200, s7  }
0x25: {  	[tilespmem:s6+$0x370] =	vst v0  }
0x26: {  	[tilespmem:s6+$0x300] =	vst v0  }
0x27: {  	[tilespmem:s6+$0x310] =	vst v0  }
0x28: {  	[tilespmem:s6+$0x320] =	vst v0  }
0x29: {  	[tilespmem:s6+$0x330] =	vst v0  }
0x2a: {  	[tilespmem:s6+$0x340] =	vst v0  }
0x2b: {  	[tilespmem:s6+$0x350] =	vst v0  }
0x2c: {  	[tilespmem:s6+$0x360] =	vst v0  }
0x2d: {  	[spmem:s5] =	stream.linear.scatter [tilespmem:s20], [sflag:$0x7], $0x4000, $0x38;
	[tilespmem:$0x1FF00] =	vst v63  }
0x2e: {  	_ =	swait.ge [sflag:s21], $0x4000  }
0x2f: {  	[sflag:s21] =	ssyncset.done $0x0  }
0x30: {  	s14 =	rddreg [dreg:$0x4];
	[sflag:s21] =	ssyncadd.s32 $0xFFFFC000  }
0x31: {  	[spmem:s14] =	stream.linear.scatter [tilespmem:s20], [sflag:$0x7], $0x4000, $0x38;
	[tilespmem:$0x1FF00] =	vst v63  }
0x32: {  	_ =	swait.ge [sflag:s21], $0x4000  }
0x33: {  	[sflag:s21] =	ssyncset.done $0x0  }
0x34: {  	s15 =	rddreg [dreg:$0x5];
	[sflag:s21] =	ssyncadd.s32 $0xFFFFC000  }
0x35: {  	[spmem:s15] =	stream.linear.scatter [tilespmem:s20], [sflag:$0x7], $0x4000, $0x38;
	[tilespmem:$0x1FF00] =	vst v63  }
0x36: {  	_ =	swait.ge [sflag:s21], $0x4000  }
0x37: {  	[sflag:s21] =	ssyncset.done $0x0  }
0x38: {  	s7 =	rddreg [dreg:$0x6];
	[sflag:s21] =	ssyncadd.s32 $0xFFFFC000  }
0x39: {  	[spmem:s7] =	stream.linear.scatter [tilespmem:s20], [sflag:$0x7], $0x4000, $0x38;
	[tilespmem:$0x1FF00] =	vst v63  }
0x3a: {  	_ =	swait.ge [sflag:s21], $0x4000  }
0x3b: {  	[sflag:s21] =	ssyncset.done $0x0  }
0x3c: {  	s8 =	rddreg [dreg:$0x7];
	[sflag:s21] =	ssyncadd.s32 $0xFFFFC000  }
0x3d: {  	[spmem:s8] =	stream.linear.scatter [tilespmem:s20], [sflag:$0x7], $0x3C00, $0x38;
	[tilespmem:$0x1FF00] =	vst v63  }
0x3e: {  	_ =	swait.ge [sflag:s21], $0x3C00  }
0x3f: {  	[sflag:s21] =	ssyncset.done $0x0  }
0x40: {  	[sflag:s21] =	ssyncadd.s32 $0xFFFFC400  }
0x41: {  	[bflag:$0x0] =	sbarrier.arrive $0xFFFF  }
0x42: {  	s9 =	simm.s32 $0x0;
	s7 =	rddreg [dreg:$0x8]  }
0x43: {  	[tilespmem:s9], [sflag:$0x7] =	stream.linear.gather [hbm4b:s7+s9], $0x80, $0x38;
	[tilespmem:$0x1FF00] =	vst v63  }
0x44: {  	_ =	swait.ge [sflag:s21], $0x80  }
0x45: {  	[sflag:s21] =	ssyncset.done $0x0  }
0x46: {  	s10 =	rddreg [dreg:$0x9];
	[sflag:s21] =	ssyncadd.s32 $0xFFFFFF80  }
0x47: {  	[tilespmem:s22], [sflag:$0x7] =	stream.linear.gather [hbm4b:s10+s9], $0x80, $0x38;
	[tilespmem:$0x1FF00] =	vst v63  }
0x48: {  	_ =	swait.ge [sflag:s21], $0x80  }
0x49: {  	[sflag:s21] =	ssyncset.done $0x0  }
0x4a: {  	[sflag:s21] =	ssyncadd.s32 $0xFFFFFF80  }
0x4b: {  	[tilespmem:s20], [sflag:$0x1] =	stream.indirect.gather [hbm4b:s4+s23], $0x80, s9, s23, $0xb8;
	[tilespmem:$0x1FF00] =	vst v63  }
0x4c: {  	s11 =	rddreg [dreg:$0xa]  }
0x4d: {  	[tilespmem:s23], [sflag:$0x7] =	stream.linear.gather [hbm4b:s11+s9], $0x80, $0x38;
	[tilespmem:$0x1FF00] =	vst v63  }
0x4e: {  	_ =	swait.ge [sflag:s21], $0x80  }
0x4f: {  	[sflag:s21] =	ssyncset.done $0x0  }
0x50: {  	s8 =	simm.s32 $0x200;
	s12 =	rddreg [dreg:$0xb];
	[sflag:s21] =	ssyncadd.s32 $0xFFFFFF80  }
0x51: {  	[tilespmem:s8], [sflag:$0x7] =	stream.linear.gather [hbm4b:s12+s9], $0x80, $0x38;
	[tilespmem:$0x1FF00] =	vst v63  }
0x52: {  	_ =	swait.ge [sflag:s21], $0x80  }
0x53: {  	p1 =	por $0x1, $0x1;
	[sflag:s21] =	ssyncset.done $0x0  }
0x54: {  	s13 =	simm.s32 $0x4300;
	s6 =	simm.s32 @!p1 $0x6;
	[sflag:s21] =	ssyncadd.s32 $0xFFFFFF80  }
0x55: {  	[tilespmem:s13], [sflag:$0x2] =	stream.indirect.gather [hbm4b:s4+s23], $0x80, s23, s23, $0xb8;
	[tilespmem:$0x1FF00] =	vst v63  }
0x56: {  	_ =	swait.ge @!p1 [sflag:s6], $0x4000  }
0x57: {  	s14 =	sadd.s32 $0x0, s18;
	[sflag:s6] =	ssyncset.done @!p1 $0x0  }
0x58: {  	s7 =	sadd.s32 $0x20, s14;
	[sflag:s6] =	ssyncadd.s32 @!p1 $0xFFFFC000  }
0x59: {  	[tilespmem:s26], [sflag:$0x7] =	stream.linear.gather [hbm4b:s7+s2], $0x80, $0x38;
	[tilespmem:$0x1FF00] =	vst v63  }
0x5a: {  	_ =	swait.ge [sflag:s21], $0x80  }
0x5b: {  	s15 =	sadd.s32 $0x0, s19;
	[sflag:s21] =	ssyncset.done $0x0  }
0x5c: {  	s6 =	sadd.s32 $0x20, s15;
	[sflag:s21] =	ssyncadd.s32 $0xFFFFFF80  }
0x5d: {  	[tilespmem:s28], [sflag:$0x7] =	stream.linear.gather [hbm4b:s6+s2], $0x80, $0x38;
	[tilespmem:$0x1FF00] =	vst v63  }
0x5e: {  	_ =	swait.ge [sflag:s21], $0x80  }
0x5f: {  	[sflag:s21] =	ssyncset.done $0x0  }
0x60: {  	[sflag:s21] =	ssyncadd.s32 $0xFFFFFF80  }
0x61: {  	[tilespmem:s29], [sflag:$0x3] =	stream.indirect.gather [hbm4b:s4+s23], $0x80, s26, s23, $0xb8;
	[tilespmem:$0x1FF00] =	vst v63  }
0x62: {  	_ =	swait.ge [sflag:s30], $0x4000  }
0x63: {  	p1 =	por $0x0, $0x0;
	[sflag:s30] =	ssyncset.done $0x0  }
0x64: {  	s6 =	simm.s32 @p1 $0x2;
	[sflag:s30] =	ssyncadd.s32 $0xFFFFC000  }
0x65: {  	[spmem:s1] =	stream.indirect.scatter.add.f32 [tilespmem:s20], [sflag:$0x4], $0x80, s22, s23, $0xb8;
	[tilespmem:$0x1FF00] =	vst v63  }
0x66: {  	_ =	swait.ge @p1 [sflag:s6], $0x4000  }
0x67: {  	s7 =	simm.s32 @p1 $0x4300;
	s8 =	simm.s32 @p1 $0x80;
	[sflag:s6] =	ssyncset.done @p1 $0x0  }
0x68: {  	s9 =	simm.s32 @p1 $0x200;
	[sflag:s6] =	ssyncadd.s32 @p1 $0xFFFFC000;
	s6 =	simm.s32 @!p1 $0x4  }
0x69: {  	[spmem:s1] =	stream.indirect.scatter.add.f32 @p1 [tilespmem:s7], [sflag:$0x5], $0x80, s9, s8, $0xb8;
	[tilespmem:$0x1FF00] =	vst v63  }
0x6a: {  	_ =	swait.ge @!p1 [sflag:s6], $0x4000  }
0x6b: {  	s7 =	sadd.s32 @!p1 $0x0, s18;
	s9 =	simm.s32 @!p1 $0x0;
	[sflag:s6] =	ssyncset.done @!p1 $0x0  }
0x6c: {  	s8 =	sadd.s32 @!p1 $0x30, s7;
	[sflag:s6] =	ssyncadd.s32 @!p1 $0xFFFFC000;
	s6 =	simm.s32 @!p1 $0x7  }
0x6d: {  	[tilespmem:s9], [sflag:$0x7] =	stream.linear.gather @!p1 [hbm4b:s8+s9], $0x80, $0x38;
	[tilespmem:$0x1FF00] =	vst v63  }
0x6e: {  	_ =	swait.ge @!p1 [sflag:s6], $0x80  }
0x6f: {  	s8 =	sadd.s32 @!p1 $0x0, s19;
	[sflag:s6] =	ssyncset.done @!p1 $0x0  }
0x70: {  	s11 =	simm.s32 @!p1 $0x180;
	s10 =	sadd.s32 @!p1 $0x30, s8;
	[sflag:s6] =	ssyncadd.s32 @!p1 $0xFFFFFF80  }
0x71: {  	[tilespmem:s11], [sflag:$0x7] =	stream.linear.gather @!p1 [hbm4b:s10+s9], $0x80, $0x38;
	[tilespmem:$0x1FF00] =	vst v63  }
0x72: {  	_ =	swait.ge @!p1 [sflag:s6], $0x80  }
0x73: {  	s12 =	simm.s32 @!p1 $0x2;
	[sflag:s6] =	ssyncset.done @!p1 $0x0  }
0x74: {  	s10 =	simm.s32 @!p1 $0x80;
	s11 =	simm.s32 @!p1 $0x300;
	[sflag:s6] =	ssyncadd.s32 @!p1 $0xFFFFFF80  }
0x75: {  	[tilespmem:s11], [sflag:$0x1] =	stream.indirect.gather @!p1 [hbm4b:s4+s10], $0x80, s9, s10, $0xb8;
	[tilespmem:$0x1FF00] =	vst v63  }
0x76: {  	_ =	swait.ge @!p1 [sflag:s12], $0x4000  }
0x77: {  	s13 =	simm.s32 @!p1 $0x4300;
	[sflag:s12] =	ssyncset.done @!p1 $0x0  }
0x78: {  	s11 =	simm.s32 @!p1 $0x200;
	[sflag:s12] =	ssyncadd.s32 @!p1 $0xFFFFC000;
	s12 =	simm.s32 @!p1 $0x5  }
0x79: {  	[spmem:s1] =	stream.indirect.scatter.add.f32 @!p1 [tilespmem:s13], [sflag:$0x5], $0x80, s11, s10, $0xb8;
	[tilespmem:$0x1FF00] =	vst v63  }
0x7a: {  	_ =	swait.ge @!p1 [sflag:s12], $0x4000  }
0x7b: {  	[sflag:s12] =	ssyncset.done @!p1 $0x0  }
0x7c: {  	s7 =	sadd.s32 @!p1 $0x40, s7;
	[sflag:s12] =	ssyncadd.s32 @!p1 $0xFFFFC000  }
0x7d: {  	[tilespmem:s10], [sflag:$0x7] =	stream.linear.gather @!p1 [hbm4b:s7+s9], $0x80, $0x38;
	[tilespmem:$0x1FF00] =	vst v63  }
0x7e: {  	_ =	swait.ge @!p1 [sflag:s6], $0x80  }
0x7f: {  	[sflag:s6] =	ssyncset.done @!p1 $0x0  }
0x80: {  	s7 =	sadd.s32 @!p1 $0x40, s8;
	[sflag:s6] =	ssyncadd.s32 @!p1 $0xFFFFFF80  }
0x81: {  	[tilespmem:s11], [sflag:$0x7] =	stream.linear.gather @!p1 [hbm4b:s7+s9], $0x80, $0x38;
	[tilespmem:$0x1FF00] =	vst v63  }
0x82: {  	_ =	swait.ge @!p1 [sflag:s6], $0x80  }
0x83: {  	[sflag:s6] =	ssyncset.done @!p1 $0x0  }
0x84: {  	p2 =	por $0x0, $0x0;
	[sflag:s6] =	ssyncadd.s32 @!p1 $0xFFFFFF80  }
0x85: {  	[tilespmem:s13], [sflag:$0x2] =	stream.indirect.gather @!p1 [hbm4b:s4+s10], $0x80, s10, s10, $0xb8;
	[tilespmem:$0x1FF00] =	vst v63  }
0x86: {  	s7 =	simm.s32 $0x60;
	s6 =	simm.s32 $0x30;
	_ =	swait.ge [sflag:s31], $0x4000  }
.LBB2_4:
0x87: {  	s9 =	simm.s32 @!p2 $0x6  }
0x88: {  	[sflag:s31] =	ssyncset.done $0x0;
	s8 =	smov.u32 s7;
	s7 =	sadd.s32 $0x30, s7  }
0x89: {  	p1 =	sne.s32 s7, $0x4E0;
	[sflag:s31] =	ssyncadd.s32 $0xFFFFC000  }
0x8a: {  	[spmem:s1] =	stream.indirect.scatter.add.f32 [tilespmem:s29], [sflag:$0x6], $0x80, s28, s23, $0xb8;
	[tilespmem:$0x1FF00] =	vst v63  }
0x8b: {  	s10 =	sadd.s32 s6, s18;
	_ =	swait.ge @!p2 [sflag:s9], $0x4000  }
0x8c: {  	s10 =	sadd.s32 $0x20, s10;
	[sflag:s9] =	ssyncset.done @!p2 $0x0  }
0x8d: {  	[sflag:s9] =	ssyncadd.s32 @!p2 $0xFFFFC000  }
0x8e: {  	[tilespmem:s26], [sflag:$0x7] =	stream.linear.gather [hbm4b:s10+s2], $0x80, $0x38;
	[tilespmem:$0x1FF00] =	vst v63  }
0x8f: {  	s9 =	sadd.s32 s6, s19;
	_ =	swait.ge [sflag:s21], $0x80  }
0x90: {  	s9 =	sadd.s32 $0x20, s9;
	[sflag:s21] =	ssyncset.done $0x0  }
0x91: {  	[sflag:s21] =	ssyncadd.s32 $0xFFFFFF80  }
0x92: {  	[tilespmem:s28], [sflag:$0x7] =	stream.linear.gather [hbm4b:s9+s2], $0x80, $0x38;
	[tilespmem:$0x1FF00] =	vst v63  }
0x93: {  	_ =	swait.ge [sflag:s21], $0x80  }
0x94: {  	[sflag:s21] =	ssyncset.done $0x0  }
0x95: {  	[sflag:s21] =	ssyncadd.s32 $0xFFFFFF80  }
0x96: {  	[tilespmem:s29], [sflag:$0x3] =	stream.indirect.gather [hbm4b:s4+s23], $0x80, s26, s23, $0xb8;
	[tilespmem:$0x1FF00] =	vst v63  }
0x97: {  	_ =	swait.ge [sflag:s30], $0x4000  }
0x98: {  	p2 =	seq.s32 s6, $0x4B0;
	[sflag:s30] =	ssyncset.done $0x0  }
0x99: {  	s10 =	sadd.s32 @!p2 s6, s18;
	s9 =	simm.s32 @p2 $0x2;
	[sflag:s30] =	ssyncadd.s32 $0xFFFFC000  }
0x9a: {  	[spmem:s1] =	stream.indirect.scatter.add.f32 [tilespmem:s20], [sflag:$0x4], $0x80, s22, s23, $0xb8;
	[tilespmem:$0x1FF00] =	vst v63  }
0x9b: {  	s11 =	simm.s32 @p2 $0x4300;
	s12 =	sadd.s32 @!p2 $0x30, s10;
	_ =	swait.ge @p2 [sflag:s9], $0x4000  }
0x9c: {  	s13 =	simm.s32 @p2 $0x80;
	s14 =	simm.s32 @p2 $0x200;
	[sflag:s9] =	ssyncset.done @p2 $0x0  }
0x9d: {  	s6 =	sadd.s32 @!p2 s6, s19;
	[sflag:s9] =	ssyncadd.s32 @p2 $0xFFFFC000;
	s9 =	simm.s32 @!p2 $0x4  }
0x9e: {  	[spmem:s1] =	stream.indirect.scatter.add.f32 @p2 [tilespmem:s11], [sflag:$0x5], $0x80, s14, s13, $0xb8;
	[tilespmem:$0x1FF00] =	vst v63  }
0x9f: {  	s10 =	sadd.s32 @!p2 $0x40, s10;
	s11 =	sadd.s32 @!p2 $0x30, s6;
	_ =	swait.ge @!p2 [sflag:s9], $0x4000  }
0xa0: {  	s13 =	simm.s32 @!p2 $0x0;
	s14 =	sadd.s32 @!p2 $0x40, s6;
	[sflag:s9] =	ssyncset.done @!p2 $0x0  }
0xa1: {  	s6 =	smov.u32 s8;
	[sflag:s9] =	ssyncadd.s32 @!p2 $0xFFFFC000;
	s9 =	simm.s32 @!p2 $0x7  }
0xa2: {  	[tilespmem:s13], [sflag:$0x7] =	stream.linear.gather @!p2 [hbm4b:s12+s13], $0x80, $0x38;
	[tilespmem:$0x1FF00] =	vst v63  }
0xa3: {  	_ =	swait.ge @!p2 [sflag:s9], $0x80  }
0xa4: {  	s8 =	simm.s32 @!p2 $0x180;
	[sflag:s9] =	ssyncset.done @!p2 $0x0  }
0xa5: {  	[sflag:s9] =	ssyncadd.s32 @!p2 $0xFFFFFF80  }
0xa6: {  	[tilespmem:s8], [sflag:$0x7] =	stream.linear.gather @!p2 [hbm4b:s11+s13], $0x80, $0x38;
	[tilespmem:$0x1FF00] =	vst v63  }
0xa7: {  	_ =	swait.ge @!p2 [sflag:s9], $0x80  }
0xa8: {  	s8 =	simm.s32 @!p2 $0x80;
	s11 =	simm.s32 @!p2 $0x300;
	[sflag:s9] =	ssyncset.done @!p2 $0x0  }
0xa9: {  	s12 =	simm.s32 @!p2 $0x2;
	[sflag:s9] =	ssyncadd.s32 @!p2 $0xFFFFFF80  }
0xaa: {  	[tilespmem:s11], [sflag:$0x1] =	stream.indirect.gather @!p2 [hbm4b:s4+s8], $0x80, s13, s8, $0xb8;
	[tilespmem:$0x1FF00] =	vst v63  }
0xab: {  	_ =	swait.ge @!p2 [sflag:s12], $0x4000  }
0xac: {  	s15 =	simm.s32 @!p2 $0x4300;
	s11 =	simm.s32 @!p2 $0x200;
	[sflag:s12] =	ssyncset.done @!p2 $0x0  }
0xad: {  	[sflag:s12] =	ssyncadd.s32 @!p2 $0xFFFFC000;
	s12 =	simm.s32 @!p2 $0x5  }
0xae: {  	[spmem:s1] =	stream.indirect.scatter.add.f32 @!p2 [tilespmem:s15], [sflag:$0x5], $0x80, s11, s8, $0xb8;
	[tilespmem:$0x1FF00] =	vst v63  }
0xaf: {  	_ =	swait.ge @!p2 [sflag:s12], $0x4000  }
0xb0: {  	[sflag:s12] =	ssyncset.done @!p2 $0x0  }
0xb1: {  	[sflag:s12] =	ssyncadd.s32 @!p2 $0xFFFFC000  }
0xb2: {  	[tilespmem:s8], [sflag:$0x7] =	stream.linear.gather @!p2 [hbm4b:s10+s13], $0x80, $0x38;
	[tilespmem:$0x1FF00] =	vst v63  }
0xb3: {  	_ =	swait.ge @!p2 [sflag:s9], $0x80  }
0xb4: {  	[sflag:s9] =	ssyncset.done @!p2 $0x0  }
0xb5: {  	[sflag:s9] =	ssyncadd.s32 @!p2 $0xFFFFFF80  }
0xb6: {  	[tilespmem:s11], [sflag:$0x7] =	stream.linear.gather @!p2 [hbm4b:s14+s13], $0x80, $0x38;
	[tilespmem:$0x1FF00] =	vst v63  }
.Ltmp1:
0xb7: {  	_ =	swait.ge @!p2 [sflag:s9], $0x80;
	(pc) =	sbr.rel @p1 .LBB2_4-.Ltmp1, $4  }
0xb8: {  	[sflag:s9] =	ssyncset.done @!p2 $0x0  }
0xb9: {  	[sflag:s9] =	ssyncadd.s32 @!p2 $0xFFFFFF80  }
0xba: {  	[tilespmem:s15], [sflag:$0x2] =	stream.indirect.gather @!p2 [hbm4b:s4+s8], $0x80, s8, s8, $0xb8;
	[tilespmem:$0x1FF00] =	vst v63  }
0xbb: {  	p2 =	seq.s32 s6, $0x0;
	_ =	swait.ge [sflag:s31], $0x4000  }
0xbc: {  	[sflag:s31] =	ssyncset.done $0x0  }
0xbd: {  	s7 =	simm.s32 @!p2 $0x6;
	[sflag:s31] =	ssyncadd.s32 $0xFFFFC000  }
0xbe: {  	[spmem:s1] =	stream.indirect.scatter.add.f32 [tilespmem:s29], [sflag:$0x6], $0x80, s28, s23, $0xb8;
	[tilespmem:$0x1FF00] =	vst v63  }
0xbf: {  	_ =	swait.ge @!p2 [sflag:s7], $0x4000  }
0xc0: {  	s8 =	sadd.s32 s6, s18;
	[sflag:s7] =	ssyncset.done @!p2 $0x0  }
0xc1: {  	s8 =	sadd.s32 $0x20, s8;
	[sflag:s7] =	ssyncadd.s32 @!p2 $0xFFFFC000  }
0xc2: {  	[tilespmem:s26], [sflag:$0x7] =	stream.linear.gather [hbm4b:s8+s2], $0x80, $0x38;
	[tilespmem:$0x1FF00] =	vst v63  }
0xc3: {  	_ =	swait.ge [sflag:s21], $0x80  }
0xc4: {  	s13 =	sadd.s32 s6, s19;
	[sflag:s21] =	ssyncset.done $0x0  }
0xc5: {  	s7 =	sadd.s32 $0x20, s13;
	[sflag:s21] =	ssyncadd.s32 $0xFFFFFF80  }
0xc6: {  	[tilespmem:s28], [sflag:$0x7] =	stream.linear.gather [hbm4b:s7+s2], $0x80, $0x38;
	[tilespmem:$0x1FF00] =	vst v63  }
0xc7: {  	_ =	swait.ge [sflag:s21], $0x80  }
0xc8: {  	[sflag:s21] =	ssyncset.done $0x0  }
0xc9: {  	[sflag:s21] =	ssyncadd.s32 $0xFFFFFF80  }
0xca: {  	[tilespmem:s29], [sflag:$0x3] =	stream.indirect.gather [hbm4b:s4+s23], $0x80, s26, s23, $0xb8;
	[tilespmem:$0x1FF00] =	vst v63  }
0xcb: {  	_ =	swait.ge [sflag:s30], $0x4000  }
0xcc: {  	p1 =	seq.s32 s6, $0x4B0;
	[sflag:s30] =	ssyncset.done $0x0  }
0xcd: {  	s7 =	simm.s32 @p1 $0x2;
	[sflag:s30] =	ssyncadd.s32 $0xFFFFC000  }
0xce: {  	[spmem:s1] =	stream.indirect.scatter.add.f32 [tilespmem:s20], [sflag:$0x4], $0x80, s22, s23, $0xb8;
	[tilespmem:$0x1FF00] =	vst v63  }
0xcf: {  	_ =	swait.ge @p1 [sflag:s7], $0x4000  }
0xd0: {  	s9 =	simm.s32 @p1 $0x80;
	s10 =	simm.s32 @p1 $0x200;
	[sflag:s7] =	ssyncset.done @p1 $0x0  }
0xd1: {  	s8 =	simm.s32 @p1 $0x4300;
	[sflag:s7] =	ssyncadd.s32 @p1 $0xFFFFC000;
	s7 =	simm.s32 @!p1 $0x4  }
0xd2: {  	[spmem:s1] =	stream.indirect.scatter.add.f32 @p1 [tilespmem:s8], [sflag:$0x5], $0x80, s10, s9, $0xb8;
	[tilespmem:$0x1FF00] =	vst v63  }
0xd3: {  	_ =	swait.ge @!p1 [sflag:s7], $0x4000  }
0xd4: {  	s8 =	sadd.s32 @!p1 s6, s18;
	s10 =	simm.s32 @!p1 $0x0;
	[sflag:s7] =	ssyncset.done @!p1 $0x0  }
0xd5: {  	s9 =	sadd.s32 @!p1 $0x30, s8;
	[sflag:s7] =	ssyncadd.s32 @!p1 $0xFFFFC000;
	s7 =	simm.s32 @!p1 $0x7  }
0xd6: {  	[tilespmem:s10], [sflag:$0x7] =	stream.linear.gather @!p1 [hbm4b:s9+s10], $0x80, $0x38;
	[tilespmem:$0x1FF00] =	vst v63  }
0xd7: {  	_ =	swait.ge @!p1 [sflag:s7], $0x80  }
0xd8: {  	s6 =	sadd.s32 @!p1 s6, s19;
	[sflag:s7] =	ssyncset.done @!p1 $0x0  }
0xd9: {  	s11 =	simm.s32 @!p1 $0x180;
	s9 =	sadd.s32 @!p1 $0x30, s6;
	[sflag:s7] =	ssyncadd.s32 @!p1 $0xFFFFFF80  }
0xda: {  	[tilespmem:s11], [sflag:$0x7] =	stream.linear.gather @!p1 [hbm4b:s9+s10], $0x80, $0x38;
	[tilespmem:$0x1FF00] =	vst v63  }
0xdb: {  	_ =	swait.ge @!p1 [sflag:s7], $0x80  }
0xdc: {  	s12 =	simm.s32 @!p1 $0x2;
	[sflag:s7] =	ssyncset.done @!p1 $0x0  }
0xdd: {  	s9 =	simm.s32 @!p1 $0x80;
	s11 =	simm.s32 @!p1 $0x300;
	[sflag:s7] =	ssyncadd.s32 @!p1 $0xFFFFFF80  }
0xde: {  	[tilespmem:s11], [sflag:$0x1] =	stream.indirect.gather @!p1 [hbm4b:s4+s9], $0x80, s10, s9, $0xb8;
	[tilespmem:$0x1FF00] =	vst v63  }
0xdf: {  	_ =	swait.ge @!p1 [sflag:s12], $0x4000  }
0xe0: {  	s13 =	simm.s32 @!p1 $0x4300;
	[sflag:s12] =	ssyncset.done @!p1 $0x0  }
0xe1: {  	s11 =	simm.s32 @!p1 $0x200;
	[sflag:s12] =	ssyncadd.s32 @!p1 $0xFFFFC000;
	s12 =	simm.s32 @!p1 $0x5  }
0xe2: {  	[spmem:s1] =	stream.indirect.scatter.add.f32 @!p1 [tilespmem:s13], [sflag:$0x5], $0x80, s11, s9, $0xb8;
	[tilespmem:$0x1FF00] =	vst v63  }
0xe3: {  	_ =	swait.ge @!p1 [sflag:s12], $0x4000  }
0xe4: {  	[sflag:s12] =	ssyncset.done @!p1 $0x0  }
0xe5: {  	s8 =	sadd.s32 @!p1 $0x40, s8;
	[sflag:s12] =	ssyncadd.s32 @!p1 $0xFFFFC000  }
0xe6: {  	[tilespmem:s9], [sflag:$0x7] =	stream.linear.gather @!p1 [hbm4b:s8+s10], $0x80, $0x38;
	[tilespmem:$0x1FF00] =	vst v63  }
0xe7: {  	_ =	swait.ge @!p1 [sflag:s7], $0x80  }
0xe8: {  	[sflag:s7] =	ssyncset.done @!p1 $0x0  }
0xe9: {  	s6 =	sadd.s32 @!p1 $0x40, s6;
	[sflag:s7] =	ssyncadd.s32 @!p1 $0xFFFFFF80  }
0xea: {  	[tilespmem:s11], [sflag:$0x7] =	stream.linear.gather @!p1 [hbm4b:s6+s10], $0x80, $0x38;
	[tilespmem:$0x1FF00] =	vst v63  }
0xeb: {  	_ =	swait.ge @!p1 [sflag:s7], $0x80  }
0xec: {  	[sflag:s7] =	ssyncset.done @!p1 $0x0  }
0xed: {  	[sflag:s7] =	ssyncadd.s32 @!p1 $0xFFFFFF80  }
0xee: {  	[tilespmem:s13], [sflag:$0x2] =	stream.indirect.gather @!p1 [hbm4b:s4+s9], $0x80, s9, s9, $0xb8;
	[tilespmem:$0x1FF00] =	vst v63  }
0xef: {  	_ =	swait.ge [sflag:s31], $0x4000  }
0xf0: {  	[sflag:s31] =	ssyncset.done $0x0  }
0xf1: {  	[sflag:s31] =	ssyncadd.s32 $0xFFFFC000  }
0xf2: {  	[spmem:s1] =	stream.indirect.scatter.add.f32 [tilespmem:s29], [sflag:$0x6], $0x80, s28, s23, $0xb8;
	[tilespmem:$0x1FF00] =	vst v63  }
0xf3: {  	_ =	swait.ge [sflag:s0], $0x4000  }
0xf4: {  	[sflag:s0] =	ssyncset.done $0x0  }
0xf5: {  	[sflag:s0] =	ssyncadd.s32 $0xFFFFC000  }
0xf6: {  	_ =	swait.ge [sflag:s24], $0x4000  }
0xf7: {  	[sflag:s24] =	ssyncset.done $0x0  }
0xf8: {  	[sflag:s24] =	ssyncadd.s32 $0xFFFFC000  }
0xf9: {  	_ =	swait.ge [sflag:s25], $0x4000  }
0xfa: {  	[sflag:s25] =	ssyncset.done $0x0  }
0xfb: {  	s6 =	simm.s32 @!p0 $0x0;
	s7 =	rddreg [dreg:$0xc];
	[sflag:s25] =	ssyncadd.s32 $0xFFFFC000  }
0xfc: {  	[tilespmem:s6], [sflag:$0x7] =	stream.linear.gather @!p0 [hbm4b:s7+s6], $0x80, $0x38;
	[tilespmem:$0x1FF00] =	vst v63  }
0xfd: {  	s7 =	simm.s32 @!p0 $0x7  }
0xfe: {  	_ =	swait.ge @!p0 [sflag:s7], $0x80  }
0xff: {  	[sflag:s7] =	ssyncset.done @!p0 $0x0  }
0x100: {  	s8 =	simm.s32 @!p0 $0x180;
	s9 =	rddreg [dreg:$0xd];
	[sflag:s7] =	ssyncadd.s32 @!p0 $0xFFFFFF80  }
0x101: {  	[tilespmem:s8], [sflag:$0x7] =	stream.linear.gather @!p0 [hbm4b:s9+s6], $0x80, $0x38;
	[tilespmem:$0x1FF00] =	vst v63  }
0x102: {  	_ =	swait.ge @!p0 [sflag:s7], $0x80  }
0x103: {  	[sflag:s7] =	ssyncset.done @!p0 $0x0  }
0x104: {  	s9 =	simm.s32 @!p0 $0x300;
	[sflag:s7] =	ssyncadd.s32 @!p0 $0xFFFFFF80;
	s7 =	simm.s32 @!p0 $0x80  }
0x105: {  	[tilespmem:s9], [sflag:$0x1] =	stream.indirect.gather @!p0 [hbm4b:s4+s7], $0x80, s6, s7, $0xb8;
	[tilespmem:$0x1FF00] =	vst v63  }
0x106: {  	s6 =	simm.s32 @!p0 $0x1  }
0x107: {  	_ =	swait.ge @!p0 [sflag:s6], $0x4000  }
0x108: {  	[sflag:s6] =	ssyncset.done @!p0 $0x0  }
0x109: {  	[sflag:s6] =	ssyncadd.s32 @!p0 $0xFFFFC000;
	s6 =	simm.s32 @!p0 $0x4  }
0x10a: {  	[spmem:s1] =	stream.indirect.scatter.add.f32 @!p0 [tilespmem:s9], [sflag:$0x4], $0x80, s8, s7, $0xb8;
	[tilespmem:$0x1FF00] =	vst v63  }
0x10b: {  	s14 =	stileid.u32;
	_ =	swait.ge @!p0 [sflag:s6], $0x4000  }
0x10c: {  	s15 =	sshrl.u32 s5, $0x3;
	s3 =	sadd.s32 $0x1, s3;
	[sflag:s6] =	ssyncset.done @!p0 $0x0  }
0x10d: {  	p1 =	sne.s32 s3, s17;
	[sflag:s6] =	ssyncadd.s32 @!p0 $0xFFFFC000;
	s6 =	sshll.u32 s14, $0x6  }
.Ltmp2:
0x10e: {  	[bflag:$0x0] =	sbarrier.arrive $0xFFFF;
	s6 =	sor.u32 $0x1C07, s6;
	(pc) =	sbr.rel @p1 .LBB2_1-.Ltmp2, $4  }
0x10f: {  	[hbm:s16], [sflag:s6] =	dma.local [spmem:s15], $0x2780  }
0x110: {  	_ =	swait.ge [sflag:s21], $0x2780  }
0x111: {  	[sflag:s21] =	ssyncset.done $0x0  }
0x112: {  	[sflag:s21] =	ssyncadd.s32 $0xFFFFD880  }
0x113: {  	_ =	sfence.sel $0x180000  }
0x114: {  	[bflag:$0x0] =	sbarrier.arrive $0xFFFF  }
0x115: {  	_ =	strace $0x9000004A  }
0x116: {  	s0 =	stileid.u32;
	[bflag:$0x2] =	sbarrier.arrive $0xFFFF  }
0x117: {  	p0 =	sne.s32 s0, $0x0;
	s0 =	rddreg [dreg:$0x3]  }
0x118: {  	s0 =	sadd.s32 @!p0 $0x100000, s0  }
0x119: {  	[sflag:s0] =	ssyncadd.tile.s32 @!p0 $0x1;
	_ =	shalt  }
.Lfunc_end2:
_tile_overlayer_lowered:
.L_overlay_start_2:
0x11a: {  	(tag) =	ssettag $0x2  }
0x11b: {  	s0 =	rddreg [dreg:$0x0];
	s2 =	stileid.u32  }
0x11c: {  	s1 =	rddreg [dreg:$0x1];
	p0 =	sne.s32 s2, $0x0  }
0x11d: {  	s3 =	rddreg [dreg:$0x2];
	[bflag:$0x3] =	sbarrier.arrive $0xFFFF;
	s2 =	simm.s32 @!p0 $0x1C07  }
0x11e: {  	[timem:s3], [sflag:s2] =	dma.local @!p0 [hbm:s0], s1  }
0x11f: {  	s0 =	simm.s32 @!p0 $0x7  }
0x120: {  	_ =	swait.ge @!p0 [sflag:s0], s1  }
0x121: {  	s1 =	ssub.s32 @!p0 $0x0, s1;
	[sflag:s0] =	ssyncset.done @!p0 $0x0  }
0x122: {  	[sflag:s0] =	ssyncadd.s32 @!p0 s1  }
0x123: {  	[bflag:$0x3] =	sbarrier.arrive $0xFFFF  }
0x124: {  	_ =	shalt  }

// kernel: kernel.14.cloned.1.call-start
scs
__scs_entry_jumppad:
0x0: {  	(pc) =	sbr.rel $0x88, $3  }
0x1: {  	(tag) =	ssettag $0x0;
	lr =	simm.s32 $0x1  }
0x2: {  	[smem:$0x3F99] =	sst lr;
	_ =	strace $0xD0000000  }
0x3: {  	_ = 	snop  }
0x4: {  	_ = 	snop  }
0x5: {  	_ = 	snop  }
0x6: {  	_ = 	snop  }
0x7: {  	_ = 	snop  }
__scs_overlays_trampoline_lowered:
0x8: {  	[smem:$0x3FA8] =	sst s0  }
0x9: {  	[smem:$0x3FA9] =	sst s1  }
0xa: {  	[smem:$0x3FAA] =	sst s2  }
0xb: {  	[smem:$0x3FAB] =	sst s3  }
0xc: {  	[smem:$0x3FAC] =	sst s4  }
0xd: {  	[smem:$0x3FAD] =	sst s5  }
0xe: {  	[smem:$0x3FAE] =	sst s6  }
0xf: {  	[smem:$0x3FAF] =	sst s7  }
0x10: {  	[smem:$0x3FB0] =	sst s8  }
0x11: {  	[smem:$0x3FB1] =	sst s9;
	s0 =	simm.s32 @!p0 $0x0  }
0x12: {  	s1 =	sld [smem:$0x3F97];
	s0 =	simm.s32 @p0 $0x1  }
0x13: {  	[smem:$0x3FB2] =	sst s0;
	s0 =	simm.s32 @!p1 $0x0  }
0x14: {  	s2 =	sld [smem:$0x3F96];
	s0 =	simm.s32 @p1 $0x1  }
0x15: {  	[smem:$0x3FB3] =	sst s0;
	s0 =	simm.s32 @!p2 $0x0  }
0x16: {  	s3 =	sld [smem:$0x3FDB];
	s0 =	simm.s32 @p2 $0x1  }
0x17: {  	s4 =	simm.s32 $0x1BF5;
	[smem:$0x3FB5] =	sst s0  }
0x18: {  	s0 =	sld [smem:$0x3F98];
	_ =	swait.ge [sflag:s4], $0x0  }
0x19: {  	s7 =	sld [smem:$0x3F99]  }
0x1a: {  	s8 =	sadd.s32 $0xFFFFE003, lr  }
0x1b: {  	s9 =	sadd.s32 $0xFFFFFEF7, lr;
	s5 =	simm.s32 $0xFFFFFFFF;
	p2 =	slt.u32 s8, $0xFFFFF086  }
0x1c: {  	p1 =	slt.u32 s9, $0xF7A;
	s5 =	simm.s32 @!p2 $0x0  }
0x1d: {  	s5 =	simm.s32 @p1 $0x1;
	p0 =	seq.s32 s7, s2  }
0x1e: {  	s7 =	smul.u32 @!p0 $0xF7A, s2;
	p2 =	seq.s32 @!p0 s5, $0x0  }
0x1f: {  	s9 =	smul.u32 $0xF7A, s1;
	s8 =	simm.s32 @!p0 $0x1BF5;
	p2 =	por !p2, p0  }
0x20: {  	[sflag:s8] =	ssyncset.s32 @!p0 $0xFFFFF086;
	s6 =	sadd.s32 @!p0 s3, s7;
	s7 =	simm.s32 @!p0 $0x108  }
0x21: {  	s3 =	sadd.s32 s3, s9;
	s6 =	sadd.s32 @!p0 $0x88, s6;
	s7 =	simm.s32 @p2 $0x1082  }
0x22: {  	[simem:s7], [sflag:s8] =	dma.local @!p0 [hbm:s6], $0xF7A  }
0x23: {  	s9 =	sor.u32 $0xD0000000, s2;
	s6 =	simm.s32 $0x108;
	_ =	swait.ge @!p0 [sflag:s8], $0x0  }
0x24: {  	s3 =	sadd.s32 $0x88, s3;
	s6 =	simm.s32 @!p1 $0x1082;
	[sflag:s4] =	ssyncset.s32 $0xFFFFF086  }
0x25: {  	[simem:s6], [sflag:s4] =	dma.local [hbm:s3], $0xF7A  }
0x26: {  	[smem:$0x3F99] =	sst s1;
	(tag) =	ssettag s2;
	_ =	strace s9  }
0x27: {  	s1 =	sld [smem:$0x3FA9]  }
0x28: {  	s2 =	sld [smem:$0x3FAA]  }
0x29: {  	s4 =	sld [smem:$0x3FAC]  }
0x2a: {  	p0 =	seq.s32 s5, $0x0;
	s5 =	sld [smem:$0x3FAD]  }
0x2b: {  	s6 =	sld [smem:$0x3FAE]  }
0x2c: {  	s7 =	sld [smem:$0x3FAF]  }
0x2d: {  	s3 =	simm.s32 $0x108;
	s8 =	sld [smem:$0x3FB0]  }
0x2e: {  	s3 =	simm.s32 @!p0 $0x1082;
	s9 =	sld [smem:$0x3FB1]  }
0x2f: {  	lr =	sadd.s32 s0, s3;
	s0 =	sld [smem:$0x3FA8]  }
0x30: {  	s3 =	sld [smem:$0x3FAB]  }
0x31: {  	[smem:$0x3FB4] =	sst s10  }
0x32: {  	s10 =	sld [smem:$0x3FB2];
	_ =	sdelay $0x3  }
0x33: {  	p0 =	seq.s32 s10, $0x1;
	s10 =	sld [smem:$0x3FB4];
	_ =	sdelay $0x3  }
0x34: {  	[smem:$0x3FB4] =	sst s10  }
0x35: {  	s10 =	sld [smem:$0x3FB3];
	_ =	sdelay $0x3  }
0x36: {  	p1 =	seq.s32 s10, $0x1;
	s10 =	sld [smem:$0x3FB4];
	_ =	sdelay $0x3  }
0x37: {  	[smem:$0x3FB4] =	sst s10  }
0x38: {  	s10 =	sld [smem:$0x3FB5]  }
0x39: {  	_ = 	snop;
	(pc) =	sbr.ind lr, $3  }
0x3a: {  	_ = 	snop  }
0x3b: {  	_ = 	snop  }
0x3c: {  	p2 =	seq.s32 s10, $0x1;
	s10 =	sld [smem:$0x3FB4]  }
0x3d: {  	_ =	shalt  }
0x3e: {  	_ =	shalt  }
0x3f: {  	_ =	shalt  }
0x40: {  	_ =	shalt  }
0x41: {  	_ =	shalt  }
0x42: {  	_ =	shalt  }
0x43: {  	_ =	shalt  }
0x44: {  	_ =	shalt  }
0x45: {  	_ =	shalt  }
0x46: {  	_ =	shalt  }
0x47: {  	_ =	shalt  }
0x48: {  	_ =	shalt  }
0x49: {  	_ =	shalt  }
0x4a: {  	_ =	shalt  }
0x4b: {  	_ =	shalt  }
0x4c: {  	_ =	shalt  }
0x4d: {  	_ =	shalt  }
0x4e: {  	_ =	shalt  }
0x4f: {  	_ =	shalt  }
0x50: {  	_ =	shalt  }
0x51: {  	_ =	shalt  }
0x52: {  	_ =	shalt  }
0x53: {  	_ =	shalt  }
0x54: {  	_ =	shalt  }
0x55: {  	_ =	shalt  }
0x56: {  	_ =	shalt  }
0x57: {  	_ =	shalt  }
0x58: {  	_ =	shalt  }
0x59: {  	_ =	shalt  }
0x5a: {  	_ =	shalt  }
0x5b: {  	_ =	shalt  }
0x5c: {  	_ =	shalt  }
0x5d: {  	_ =	shalt  }
0x5e: {  	_ =	shalt  }
0x5f: {  	_ =	shalt  }
0x60: {  	_ =	shalt  }
0x61: {  	_ =	shalt  }
0x62: {  	_ =	shalt  }
0x63: {  	_ =	shalt  }
0x64: {  	_ =	shalt  }
0x65: {  	_ =	shalt  }
0x66: {  	_ =	shalt  }
0x67: {  	_ =	shalt  }
0x68: {  	_ =	shalt  }
0x69: {  	_ =	shalt  }
0x6a: {  	_ =	shalt  }
0x6b: {  	_ =	shalt  }
0x6c: {  	_ =	shalt  }
0x6d: {  	_ =	shalt  }
0x6e: {  	_ =	shalt  }
0x6f: {  	_ =	shalt  }
0x70: {  	_ =	shalt  }
0x71: {  	_ =	shalt  }
0x72: {  	_ =	shalt  }
0x73: {  	_ =	shalt  }
0x74: {  	_ =	shalt  }
0x75: {  	_ =	shalt  }
0x76: {  	_ =	shalt  }
0x77: {  	_ =	shalt  }
0x78: {  	_ =	shalt  }
0x79: {  	_ =	shalt  }
0x7a: {  	_ =	shalt  }
0x7b: {  	_ =	shalt  }
0x7c: {  	_ =	shalt  }
0x7d: {  	_ =	shalt  }
0x7e: {  	_ =	shalt  }
0x7f: {  	_ =	shalt  }
0x80: {  	_ =	shalt  }
0x81: {  	_ =	shalt  }
0x82: {  	_ =	shalt  }
0x83: {  	_ =	shalt  }
0x84: {  	_ =	shalt  }
0x85: {  	_ =	shalt  }
0x86: {  	_ =	shalt  }
0x87: {  	_ =	shalt  }
.Lfunc_end0:
.L_simem_size_0:
called_computation.2_lowered:
.L_overlay_start_0:
0x88: {  	s2 =	sld [smem:$0x3FD9]  }
0x89: {  	s3 =	sld [smem:$0x3FFE];
	_ =	sdelay $0x1  }
0x8a: {  	s1 =	srdreg.scid  }
0x8b: {  	s0 =	sand.u32 $0x1, s1  }
0x8c: {  	s17 =	sshll.u32 s0, $0xA;
	s2 =	sadd.s32 s3, s2  }
0x8d: {  	s2 =	sadd.s32 s2, s17  }
0x8e: {  	[smem:$0x3FC0] =	sst s2  }
0x8f: {  	_ = 	snop  }
0x90: {  	s2 =	sld [smem:$0x3FD0];
	(tm) =	ssettm $0x1  }
0x91: {  	s18 =	sld [smem:$0x3FFB];
	_ =	sdelay $0x3  }
0x92: {  	_ =	strace s18  }
0x93: {  	s3 =	sld [smem:$0x3FFC];
	_ =	sdelay $0x3  }
0x94: {  	_ =	strace s3  }
0x95: {  	s3 =	sld [smem:$0x3FFD];
	_ =	sdelay $0x3  }
0x96: {  	_ =	strace s3  }
0x97: {  	_ =	strace $0x8FFFFFFF  }
0x98: {  	s19 =	sld [smem:$0x3FDB];
	_ =	sdelay $0x1  }
0x99: {  	s4 =	simm.s32 $_scs_section_size  }
0x9a: {  	s5 =	simm.s32 $_size__tile_overlayer_lowered;
	s6 =	simm.s32 $_tile_overlayer_lowered  }
0x9b: {  	s22 =	simm.s32 $0x1BFF;
	s21 =	sshll.u32 s6, $0x1;
	s3 =	sadd.s32 s4, s19  }
0x9c: {  	s7 =	simm.s32 $0x0;
	s20 =	sshll.u32 s5, $0x1;
	s5 =	sadd.s32 s21, s3  }
0x9d: {  	[timem:s7], [sflag:s22] =	dma.local [hbm:s5], s20  }
0x9e: {  	_ =	swait.ge [sflag:s22], s20  }
0x9f: {  	s4 =	ssub.s32 $0x0, s20;
	[sflag:s22] =	ssyncset.done $0x0  }
0xa0: {  	[sflag:s22] =	ssyncadd.s32 s4;
	_ =	sdelay $0x1  }
0xa1: {  	s23 =	simm.s32 $0x1B8B  }
0xa2: {  	_ =	swait.ge [sflag:s23], $0x1  }
0xa3: {  	[sflag:s23] =	ssyncset.done $0x0  }
0xa4: {  	s25 =	simm.s32 $0x1B8E;
	s24 =	sld [smem:$0x3FFE];
	[sflag:s23] =	ssyncadd.s32 $0xFFFFFFFF  }
0xa5: {  	s26 =	simm.s32 $execute0_lowered;
	[smem:$0x3FD2] =	sst s25  }
0xa6: {  	s5 =	sshll.u32 s26, $0x1;
	_ =	strace $0x8000004C;
	[dreg:$0x1] =	wrdreg $0xFFFFFFFF  }
0xa7: {  	s28 =	simm.s32 $_size_execute0_lowered;
	s3 =	sadd.s32 s3, s5;
	[dreg:$0x0] =	wrdreg $0x0  }
0xa8: {  	s5 =	sshll.u32 s28, $0x1;
	[dreg:$0x2] =	wrdreg s3  }
0xa9: {  	[dreg:$0x3] =	wrdreg s5  }
0xaa: {  	[dreg:$0x4] =	wrdreg $0xC0  }
0xab: {  	_ =	task [dreg:s7], $0x5FFFF  }
0xac: {  	[dreg:$0x1] =	wrdreg $0xFFFFFFFF  }
0xad: {  	[dreg:$0x0] =	wrdreg $0x60  }
0xae: {  	[dreg:$0x2] =	wrdreg s24  }
0xaf: {  	[dreg:$0x3] =	wrdreg s2  }
0xb0: {  	[dreg:$0x4] =	wrdreg $0xC3000  }
0xb1: {  	[dreg:$0x5] =	wrdreg $0x9  }
0xb2: {  	_ =	task.clear_ibuf [dreg:s7], $0x6FFFF;
	_ =	strace $0x9000004C  }
0xb3: {  	s29 =	simm.s32 $0x9;
	_ =	strace $0x8000004E  }
0xb4: {  	_ =	swait.ge [sflag:s29], $0x1  }
0xb5: {  	[sflag:s29] =	ssyncadd.s32 $0xFFFFFFFF  }
0xb6: {  	_ =	strace $0x9000004E  }
0xb7: {  	_ =	sfence  }
0xb8: {  	s30 =	sld [smem:$0x0];
	_ =	sdelay $0x2  }
0xb9: {  	s31 =	sshll.u32 s1, $0xD;
	s1 =	sshrl.u32 s1, $0x2  }
0xba: {  	s3 =	sand.u32 $0x4000, s31;
	s1 =	sadd.s32 s1, s30  }
0xbb: {  	s0 =	sor.u32 s3, s0;
	s1 =	sshll.u32 s1, $0x11  }
0xbc: {  	s0 =	sor.u32 s1, s0  }
0xbd: {  	s0 =	sadd.s32 $0x8F2B, s0  }
0xbe: {  	[sflag:s0] =	ssyncadd.remote.s32 $0x1  }
0xbf: {  	_ =	sfence.sel $0xFFFF  }
0xc0: {  	[dreg:$0x0] =	wrdreg $0xFFFFFFFF;
	(pc) =	sbr.abs _section_cstart, $3  }
0xc1: {  	[dreg:$0x1] =	wrdreg $0xFFFFFFFF  }
0xc2: {  	_ =	task.clear_ibuf [dreg:s7], $0x2FFFF;
	_ =	strace $0x9FFFFFFF  }
0xc3: {  	(tm) =	ssettm $0x7FFFFFFF  }
tec
execute0_lowered:
.L_overlay_start_1:
0x0: {  	(tag) =	ssettag $0x1  }
0x1: {  	s0 =	rddreg [dreg:$0x0]  }
0x2: {  	s3 =	rddreg [dreg:$0x1]  }
0x3: {  	s1 =	rddreg [dreg:$0x2]  }
0x4: {  	s2 =	simm.s32 $0x0;
	s4 =	srdreg.scid;
	s17 =	stileid.u32  }
0x5: {  	s28 =	simm.s32 $0x280;
	s29 =	simm.s32 $0x8300;
	s30 =	simm.s32 $0x1  }
0x6: {  	s31 =	simm.s32 $0x3;
	[smem:$0x7FF] =	sst s2;
	s7 =	smul.u32 $0x13C00, s17  }
0x7: {  	s6 =	sand.u32 $0x1, s4;
	s4 =	sadd.s32 $0xC000, s0;
	s9 =	smul.u32 $0x4F000, s17  }
0x8: {  	s18 =	sadd.s32 $0x2200, s0;
	_ =	strace $0x8000004D;
	s5 =	smul.u32 $0x13C000, s6  }
0x9: {  	s8 =	sshll.u32 s6, $0x4;
	s26 =	ssub.s32 $0x2, s6;
	s6 =	smul.u32 $0x4E00, s6  }
0xa: {  	s8 =	sor.u32 s17, s8;
	s11 =	sshrl.u32 s26, $0x1;
	s5 =	sadd.s32 s7, s5  }
0xb: {  	s9 =	sshrl.u32 s9, $0x2;
	s10 =	smul.u32 $0x2700, s8;
	s5 =	sshrl.u32 s5, $0x3  }
0xc: {  	s12 =	smul.u32 $0x300, s8;
	s0 =	sadd.s32 s5, s0;
	s5 =	sadd.s32 s9, s1  }
0xd: {  	s7 =	ssub.s32 s26, s11;
	s26 =	smul.u32 $0x4E0, s17;
	s13 =	sadd.s32 $0x4000, s5  }
0xe: {  	s10 =	sand.u32 $0x7FC00, s10;
	s14 =	sadd.s32 $0x8000, s5;
	[dreg:$0x4] =	wrdreg s13  }
0xf: {  	s12 =	sand.u32 $0x300, s12;
	s15 =	sadd.s32 $0xC000, s5;
	[dreg:$0x5] =	wrdreg s14  }
0x10: {  	s10 =	sor.u32 s12, s10;
	s16 =	sadd.s32 $0x10000, s5;
	[dreg:$0x6] =	wrdreg s15  }
0x11: {  	p0 =	sgt.u32 s8, $0x3;
	[dreg:$0x7] =	wrdreg s16;
	s19 =	sshrl.u32 s10, $0x3  }
0x12: {  	s14 =	sshll.u32 s17, $0x4;
	s16 =	sadd.s32 $0x33200, s0;
	s17 =	smax.u32 s7, $0x1  }
0x13: {  	s0 =	simm.s32 $0x4;
	s20 =	sadd.s32 s3, s19;
	s13 =	sor.u32 $0x10, s19  }
0x14: {  	s21 =	sadd.s32 s18, s19;
	s15 =	sor.u32 $0x9C00, s14;
	[dreg:$0x8] =	wrdreg s20  }
0x15: {  	[dreg:$0x9] =	wrdreg s21;
	s22 =	sadd.s32 s3, s13;
	s23 =	sadd.s32 s18, s13  }
0x16: {  	s24 =	sadd.s32 s3, s15;
	s25 =	sadd.s32 s18, s15;
	[dreg:$0xa] =	wrdreg s22  }
0x17: {  	s3 =	sadd.s32 s6, s3;
	s6 =	sadd.s32 s6, s18;
	[dreg:$0xb] =	wrdreg s23  }
0x18: {  	s20 =	simm.s32 $0x300;
	s21 =	simm.s32 $0x7;
	[dreg:$0xc] =	wrdreg s24  }
0x19: {  	[dreg:$0xd] =	wrdreg s25;
	s18 =	sadd.s32 s26, s3;
	s19 =	sadd.s32 s26, s6  }
0x1a: {  	s22 =	simm.s32 $0x180;
	s23 =	simm.s32 $0x80;
	s26 =	simm.s32 $0x100  }
0x1b: {  	v0 =	vimm.f32 $0.0e+00;
	s24 =	simm.s32 $0x5;
	s25 =	simm.s32 $0x6;
	s3 =	simm.s32 $0x0  }
.LBB2_1:
0x1c: {  	s6 =	simm.s32 $0x0;
	s7 =	simm.s32 $0x200  }
.LBB2_2:
0x1d: {  	p1 =	sne.s32 s7, $0xFE00;
	[tilespmem:s6+$0x370] =	vst v0  }
0x1e: {  	[tilespmem:s6+$0x300] =	vst v0  }
0x1f: {  	[tilespmem:s6+$0x310] =	vst v0  }
.Ltmp0:
0x20: {  	[tilespmem:s6+$0x320] =	vst v0;
	(pc) =	sbr.rel @p1 .LBB2_2-.Ltmp0, $4  }
0x21: {  	[tilespmem:s6+$0x330] =	vst v0  }
0x22: {  	[tilespmem:s6+$0x340] =	vst v0  }
0x23: {  	[tilespmem:s6+$0x350] =	vst v0  }
0x24: {  	[tilespmem:s6+$0x360] =	vst v0;
	s6 =	sshra.s32 s7, $0x2;
	s7 =	sadd.s32 $0x200, s7  }
0x25: {  	[tilespmem:s6+$0x370] =	vst v0  }
0x26: {  	[tilespmem:s6+$0x300] =	vst v0  }
0x27: {  	[tilespmem:s6+$0x310] =	vst v0  }
0x28: {  	[tilespmem:s6+$0x320] =	vst v0  }
0x29: {  	[tilespmem:s6+$0x330] =	vst v0  }
0x2a: {  	[tilespmem:s6+$0x340] =	vst v0  }
0x2b: {  	[tilespmem:s6+$0x350] =	vst v0  }
0x2c: {  	[tilespmem:s6+$0x360] =	vst v0  }
0x2d: {  	[spmem:s5] =	stream.linear.scatter [tilespmem:s20], [sflag:$0x7], $0x4000, $0x38;
	[tilespmem:$0x1FF00] =	vst v63  }
0x2e: {  	_ =	swait.ge [sflag:s21], $0x4000  }
0x2f: {  	[sflag:s21] =	ssyncset.done $0x0  }
0x30: {  	s14 =	rddreg [dreg:$0x4];
	[sflag:s21] =	ssyncadd.s32 $0xFFFFC000  }
0x31: {  	[spmem:s14] =	stream.linear.scatter [tilespmem:s20], [sflag:$0x7], $0x4000, $0x38;
	[tilespmem:$0x1FF00] =	vst v63  }
0x32: {  	_ =	swait.ge [sflag:s21], $0x4000  }
0x33: {  	[sflag:s21] =	ssyncset.done $0x0  }
0x34: {  	s15 =	rddreg [dreg:$0x5];
	[sflag:s21] =	ssyncadd.s32 $0xFFFFC000  }
0x35: {  	[spmem:s15] =	stream.linear.scatter [tilespmem:s20], [sflag:$0x7], $0x4000, $0x38;
	[tilespmem:$0x1FF00] =	vst v63  }
0x36: {  	_ =	swait.ge [sflag:s21], $0x4000  }
0x37: {  	[sflag:s21] =	ssyncset.done $0x0  }
0x38: {  	s7 =	rddreg [dreg:$0x6];
	[sflag:s21] =	ssyncadd.s32 $0xFFFFC000  }
0x39: {  	[spmem:s7] =	stream.linear.scatter [tilespmem:s20], [sflag:$0x7], $0x4000, $0x38;
	[tilespmem:$0x1FF00] =	vst v63  }
0x3a: {  	_ =	swait.ge [sflag:s21], $0x4000  }
0x3b: {  	[sflag:s21] =	ssyncset.done $0x0  }
0x3c: {  	s8 =	rddreg [dreg:$0x7];
	[sflag:s21] =	ssyncadd.s32 $0xFFFFC000  }
0x3d: {  	[spmem:s8] =	stream.linear.scatter [tilespmem:s20], [sflag:$0x7], $0x3C00, $0x38;
	[tilespmem:$0x1FF00] =	vst v63  }
0x3e: {  	_ =	swait.ge [sflag:s21], $0x3C00  }
0x3f: {  	[sflag:s21] =	ssyncset.done $0x0  }
0x40: {  	[sflag:s21] =	ssyncadd.s32 $0xFFFFC400  }
0x41: {  	[bflag:$0x0] =	sbarrier.arrive $0xFFFF  }
0x42: {  	s9 =	simm.s32 $0x0;
	s7 =	rddreg [dreg:$0x8]  }
0x43: {  	[tilespmem:s9], [sflag:$0x7] =	stream.linear.gather [hbm4b:s7+s9], $0x80, $0x38;
	[tilespmem:$0x1FF00] =	vst v63  }
0x44: {  	_ =	swait.ge [sflag:s21], $0x80  }
0x45: {  	[sflag:s21] =	ssyncset.done $0x0  }
0x46: {  	s10 =	rddreg [dreg:$0x9];
	[sflag:s21] =	ssyncadd.s32 $0xFFFFFF80  }
0x47: {  	[tilespmem:s22], [sflag:$0x7] =	stream.linear.gather [hbm4b:s10+s9], $0x80, $0x38;
	[tilespmem:$0x1FF00] =	vst v63  }
0x48: {  	_ =	swait.ge [sflag:s21], $0x80  }
0x49: {  	[sflag:s21] =	ssyncset.done $0x0  }
0x4a: {  	[sflag:s21] =	ssyncadd.s32 $0xFFFFFF80  }
0x4b: {  	[tilespmem:s20], [sflag:$0x1] =	stream.indirect.gather [hbm4b:s4+s23], $0x80, s9, s23, $0xb8;
	[tilespmem:$0x1FF00] =	vst v63  }
0x4c: {  	s11 =	rddreg [dreg:$0xa]  }
0x4d: {  	[tilespmem:s23], [sflag:$0x7] =	stream.linear.gather [hbm4b:s11+s9], $0x80, $0x38;
	[tilespmem:$0x1FF00] =	vst v63  }
0x4e: {  	_ =	swait.ge [sflag:s21], $0x80  }
0x4f: {  	[sflag:s21] =	ssyncset.done $0x0  }
0x50: {  	s8 =	simm.s32 $0x200;
	s12 =	rddreg [dreg:$0xb];
	[sflag:s21] =	ssyncadd.s32 $0xFFFFFF80  }
0x51: {  	[tilespmem:s8], [sflag:$0x7] =	stream.linear.gather [hbm4b:s12+s9], $0x80, $0x38;
	[tilespmem:$0x1FF00] =	vst v63  }
0x52: {  	_ =	swait.ge [sflag:s21], $0x80  }
0x53: {  	p1 =	por $0x1, $0x1;
	[sflag:s21] =	ssyncset.done $0x0  }
0x54: {  	s13 =	simm.s32 $0x4300;
	s6 =	simm.s32 @!p1 $0x6;
	[sflag:s21] =	ssyncadd.s32 $0xFFFFFF80  }
0x55: {  	[tilespmem:s13], [sflag:$0x2] =	stream.indirect.gather [hbm4b:s4+s23], $0x80, s23, s23, $0xb8;
	[tilespmem:$0x1FF00] =	vst v63  }
0x56: {  	_ =	swait.ge @!p1 [sflag:s6], $0x4000  }
0x57: {  	s14 =	sadd.s32 $0x0, s18;
	[sflag:s6] =	ssyncset.done @!p1 $0x0  }
0x58: {  	s7 =	sadd.s32 $0x20, s14;
	[sflag:s6] =	ssyncadd.s32 @!p1 $0xFFFFC000  }
0x59: {  	[tilespmem:s26], [sflag:$0x7] =	stream.linear.gather [hbm4b:s7+s2], $0x80, $0x38;
	[tilespmem:$0x1FF00] =	vst v63  }
0x5a: {  	_ =	swait.ge [sflag:s21], $0x80  }
0x5b: {  	s15 =	sadd.s32 $0x0, s19;
	[sflag:s21] =	ssyncset.done $0x0  }
0x5c: {  	s6 =	sadd.s32 $0x20, s15;
	[sflag:s21] =	ssyncadd.s32 $0xFFFFFF80  }
0x5d: {  	[tilespmem:s28], [sflag:$0x7] =	stream.linear.gather [hbm4b:s6+s2], $0x80, $0x38;
	[tilespmem:$0x1FF00] =	vst v63  }
0x5e: {  	_ =	swait.ge [sflag:s21], $0x80  }
0x5f: {  	[sflag:s21] =	ssyncset.done $0x0  }
0x60: {  	[sflag:s21] =	ssyncadd.s32 $0xFFFFFF80  }
0x61: {  	[tilespmem:s29], [sflag:$0x3] =	stream.indirect.gather [hbm4b:s4+s23], $0x80, s26, s23, $0xb8;
	[tilespmem:$0x1FF00] =	vst v63  }
0x62: {  	_ =	swait.ge [sflag:s30], $0x4000  }
0x63: {  	p1 =	por $0x0, $0x0;
	[sflag:s30] =	ssyncset.done $0x0  }
0x64: {  	s6 =	simm.s32 @p1 $0x2;
	[sflag:s30] =	ssyncadd.s32 $0xFFFFC000  }
0x65: {  	[spmem:s1] =	stream.indirect.scatter.add.f32 [tilespmem:s20], [sflag:$0x4], $0x80, s22, s23, $0xb8;
	[tilespmem:$0x1FF00] =	vst v63  }
0x66: {  	_ =	swait.ge @p1 [sflag:s6], $0x4000  }
0x67: {  	s7 =	simm.s32 @p1 $0x4300;
	s8 =	simm.s32 @p1 $0x80;
	[sflag:s6] =	ssyncset.done @p1 $0x0  }
0x68: {  	s9 =	simm.s32 @p1 $0x200;
	[sflag:s6] =	ssyncadd.s32 @p1 $0xFFFFC000;
	s6 =	simm.s32 @!p1 $0x4  }
0x69: {  	[spmem:s1] =	stream.indirect.scatter.add.f32 @p1 [tilespmem:s7], [sflag:$0x5], $0x80, s9, s8, $0xb8;
	[tilespmem:$0x1FF00] =	vst v63  }
0x6a: {  	_ =	swait.ge @!p1 [sflag:s6], $0x4000  }
0x6b: {  	s7 =	sadd.s32 @!p1 $0x0, s18;
	s9 =	simm.s32 @!p1 $0x0;
	[sflag:s6] =	ssyncset.done @!p1 $0x0  }
0x6c: {  	s8 =	sadd.s32 @!p1 $0x30, s7;
	[sflag:s6] =	ssyncadd.s32 @!p1 $0xFFFFC000;
	s6 =	simm.s32 @!p1 $0x7  }
0x6d: {  	[tilespmem:s9], [sflag:$0x7] =	stream.linear.gather @!p1 [hbm4b:s8+s9], $0x80, $0x38;
	[tilespmem:$0x1FF00] =	vst v63  }
0x6e: {  	_ =	swait.ge @!p1 [sflag:s6], $0x80  }
0x6f: {  	s8 =	sadd.s32 @!p1 $0x0, s19;
	[sflag:s6] =	ssyncset.done @!p1 $0x0  }
0x70: {  	s11 =	simm.s32 @!p1 $0x180;
	s10 =	sadd.s32 @!p1 $0x30, s8;
	[sflag:s6] =	ssyncadd.s32 @!p1 $0xFFFFFF80  }
0x71: {  	[tilespmem:s11], [sflag:$0x7] =	stream.linear.gather @!p1 [hbm4b:s10+s9], $0x80, $0x38;
	[tilespmem:$0x1FF00] =	vst v63  }
0x72: {  	_ =	swait.ge @!p1 [sflag:s6], $0x80  }
0x73: {  	s12 =	simm.s32 @!p1 $0x2;
	[sflag:s6] =	ssyncset.done @!p1 $0x0  }
0x74: {  	s10 =	simm.s32 @!p1 $0x80;
	s11 =	simm.s32 @!p1 $0x300;
	[sflag:s6] =	ssyncadd.s32 @!p1 $0xFFFFFF80  }
0x75: {  	[tilespmem:s11], [sflag:$0x1] =	stream.indirect.gather @!p1 [hbm4b:s4+s10], $0x80, s9, s10, $0xb8;
	[tilespmem:$0x1FF00] =	vst v63  }
0x76: {  	_ =	swait.ge @!p1 [sflag:s12], $0x4000  }
0x77: {  	s13 =	simm.s32 @!p1 $0x4300;
	[sflag:s12] =	ssyncset.done @!p1 $0x0  }
0x78: {  	s11 =	simm.s32 @!p1 $0x200;
	[sflag:s12] =	ssyncadd.s32 @!p1 $0xFFFFC000;
	s12 =	simm.s32 @!p1 $0x5  }
0x79: {  	[spmem:s1] =	stream.indirect.scatter.add.f32 @!p1 [tilespmem:s13], [sflag:$0x5], $0x80, s11, s10, $0xb8;
	[tilespmem:$0x1FF00] =	vst v63  }
0x7a: {  	_ =	swait.ge @!p1 [sflag:s12], $0x4000  }
0x7b: {  	[sflag:s12] =	ssyncset.done @!p1 $0x0  }
0x7c: {  	s7 =	sadd.s32 @!p1 $0x40, s7;
	[sflag:s12] =	ssyncadd.s32 @!p1 $0xFFFFC000  }
0x7d: {  	[tilespmem:s10], [sflag:$0x7] =	stream.linear.gather @!p1 [hbm4b:s7+s9], $0x80, $0x38;
	[tilespmem:$0x1FF00] =	vst v63  }
0x7e: {  	_ =	swait.ge @!p1 [sflag:s6], $0x80  }
0x7f: {  	[sflag:s6] =	ssyncset.done @!p1 $0x0  }
0x80: {  	s7 =	sadd.s32 @!p1 $0x40, s8;
	[sflag:s6] =	ssyncadd.s32 @!p1 $0xFFFFFF80  }
0x81: {  	[tilespmem:s11], [sflag:$0x7] =	stream.linear.gather @!p1 [hbm4b:s7+s9], $0x80, $0x38;
	[tilespmem:$0x1FF00] =	vst v63  }
0x82: {  	_ =	swait.ge @!p1 [sflag:s6], $0x80  }
0x83: {  	[sflag:s6] =	ssyncset.done @!p1 $0x0  }
0x84: {  	p2 =	por $0x0, $0x0;
	[sflag:s6] =	ssyncadd.s32 @!p1 $0xFFFFFF80  }
0x85: {  	[tilespmem:s13], [sflag:$0x2] =	stream.indirect.gather @!p1 [hbm4b:s4+s10], $0x80, s10, s10, $0xb8;
	[tilespmem:$0x1FF00] =	vst v63  }
0x86: {  	s7 =	simm.s32 $0x60;
	s6 =	simm.s32 $0x30;
	_ =	swait.ge [sflag:s31], $0x4000  }
.LBB2_4:
0x87: {  	s9 =	simm.s32 @!p2 $0x6  }
0x88: {  	[sflag:s31] =	ssyncset.done $0x0;
	s8 =	smov.u32 s7;
	s7 =	sadd.s32 $0x30, s7  }
0x89: {  	p1 =	sne.s32 s7, $0x4E0;
	[sflag:s31] =	ssyncadd.s32 $0xFFFFC000  }
0x8a: {  	[spmem:s1] =	stream.indirect.scatter.add.f32 [tilespmem:s29], [sflag:$0x6], $0x80, s28, s23, $0xb8;
	[tilespmem:$0x1FF00] =	vst v63  }
0x8b: {  	s10 =	sadd.s32 s6, s18;
	_ =	swait.ge @!p2 [sflag:s9], $0x4000  }
0x8c: {  	s10 =	sadd.s32 $0x20, s10;
	[sflag:s9] =	ssyncset.done @!p2 $0x0  }
0x8d: {  	[sflag:s9] =	ssyncadd.s32 @!p2 $0xFFFFC000  }
0x8e: {  	[tilespmem:s26], [sflag:$0x7] =	stream.linear.gather [hbm4b:s10+s2], $0x80, $0x38;
	[tilespmem:$0x1FF00] =	vst v63  }
0x8f: {  	s9 =	sadd.s32 s6, s19;
	_ =	swait.ge [sflag:s21], $0x80  }
0x90: {  	s9 =	sadd.s32 $0x20, s9;
	[sflag:s21] =	ssyncset.done $0x0  }
0x91: {  	[sflag:s21] =	ssyncadd.s32 $0xFFFFFF80  }
0x92: {  	[tilespmem:s28], [sflag:$0x7] =	stream.linear.gather [hbm4b:s9+s2], $0x80, $0x38;
	[tilespmem:$0x1FF00] =	vst v63  }
0x93: {  	_ =	swait.ge [sflag:s21], $0x80  }
0x94: {  	[sflag:s21] =	ssyncset.done $0x0  }
0x95: {  	[sflag:s21] =	ssyncadd.s32 $0xFFFFFF80  }
0x96: {  	[tilespmem:s29], [sflag:$0x3] =	stream.indirect.gather [hbm4b:s4+s23], $0x80, s26, s23, $0xb8;
	[tilespmem:$0x1FF00] =	vst v63  }
0x97: {  	_ =	swait.ge [sflag:s30], $0x4000  }
0x98: {  	p2 =	seq.s32 s6, $0x4B0;
	[sflag:s30] =	ssyncset.done $0x0  }
0x99: {  	s10 =	sadd.s32 @!p2 s6, s18;
	s9 =	simm.s32 @p2 $0x2;
	[sflag:s30] =	ssyncadd.s32 $0xFFFFC000  }
0x9a: {  	[spmem:s1] =	stream.indirect.scatter.add.f32 [tilespmem:s20], [sflag:$0x4], $0x80, s22, s23, $0xb8;
	[tilespmem:$0x1FF00] =	vst v63  }
0x9b: {  	s11 =	simm.s32 @p2 $0x4300;
	s12 =	sadd.s32 @!p2 $0x30, s10;
	_ =	swait.ge @p2 [sflag:s9], $0x4000  }
0x9c: {  	s13 =	simm.s32 @p2 $0x80;
	s14 =	simm.s32 @p2 $0x200;
	[sflag:s9] =	ssyncset.done @p2 $0x0  }
0x9d: {  	s6 =	sadd.s32 @!p2 s6, s19;
	[sflag:s9] =	ssyncadd.s32 @p2 $0xFFFFC000;
	s9 =	simm.s32 @!p2 $0x4  }
0x9e: {  	[spmem:s1] =	stream.indirect.scatter.add.f32 @p2 [tilespmem:s11], [sflag:$0x5], $0x80, s14, s13, $0xb8;
	[tilespmem:$0x1FF00] =	vst v63  }
0x9f: {  	s10 =	sadd.s32 @!p2 $0x40, s10;
	s11 =	sadd.s32 @!p2 $0x30, s6;
	_ =	swait.ge @!p2 [sflag:s9], $0x4000  }
0xa0: {  	s13 =	simm.s32 @!p2 $0x0;
	s14 =	sadd.s32 @!p2 $0x40, s6;
	[sflag:s9] =	ssyncset.done @!p2 $0x0  }
0xa1: {  	s6 =	smov.u32 s8;
	[sflag:s9] =	ssyncadd.s32 @!p2 $0xFFFFC000;
	s9 =	simm.s32 @!p2 $0x7  }
0xa2: {  	[tilespmem:s13], [sflag:$0x7] =	stream.linear.gather @!p2 [hbm4b:s12+s13], $0x80, $0x38;
	[tilespmem:$0x1FF00] =	vst v63  }
0xa3: {  	_ =	swait.ge @!p2 [sflag:s9], $0x80  }
0xa4: {  	s8 =	simm.s32 @!p2 $0x180;
	[sflag:s9] =	ssyncset.done @!p2 $0x0  }
0xa5: {  	[sflag:s9] =	ssyncadd.s32 @!p2 $0xFFFFFF80  }
0xa6: {  	[tilespmem:s8], [sflag:$0x7] =	stream.linear.gather @!p2 [hbm4b:s11+s13], $0x80, $0x38;
	[tilespmem:$0x1FF00] =	vst v63  }
0xa7: {  	_ =	swait.ge @!p2 [sflag:s9], $0x80  }
0xa8: {  	s8 =	simm.s32 @!p2 $0x80;
	s11 =	simm.s32 @!p2 $0x300;
	[sflag:s9] =	ssyncset.done @!p2 $0x0  }
0xa9: {  	s12 =	simm.s32 @!p2 $0x2;
	[sflag:s9] =	ssyncadd.s32 @!p2 $0xFFFFFF80  }
0xaa: {  	[tilespmem:s11], [sflag:$0x1] =	stream.indirect.gather @!p2 [hbm4b:s4+s8], $0x80, s13, s8, $0xb8;
	[tilespmem:$0x1FF00] =	vst v63  }
0xab: {  	_ =	swait.ge @!p2 [sflag:s12], $0x4000  }
0xac: {  	s15 =	simm.s32 @!p2 $0x4300;
	s11 =	simm.s32 @!p2 $0x200;
	[sflag:s12] =	ssyncset.done @!p2 $0x0  }
0xad: {  	[sflag:s12] =	ssyncadd.s32 @!p2 $0xFFFFC000;
	s12 =	simm.s32 @!p2 $0x5  }
0xae: {  	[spmem:s1] =	stream.indirect.scatter.add.f32 @!p2 [tilespmem:s15], [sflag:$0x5], $0x80, s11, s8, $0xb8;
	[tilespmem:$0x1FF00] =	vst v63  }
0xaf: {  	_ =	swait.ge @!p2 [sflag:s12], $0x4000  }
0xb0: {  	[sflag:s12] =	ssyncset.done @!p2 $0x0  }
0xb1: {  	[sflag:s12] =	ssyncadd.s32 @!p2 $0xFFFFC000  }
0xb2: {  	[tilespmem:s8], [sflag:$0x7] =	stream.linear.gather @!p2 [hbm4b:s10+s13], $0x80, $0x38;
	[tilespmem:$0x1FF00] =	vst v63  }
0xb3: {  	_ =	swait.ge @!p2 [sflag:s9], $0x80  }
0xb4: {  	[sflag:s9] =	ssyncset.done @!p2 $0x0  }
0xb5: {  	[sflag:s9] =	ssyncadd.s32 @!p2 $0xFFFFFF80  }
0xb6: {  	[tilespmem:s11], [sflag:$0x7] =	stream.linear.gather @!p2 [hbm4b:s14+s13], $0x80, $0x38;
	[tilespmem:$0x1FF00] =	vst v63  }
.Ltmp1:
0xb7: {  	_ =	swait.ge @!p2 [sflag:s9], $0x80;
	(pc) =	sbr.rel @p1 .LBB2_4-.Ltmp1, $4  }
0xb8: {  	[sflag:s9] =	ssyncset.done @!p2 $0x0  }
0xb9: {  	[sflag:s9] =	ssyncadd.s32 @!p2 $0xFFFFFF80  }
0xba: {  	[tilespmem:s15], [sflag:$0x2] =	stream.indirect.gather @!p2 [hbm4b:s4+s8], $0x80, s8, s8, $0xb8;
	[tilespmem:$0x1FF00] =	vst v63  }
0xbb: {  	p2 =	seq.s32 s6, $0x0;
	_ =	swait.ge [sflag:s31], $0x4000  }
0xbc: {  	[sflag:s31] =	ssyncset.done $0x0  }
0xbd: {  	s7 =	simm.s32 @!p2 $0x6;
	[sflag:s31] =	ssyncadd.s32 $0xFFFFC000  }
0xbe: {  	[spmem:s1] =	stream.indirect.scatter.add.f32 [tilespmem:s29], [sflag:$0x6], $0x80, s28, s23, $0xb8;
	[tilespmem:$0x1FF00] =	vst v63  }
0xbf: {  	_ =	swait.ge @!p2 [sflag:s7], $0x4000  }
0xc0: {  	s8 =	sadd.s32 s6, s18;
	[sflag:s7] =	ssyncset.done @!p2 $0x0  }
0xc1: {  	s8 =	sadd.s32 $0x20, s8;
	[sflag:s7] =	ssyncadd.s32 @!p2 $0xFFFFC000  }
0xc2: {  	[tilespmem:s26], [sflag:$0x7] =	stream.linear.gather [hbm4b:s8+s2], $0x80, $0x38;
	[tilespmem:$0x1FF00] =	vst v63  }
0xc3: {  	_ =	swait.ge [sflag:s21], $0x80  }
0xc4: {  	s13 =	sadd.s32 s6, s19;
	[sflag:s21] =	ssyncset.done $0x0  }
0xc5: {  	s7 =	sadd.s32 $0x20, s13;
	[sflag:s21] =	ssyncadd.s32 $0xFFFFFF80  }
0xc6: {  	[tilespmem:s28], [sflag:$0x7] =	stream.linear.gather [hbm4b:s7+s2], $0x80, $0x38;
	[tilespmem:$0x1FF00] =	vst v63  }
0xc7: {  	_ =	swait.ge [sflag:s21], $0x80  }
0xc8: {  	[sflag:s21] =	ssyncset.done $0x0  }
0xc9: {  	[sflag:s21] =	ssyncadd.s32 $0xFFFFFF80  }
0xca: {  	[tilespmem:s29], [sflag:$0x3] =	stream.indirect.gather [hbm4b:s4+s23], $0x80, s26, s23, $0xb8;
	[tilespmem:$0x1FF00] =	vst v63  }
0xcb: {  	_ =	swait.ge [sflag:s30], $0x4000  }
0xcc: {  	p1 =	seq.s32 s6, $0x4B0;
	[sflag:s30] =	ssyncset.done $0x0  }
0xcd: {  	s7 =	simm.s32 @p1 $0x2;
	[sflag:s30] =	ssyncadd.s32 $0xFFFFC000  }
0xce: {  	[spmem:s1] =	stream.indirect.scatter.add.f32 [tilespmem:s20], [sflag:$0x4], $0x80, s22, s23, $0xb8;
	[tilespmem:$0x1FF00] =	vst v63  }
0xcf: {  	_ =	swait.ge @p1 [sflag:s7], $0x4000  }
0xd0: {  	s9 =	simm.s32 @p1 $0x80;
	s10 =	simm.s32 @p1 $0x200;
	[sflag:s7] =	ssyncset.done @p1 $0x0  }
0xd1: {  	s8 =	simm.s32 @p1 $0x4300;
	[sflag:s7] =	ssyncadd.s32 @p1 $0xFFFFC000;
	s7 =	simm.s32 @!p1 $0x4  }
0xd2: {  	[spmem:s1] =	stream.indirect.scatter.add.f32 @p1 [tilespmem:s8], [sflag:$0x5], $0x80, s10, s9, $0xb8;
	[tilespmem:$0x1FF00] =	vst v63  }
0xd3: {  	_ =	swait.ge @!p1 [sflag:s7], $0x4000  }
0xd4: {  	s8 =	sadd.s32 @!p1 s6, s18;
	s10 =	simm.s32 @!p1 $0x0;
	[sflag:s7] =	ssyncset.done @!p1 $0x0  }
0xd5: {  	s9 =	sadd.s32 @!p1 $0x30, s8;
	[sflag:s7] =	ssyncadd.s32 @!p1 $0xFFFFC000;
	s7 =	simm.s32 @!p1 $0x7  }
0xd6: {  	[tilespmem:s10], [sflag:$0x7] =	stream.linear.gather @!p1 [hbm4b:s9+s10], $0x80, $0x38;
	[tilespmem:$0x1FF00] =	vst v63  }
0xd7: {  	_ =	swait.ge @!p1 [sflag:s7], $0x80  }
0xd8: {  	s6 =	sadd.s32 @!p1 s6, s19;
	[sflag:s7] =	ssyncset.done @!p1 $0x0  }
0xd9: {  	s11 =	simm.s32 @!p1 $0x180;
	s9 =	sadd.s32 @!p1 $0x30, s6;
	[sflag:s7] =	ssyncadd.s32 @!p1 $0xFFFFFF80  }
0xda: {  	[tilespmem:s11], [sflag:$0x7] =	stream.linear.gather @!p1 [hbm4b:s9+s10], $0x80, $0x38;
	[tilespmem:$0x1FF00] =	vst v63  }
0xdb: {  	_ =	swait.ge @!p1 [sflag:s7], $0x80  }
0xdc: {  	s12 =	simm.s32 @!p1 $0x2;
	[sflag:s7] =	ssyncset.done @!p1 $0x0  }
0xdd: {  	s9 =	simm.s32 @!p1 $0x80;
	s11 =	simm.s32 @!p1 $0x300;
	[sflag:s7] =	ssyncadd.s32 @!p1 $0xFFFFFF80  }
0xde: {  	[tilespmem:s11], [sflag:$0x1] =	stream.indirect.gather @!p1 [hbm4b:s4+s9], $0x80, s10, s9, $0xb8;
	[tilespmem:$0x1FF00] =	vst v63  }
0xdf: {  	_ =	swait.ge @!p1 [sflag:s12], $0x4000  }
0xe0: {  	s13 =	simm.s32 @!p1 $0x4300;
	[sflag:s12] =	ssyncset.done @!p1 $0x0  }
0xe1: {  	s11 =	simm.s32 @!p1 $0x200;
	[sflag:s12] =	ssyncadd.s32 @!p1 $0xFFFFC000;
	s12 =	simm.s32 @!p1 $0x5  }
0xe2: {  	[spmem:s1] =	stream.indirect.scatter.add.f32 @!p1 [tilespmem:s13], [sflag:$0x5], $0x80, s11, s9, $0xb8;
	[tilespmem:$0x1FF00] =	vst v63  }
0xe3: {  	_ =	swait.ge @!p1 [sflag:s12], $0x4000  }
0xe4: {  	[sflag:s12] =	ssyncset.done @!p1 $0x0  }
0xe5: {  	s8 =	sadd.s32 @!p1 $0x40, s8;
	[sflag:s12] =	ssyncadd.s32 @!p1 $0xFFFFC000  }
0xe6: {  	[tilespmem:s9], [sflag:$0x7] =	stream.linear.gather @!p1 [hbm4b:s8+s10], $0x80, $0x38;
	[tilespmem:$0x1FF00] =	vst v63  }
0xe7: {  	_ =	swait.ge @!p1 [sflag:s7], $0x80  }
0xe8: {  	[sflag:s7] =	ssyncset.done @!p1 $0x0  }
0xe9: {  	s6 =	sadd.s32 @!p1 $0x40, s6;
	[sflag:s7] =	ssyncadd.s32 @!p1 $0xFFFFFF80  }
0xea: {  	[tilespmem:s11], [sflag:$0x7] =	stream.linear.gather @!p1 [hbm4b:s6+s10], $0x80, $0x38;
	[tilespmem:$0x1FF00] =	vst v63  }
0xeb: {  	_ =	swait.ge @!p1 [sflag:s7], $0x80  }
0xec: {  	[sflag:s7] =	ssyncset.done @!p1 $0x0  }
0xed: {  	[sflag:s7] =	ssyncadd.s32 @!p1 $0xFFFFFF80  }
0xee: {  	[tilespmem:s13], [sflag:$0x2] =	stream.indirect.gather @!p1 [hbm4b:s4+s9], $0x80, s9, s9, $0xb8;
	[tilespmem:$0x1FF00] =	vst v63  }
0xef: {  	_ =	swait.ge [sflag:s31], $0x4000  }
0xf0: {  	[sflag:s31] =	ssyncset.done $0x0  }
0xf1: {  	[sflag:s31] =	ssyncadd.s32 $0xFFFFC000  }
0xf2: {  	[spmem:s1] =	stream.indirect.scatter.add.f32 [tilespmem:s29], [sflag:$0x6], $0x80, s28, s23, $0xb8;
	[tilespmem:$0x1FF00] =	vst v63  }
0xf3: {  	_ =	swait.ge [sflag:s0], $0x4000  }
0xf4: {  	[sflag:s0] =	ssyncset.done $0x0  }
0xf5: {  	[sflag:s0] =	ssyncadd.s32 $0xFFFFC000  }
0xf6: {  	_ =	swait.ge [sflag:s24], $0x4000  }
0xf7: {  	[sflag:s24] =	ssyncset.done $0x0  }
0xf8: {  	[sflag:s24] =	ssyncadd.s32 $0xFFFFC000  }
0xf9: {  	_ =	swait.ge [sflag:s25], $0x4000  }
0xfa: {  	[sflag:s25] =	ssyncset.done $0x0  }
0xfb: {  	s6 =	simm.s32 @!p0 $0x0;
	s7 =	rddreg [dreg:$0xc];
	[sflag:s25] =	ssyncadd.s32 $0xFFFFC000  }
0xfc: {  	[tilespmem:s6], [sflag:$0x7] =	stream.linear.gather @!p0 [hbm4b:s7+s6], $0x80, $0x38;
	[tilespmem:$0x1FF00] =	vst v63  }
0xfd: {  	s7 =	simm.s32 @!p0 $0x7  }
0xfe: {  	_ =	swait.ge @!p0 [sflag:s7], $0x80  }
0xff: {  	[sflag:s7] =	ssyncset.done @!p0 $0x0  }
0x100: {  	s8 =	simm.s32 @!p0 $0x180;
	s9 =	rddreg [dreg:$0xd];
	[sflag:s7] =	ssyncadd.s32 @!p0 $0xFFFFFF80  }
0x101: {  	[tilespmem:s8], [sflag:$0x7] =	stream.linear.gather @!p0 [hbm4b:s9+s6], $0x80, $0x38;
	[tilespmem:$0x1FF00] =	vst v63  }
0x102: {  	_ =	swait.ge @!p0 [sflag:s7], $0x80  }
0x103: {  	[sflag:s7] =	ssyncset.done @!p0 $0x0  }
0x104: {  	s9 =	simm.s32 @!p0 $0x300;
	[sflag:s7] =	ssyncadd.s32 @!p0 $0xFFFFFF80;
	s7 =	simm.s32 @!p0 $0x80  }
0x105: {  	[tilespmem:s9], [sflag:$0x1] =	stream.indirect.gather @!p0 [hbm4b:s4+s7], $0x80, s6, s7, $0xb8;
	[tilespmem:$0x1FF00] =	vst v63  }
0x106: {  	s6 =	simm.s32 @!p0 $0x1  }
0x107: {  	_ =	swait.ge @!p0 [sflag:s6], $0x4000  }
0x108: {  	[sflag:s6] =	ssyncset.done @!p0 $0x0  }
0x109: {  	[sflag:s6] =	ssyncadd.s32 @!p0 $0xFFFFC000;
	s6 =	simm.s32 @!p0 $0x4  }
0x10a: {  	[spmem:s1] =	stream.indirect.scatter.add.f32 @!p0 [tilespmem:s9], [sflag:$0x4], $0x80, s8, s7, $0xb8;
	[tilespmem:$0x1FF00] =	vst v63  }
0x10b: {  	s14 =	stileid.u32;
	_ =	swait.ge @!p0 [sflag:s6], $0x4000  }
0x10c: {  	s15 =	sshrl.u32 s5, $0x3;
	s3 =	sadd.s32 $0x1, s3;
	[sflag:s6] =	ssyncset.done @!p0 $0x0  }
0x10d: {  	p1 =	sne.s32 s3, s17;
	[sflag:s6] =	ssyncadd.s32 @!p0 $0xFFFFC000;
	s6 =	sshll.u32 s14, $0x6  }
.Ltmp2:
0x10e: {  	[bflag:$0x0] =	sbarrier.arrive $0xFFFF;
	s6 =	sor.u32 $0x1C07, s6;
	(pc) =	sbr.rel @p1 .LBB2_1-.Ltmp2, $4  }
0x10f: {  	[hbm:s16], [sflag:s6] =	dma.local [spmem:s15], $0x2780  }
0x110: {  	_ =	swait.ge [sflag:s21], $0x2780  }
0x111: {  	[sflag:s21] =	ssyncset.done $0x0  }
0x112: {  	[sflag:s21] =	ssyncadd.s32 $0xFFFFD880  }
0x113: {  	_ =	sfence.sel $0x180000  }
0x114: {  	[bflag:$0x0] =	sbarrier.arrive $0xFFFF  }
0x115: {  	_ =	strace $0x9000004D  }
0x116: {  	s0 =	stileid.u32;
	[bflag:$0x2] =	sbarrier.arrive $0xFFFF  }
0x117: {  	p0 =	sne.s32 s0, $0x0;
	s0 =	rddreg [dreg:$0x3]  }
0x118: {  	s0 =	sadd.s32 @!p0 $0x100000, s0  }
0x119: {  	[sflag:s0] =	ssyncadd.tile.s32 @!p0 $0x1;
	_ =	shalt  }
.Lfunc_end2:
_tile_overlayer_lowered:
.L_overlay_start_2:
0x11a: {  	(tag) =	ssettag $0x2  }
0x11b: {  	s0 =	rddreg [dreg:$0x0];
	s2 =	stileid.u32  }
0x11c: {  	s1 =	rddreg [dreg:$0x1];
	p0 =	sne.s32 s2, $0x0  }
0x11d: {  	s3 =	rddreg [dreg:$0x2];
	[bflag:$0x3] =	sbarrier.arrive $0xFFFF;
	s2 =	simm.s32 @!p0 $0x1C07  }
0x11e: {  	[timem:s3], [sflag:s2] =	dma.local @!p0 [hbm:s0], s1  }
0x11f: {  	s0 =	simm.s32 @!p0 $0x7  }
0x120: {  	_ =	swait.ge @!p0 [sflag:s0], s1  }
0x121: {  	s1 =	ssub.s32 @!p0 $0x0, s1;
	[sflag:s0] =	ssyncset.done @!p0 $0x0  }
0x122: {  	[sflag:s0] =	ssyncadd.s32 @!p0 s1  }
0x123: {  	[bflag:$0x3] =	sbarrier.arrive $0xFFFF  }
0x124: {  	_ =	shalt  }

// kernel: kernel.8.cloned.1.call-start
scs
__scs_entry_jumppad:
0x0: {  	(pc) =	sbr.rel $0x88, $3  }
0x1: {  	(tag) =	ssettag $0x0;
	lr =	simm.s32 $0x1  }
0x2: {  	[smem:$0x3F99] =	sst lr;
	_ =	strace $0xD0000000  }
0x3: {  	_ = 	snop  }
0x4: {  	_ = 	snop  }
0x5: {  	_ = 	snop  }
0x6: {  	_ = 	snop  }
0x7: {  	_ = 	snop  }
__scs_overlays_trampoline_lowered:
0x8: {  	[smem:$0x3FA8] =	sst s0  }
0x9: {  	[smem:$0x3FA9] =	sst s1  }
0xa: {  	[smem:$0x3FAA] =	sst s2  }
0xb: {  	[smem:$0x3FAB] =	sst s3  }
0xc: {  	[smem:$0x3FAC] =	sst s4  }
0xd: {  	[smem:$0x3FAD] =	sst s5  }
0xe: {  	[smem:$0x3FAE] =	sst s6  }
0xf: {  	[smem:$0x3FAF] =	sst s7  }
0x10: {  	[smem:$0x3FB0] =	sst s8  }
0x11: {  	[smem:$0x3FB1] =	sst s9;
	s0 =	simm.s32 @!p0 $0x0  }
0x12: {  	s1 =	sld [smem:$0x3F97];
	s0 =	simm.s32 @p0 $0x1  }
0x13: {  	[smem:$0x3FB2] =	sst s0;
	s0 =	simm.s32 @!p1 $0x0  }
0x14: {  	s2 =	sld [smem:$0x3F96];
	s0 =	simm.s32 @p1 $0x1  }
0x15: {  	[smem:$0x3FB3] =	sst s0;
	s0 =	simm.s32 @!p2 $0x0  }
0x16: {  	s3 =	sld [smem:$0x3FDB];
	s0 =	simm.s32 @p2 $0x1  }
0x17: {  	s4 =	simm.s32 $0x1BF5;
	[smem:$0x3FB5] =	sst s0  }
0x18: {  	s0 =	sld [smem:$0x3F98];
	_ =	swait.ge [sflag:s4], $0x0  }
0x19: {  	s7 =	sld [smem:$0x3F99]  }
0x1a: {  	s8 =	sadd.s32 $0xFFFFE003, lr  }
0x1b: {  	s9 =	sadd.s32 $0xFFFFFEF7, lr;
	s5 =	simm.s32 $0xFFFFFFFF;
	p2 =	slt.u32 s8, $0xFFFFF086  }
0x1c: {  	p1 =	slt.u32 s9, $0xF7A;
	s5 =	simm.s32 @!p2 $0x0  }
0x1d: {  	s5 =	simm.s32 @p1 $0x1;
	p0 =	seq.s32 s7, s2  }
0x1e: {  	s7 =	smul.u32 @!p0 $0xF7A, s2;
	p2 =	seq.s32 @!p0 s5, $0x0  }
0x1f: {  	s9 =	smul.u32 $0xF7A, s1;
	s8 =	simm.s32 @!p0 $0x1BF5;
	p2 =	por !p2, p0  }
0x20: {  	[sflag:s8] =	ssyncset.s32 @!p0 $0xFFFFF086;
	s6 =	sadd.s32 @!p0 s3, s7;
	s7 =	simm.s32 @!p0 $0x108  }
0x21: {  	s3 =	sadd.s32 s3, s9;
	s6 =	sadd.s32 @!p0 $0x88, s6;
	s7 =	simm.s32 @p2 $0x1082  }
0x22: {  	[simem:s7], [sflag:s8] =	dma.local @!p0 [hbm:s6], $0xF7A  }
0x23: {  	s9 =	sor.u32 $0xD0000000, s2;
	s6 =	simm.s32 $0x108;
	_ =	swait.ge @!p0 [sflag:s8], $0x0  }
0x24: {  	s3 =	sadd.s32 $0x88, s3;
	s6 =	simm.s32 @!p1 $0x1082;
	[sflag:s4] =	ssyncset.s32 $0xFFFFF086  }
0x25: {  	[simem:s6], [sflag:s4] =	dma.local [hbm:s3], $0xF7A  }
0x26: {  	[smem:$0x3F99] =	sst s1;
	(tag) =	ssettag s2;
	_ =	strace s9  }
0x27: {  	s1 =	sld [smem:$0x3FA9]  }
0x28: {  	s2 =	sld [smem:$0x3FAA]  }
0x29: {  	s4 =	sld [smem:$0x3FAC]  }
0x2a: {  	p0 =	seq.s32 s5, $0x0;
	s5 =	sld [smem:$0x3FAD]  }
0x2b: {  	s6 =	sld [smem:$0x3FAE]  }
0x2c: {  	s7 =	sld [smem:$0x3FAF]  }
0x2d: {  	s3 =	simm.s32 $0x108;
	s8 =	sld [smem:$0x3FB0]  }
0x2e: {  	s3 =	simm.s32 @!p0 $0x1082;
	s9 =	sld [smem:$0x3FB1]  }
0x2f: {  	lr =	sadd.s32 s0, s3;
	s0 =	sld [smem:$0x3FA8]  }
0x30: {  	s3 =	sld [smem:$0x3FAB]  }
0x31: {  	[smem:$0x3FB4] =	sst s10  }
0x32: {  	s10 =	sld [smem:$0x3FB2];
	_ =	sdelay $0x3  }
0x33: {  	p0 =	seq.s32 s10, $0x1;
	s10 =	sld [smem:$0x3FB4];
	_ =	sdelay $0x3  }
0x34: {  	[smem:$0x3FB4] =	sst s10  }
0x35: {  	s10 =	sld [smem:$0x3FB3];
	_ =	sdelay $0x3  }
0x36: {  	p1 =	seq.s32 s10, $0x1;
	s10 =	sld [smem:$0x3FB4];
	_ =	sdelay $0x3  }
0x37: {  	[smem:$0x3FB4] =	sst s10  }
0x38: {  	s10 =	sld [smem:$0x3FB5]  }
0x39: {  	_ = 	snop;
	(pc) =	sbr.ind lr, $3  }
0x3a: {  	_ = 	snop  }
0x3b: {  	_ = 	snop  }
0x3c: {  	p2 =	seq.s32 s10, $0x1;
	s10 =	sld [smem:$0x3FB4]  }
0x3d: {  	_ =	shalt  }
0x3e: {  	_ =	shalt  }
0x3f: {  	_ =	shalt  }
0x40: {  	_ =	shalt  }
0x41: {  	_ =	shalt  }
0x42: {  	_ =	shalt  }
0x43: {  	_ =	shalt  }
0x44: {  	_ =	shalt  }
0x45: {  	_ =	shalt  }
0x46: {  	_ =	shalt  }
0x47: {  	_ =	shalt  }
0x48: {  	_ =	shalt  }
0x49: {  	_ =	shalt  }
0x4a: {  	_ =	shalt  }
0x4b: {  	_ =	shalt  }
0x4c: {  	_ =	shalt  }
0x4d: {  	_ =	shalt  }
0x4e: {  	_ =	shalt  }
0x4f: {  	_ =	shalt  }
0x50: {  	_ =	shalt  }
0x51: {  	_ =	shalt  }
0x52: {  	_ =	shalt  }
0x53: {  	_ =	shalt  }
0x54: {  	_ =	shalt  }
0x55: {  	_ =	shalt  }
0x56: {  	_ =	shalt  }
0x57: {  	_ =	shalt  }
0x58: {  	_ =	shalt  }
0x59: {  	_ =	shalt  }
0x5a: {  	_ =	shalt  }
0x5b: {  	_ =	shalt  }
0x5c: {  	_ =	shalt  }
0x5d: {  	_ =	shalt  }
0x5e: {  	_ =	shalt  }
0x5f: {  	_ =	shalt  }
0x60: {  	_ =	shalt  }
0x61: {  	_ =	shalt  }
0x62: {  	_ =	shalt  }
0x63: {  	_ =	shalt  }
0x64: {  	_ =	shalt  }
0x65: {  	_ =	shalt  }
0x66: {  	_ =	shalt  }
0x67: {  	_ =	shalt  }
0x68: {  	_ =	shalt  }
0x69: {  	_ =	shalt  }
0x6a: {  	_ =	shalt  }
0x6b: {  	_ =	shalt  }
0x6c: {  	_ =	shalt  }
0x6d: {  	_ =	shalt  }
0x6e: {  	_ =	shalt  }
0x6f: {  	_ =	shalt  }
0x70: {  	_ =	shalt  }
0x71: {  	_ =	shalt  }
0x72: {  	_ =	shalt  }
0x73: {  	_ =	shalt  }
0x74: {  	_ =	shalt  }
0x75: {  	_ =	shalt  }
0x76: {  	_ =	shalt  }
0x77: {  	_ =	shalt  }
0x78: {  	_ =	shalt  }
0x79: {  	_ =	shalt  }
0x7a: {  	_ =	shalt  }
0x7b: {  	_ =	shalt  }
0x7c: {  	_ =	shalt  }
0x7d: {  	_ =	shalt  }
0x7e: {  	_ =	shalt  }
0x7f: {  	_ =	shalt  }
0x80: {  	_ =	shalt  }
0x81: {  	_ =	shalt  }
0x82: {  	_ =	shalt  }
0x83: {  	_ =	shalt  }
0x84: {  	_ =	shalt  }
0x85: {  	_ =	shalt  }
0x86: {  	_ =	shalt  }
0x87: {  	_ =	shalt  }
.Lfunc_end0:
.L_simem_size_0:
called_computation_lowered:
.L_overlay_start_0:
0x88: {  	s2 =	sld [smem:$0x3FD9]  }
0x89: {  	s3 =	sld [smem:$0x3FFE];
	_ =	sdelay $0x1  }
0x8a: {  	s1 =	srdreg.scid  }
0x8b: {  	s0 =	sand.u32 $0x1, s1  }
0x8c: {  	s16 =	sshll.u32 s0, $0xA;
	s2 =	sadd.s32 s3, s2  }
0x8d: {  	s2 =	sadd.s32 s2, s16  }
0x8e: {  	[smem:$0x3FC0] =	sst s2  }
0x8f: {  	_ = 	snop  }
0x90: {  	(tm) =	ssettm $0x1  }
0x91: {  	s17 =	sld [smem:$0x3FFB];
	_ =	sdelay $0x3  }
0x92: {  	_ =	strace s17  }
0x93: {  	s2 =	sld [smem:$0x3FFC];
	_ =	sdelay $0x3  }
0x94: {  	_ =	strace s2  }
0x95: {  	s2 =	sld [smem:$0x3FFD];
	_ =	sdelay $0x3  }
0x96: {  	_ =	strace s2  }
0x97: {  	_ =	strace $0x8FFFFFFF  }
0x98: {  	s18 =	sld [smem:$0x3FDB];
	_ =	sdelay $0x1  }
0x99: {  	s19 =	simm.s32 $_scs_section_size  }
0x9a: {  	s4 =	simm.s32 $_size__tile_overlayer_lowered;
	s5 =	simm.s32 $_tile_overlayer_lowered  }
0x9b: {  	s22 =	simm.s32 $0x1BFF;
	s21 =	sshll.u32 s5, $0x1;
	s2 =	sadd.s32 s19, s18  }
0x9c: {  	s6 =	simm.s32 $0x0;
	s20 =	sshll.u32 s4, $0x1;
	s4 =	sadd.s32 s21, s2  }
0x9d: {  	[timem:s6], [sflag:s22] =	dma.local [hbm:s4], s20  }
0x9e: {  	_ =	swait.ge [sflag:s22], s20  }
0x9f: {  	s3 =	ssub.s32 $0x0, s20;
	[sflag:s22] =	ssyncset.done $0x0  }
0xa0: {  	[sflag:s22] =	ssyncadd.s32 s3;
	_ =	sdelay $0x1  }
0xa1: {  	s23 =	simm.s32 $0x1B8B  }
0xa2: {  	_ =	swait.ge [sflag:s23], $0x1  }
0xa3: {  	[sflag:s23] =	ssyncset.done $0x0  }
0xa4: {  	s25 =	simm.s32 $0x1B8E;
	s24 =	sld [smem:$0x3FFE];
	[sflag:s23] =	ssyncadd.s32 $0xFFFFFFFF  }
0xa5: {  	s26 =	simm.s32 $execute0_lowered;
	[smem:$0x3FD2] =	sst s25  }
0xa6: {  	s4 =	sshll.u32 s26, $0x1;
	_ =	strace $0x80000046;
	[dreg:$0x1] =	wrdreg $0xFFFFFFFF  }
0xa7: {  	s28 =	simm.s32 $_size_execute0_lowered;
	s2 =	sadd.s32 s2, s4;
	[dreg:$0x0] =	wrdreg $0x0  }
0xa8: {  	s4 =	sshll.u32 s28, $0x1;
	[dreg:$0x2] =	wrdreg s2  }
0xa9: {  	[dreg:$0x3] =	wrdreg s4  }
0xaa: {  	[dreg:$0x4] =	wrdreg $0xC0  }
0xab: {  	_ =	task [dreg:s6], $0x5FFFF  }
0xac: {  	[dreg:$0x1] =	wrdreg $0xFFFFFFFF  }
0xad: {  	[dreg:$0x0] =	wrdreg $0x60  }
0xae: {  	[dreg:$0x2] =	wrdreg s24  }
0xaf: {  	[dreg:$0x3] =	wrdreg $0x40800  }
0xb0: {  	[dreg:$0x4] =	wrdreg $0x9  }
0xb1: {  	_ =	task.clear_ibuf [dreg:s6], $0x5FFFF;
	_ =	strace $0x90000046  }
0xb2: {  	s29 =	simm.s32 $0x9;
	_ =	strace $0x80000048  }
0xb3: {  	_ =	swait.ge [sflag:s29], $0x1  }
0xb4: {  	[sflag:s29] =	ssyncadd.s32 $0xFFFFFFFF  }
0xb5: {  	_ =	strace $0x90000048  }
0xb6: {  	_ =	sfence  }
0xb7: {  	s30 =	sld [smem:$0x0];
	_ =	sdelay $0x2  }
0xb8: {  	s31 =	sshll.u32 s1, $0xD;
	s1 =	sshrl.u32 s1, $0x2  }
0xb9: {  	s3 =	sand.u32 $0x4000, s31;
	s1 =	sadd.s32 s1, s30  }
0xba: {  	s0 =	sor.u32 s3, s0;
	s1 =	sshll.u32 s1, $0x11  }
0xbb: {  	s0 =	sor.u32 s1, s0  }
0xbc: {  	s0 =	sadd.s32 $0x8F2B, s0  }
0xbd: {  	[sflag:s0] =	ssyncadd.remote.s32 $0x1  }
0xbe: {  	_ =	sfence.sel $0xFFFF  }
0xbf: {  	[dreg:$0x0] =	wrdreg $0xFFFFFFFF;
	(pc) =	sbr.abs _section_cstart, $3  }
0xc0: {  	[dreg:$0x1] =	wrdreg $0xFFFFFFFF  }
0xc1: {  	_ =	task.clear_ibuf [dreg:s6], $0x2FFFF;
	_ =	strace $0x9FFFFFFF  }
0xc2: {  	(tm) =	ssettm $0x7FFFFFFF  }
0xc3: {  	_ =	shalt  }
tec
execute0_lowered:
.L_overlay_start_1:
0x0: {  	(tag) =	ssettag $0x1  }
0x1: {  	s4 =	rddreg [dreg:$0x0]  }
0x2: {  	s2 =	rddreg [dreg:$0x1]  }
0x3: {  	s0 =	srdreg.scid;
	s1 =	rddreg [dreg:$0x2]  }
0x4: {  	s3 =	simm.s32 $0x0;
	s13 =	simm.s32 $0x1;
	s5 =	sand.u32 $0x1, s0  }
0x5: {  	s14 =	simm.s32 $0x4000;
	s0 =	stileid.u32;
	s6 =	smul.u32 $0x4E0, s5  }
0x6: {  	s15 =	simm.s32 $0x80;
	s18 =	simm.s32 $0x0;
	s8 =	smul.u32 $0x4E, s0  }
0x7: {  	[smem:$0x7FF] =	sst s3;
	s7 =	sshll.u32 s5, $0x4;
	s9 =	smul.u32 $0x13C000, s5  }
0x8: {  	s26 =	smul.u32 $0x13C00, s0;
	_ =	strace $0x80000047;
	s5 =	ssub.s32 $0x2, s5  }
0x9: {  	s28 =	smul.u32 $0x4F000, s0;
	s16 =	sshll.u32 s0, $0x6;
	s7 =	sor.u32 s0, s7  }
0xa: {  	s30 =	sshrl.u32 s5, $0x1;
	s16 =	sor.u32 $0x1C01, s16;
	s6 =	sadd.s32 s8, s6  }
0xb: {  	s25 =	smin.u32 s7, $0x4;
	s8 =	sadd.s32 s26, s9;
	s11 =	ssub.s32 s5, s30  }
0xc: {  	s31 =	sshrl.u32 s28, $0x2;
	p0 =	slt.u32 s7, $0x4;
	s6 =	sadd.s32 s25, s6  }
0xd: {  	s29 =	sshrl.u32 s8, $0x3;
	s5 =	sadd.s32 s31, s2;
	s11 =	smax.u32 s11, $0x1  }
0xe: {  	s6 =	sshll.u32 s6, $0x4;
	s10 =	sadd.s32 s29, s4;
	s7 =	sadd.s32 $0x8000, s5  }
0xf: {  	s8 =	sadd.s32 $0xC000, s5;
	s9 =	sadd.s32 $0x10000, s5;
	s17 =	sshrl.u32 s5, $0x3  }
0x10: {  	s12 =	sadd.s32 s6, s4;
	s4 =	simm.s32 $0x4F;
	s6 =	sadd.s32 $0x4000, s5  }
0x11: {  	v0 =	vimm.f32 $0.0e+00;
	v1 =	vimm.f32 $1.000000000e+00;
	s10 =	sadd.s32 $0xC000, s10;
	s4 =	simm.s32 @!p0 $0x4E;
	s12 =	sadd.s32 $0x2200, s12  }
.LBB2_1:
0x12: {  	s19 =	simm.s32 $0x200;
	s20 =	simm.s32 $0x0  }
.LBB2_2:
0x13: {  	p0 =	sne.s32 s19, $0xFE00;
	[tilespmem:s20+$0x0] =	vst v0;
	s20 =	smov.u32 s19;
	s19 =	sadd.s32 $0x200, s19  }
.Ltmp0:
0x14: {  	(pc) =	sbr.rel @p0 .LBB2_2-.Ltmp0, $2  }
0x15: {  	_ =	sdelay $0x2  }
0x16: {  	s20 =	sshra.s32 s20, $0x2  }
0x17: {  	[tilespmem:s20+$0x0] =	vst v0;
	s19 =	simm.s32 $0x0  }
0x18: {  	[spmem:s5] =	stream.linear.scatter [tilespmem:s19], [sflag:$0x1], $0x4000, $0x38;
	[tilespmem:$0x6800] =	vst v63  }
0x19: {  	_ =	swait.ge [sflag:s13], $0x4000  }
0x1a: {  	[sflag:s13] =	ssyncset.done $0x0  }
0x1b: {  	[sflag:s13] =	ssyncadd.s32 $0xFFFFC000  }
0x1c: {  	[spmem:s6] =	stream.linear.scatter [tilespmem:s19], [sflag:$0x1], $0x4000, $0x38;
	[tilespmem:$0x6800] =	vst v63  }
0x1d: {  	_ =	swait.ge [sflag:s13], $0x4000  }
0x1e: {  	[sflag:s13] =	ssyncset.done $0x0  }
0x1f: {  	[sflag:s13] =	ssyncadd.s32 $0xFFFFC000  }
0x20: {  	[spmem:s7] =	stream.linear.scatter [tilespmem:s19], [sflag:$0x1], $0x4000, $0x38;
	[tilespmem:$0x6800] =	vst v63  }
0x21: {  	_ =	swait.ge [sflag:s13], $0x4000  }
0x22: {  	[sflag:s13] =	ssyncset.done $0x0  }
0x23: {  	[sflag:s13] =	ssyncadd.s32 $0xFFFFC000  }
0x24: {  	[spmem:s8] =	stream.linear.scatter [tilespmem:s19], [sflag:$0x1], $0x4000, $0x38;
	[tilespmem:$0x6800] =	vst v63  }
0x25: {  	_ =	swait.ge [sflag:s13], $0x4000  }
0x26: {  	[sflag:s13] =	ssyncset.done $0x0  }
0x27: {  	[sflag:s13] =	ssyncadd.s32 $0xFFFFC000  }
0x28: {  	[spmem:s9] =	stream.linear.scatter [tilespmem:s19], [sflag:$0x1], $0x3C00, $0x38;
	[tilespmem:$0x6800] =	vst v63  }
0x29: {  	_ =	swait.ge [sflag:s13], $0x3C00  }
0x2a: {  	[sflag:s13] =	ssyncset.done $0x0  }
0x2b: {  	[sflag:s13] =	ssyncadd.s32 $0xFFFFC400  }
0x2c: {  	s20 =	simm.s32 $0x0;
	s19 =	simm.s32 $0x200;
	[bflag:$0x0] =	sbarrier.arrive $0xFFFF  }
.LBB2_4:
0x2d: {  	p0 =	sne.s32 s19, $0xFE00;
	[tilespmem:s20+$0x0] =	vst v1;
	s20 =	smov.u32 s19;
	s19 =	sadd.s32 $0x200, s19  }
.Ltmp1:
0x2e: {  	(pc) =	sbr.rel @p0 .LBB2_4-.Ltmp1, $2  }
0x2f: {  	_ =	sdelay $0x2  }
0x30: {  	s20 =	sshra.s32 s20, $0x2  }
0x31: {  	[tilespmem:s20+$0x0] =	vst v1  }
0x32: {  	[tilespmem:s14], [sflag:$0x1] =	stream.linear.gather [hbm4b:s12+s3], $0x80, $0x38;
	[tilespmem:$0x6800] =	vst v63  }
0x33: {  	p0 =	sne.s32 s4, $0x1;
	_ =	swait.ge [sflag:s13], $0x80  }
.Ltmp2:
0x34: {  	[sflag:s13] =	ssyncset.done $0x0;
	(pc) =	sbr.rel @!p0 .LBB2_7-.Ltmp2, $4  }
0x35: {  	[sflag:s13] =	ssyncadd.s32 $0xFFFFFF80  }
0x36: {  	[spmem:s2] =	stream.indirect.scatter.add.f32 [tilespmem:s3], [sflag:$0x1], $0x10, s14, s15, $0xb8;
	[tilespmem:$0x6800] =	vst v63  }
0x37: {  	_ =	swait.ge [sflag:s13], $0x800  }
0x38: {  	s19 =	sadd.s32 $0xFFFFFFFF, s4;
	s20 =	smov.u32 s12;
	[sflag:s13] =	ssyncset.done $0x0  }
.LBB2_6:
0x39: {  	p0 =	sne.s32 s19, $0x1;
	[sflag:s13] =	ssyncadd.s32 $0xFFFFF800;
	s20 =	sadd.s32 $0x10, s20  }
0x3a: {  	[tilespmem:s14], [sflag:$0x1] =	stream.linear.gather [hbm4b:s20+s3], $0x80, $0x38;
	[tilespmem:$0x6800] =	vst v63  }
0x3b: {  	s19 =	sadd.s32 $0xFFFFFFFF, s19;
	_ =	swait.ge [sflag:s13], $0x80  }
.Ltmp3:
0x3c: {  	[sflag:s13] =	ssyncset.done $0x0;
	(pc) =	sbr.rel @p0 .LBB2_6-.Ltmp3, $4  }
0x3d: {  	[sflag:s13] =	ssyncadd.s32 $0xFFFFFF80  }
0x3e: {  	[spmem:s2] =	stream.indirect.scatter.add.f32 [tilespmem:s3], [sflag:$0x1], $0x10, s14, s15, $0xb8;
	[tilespmem:$0x6800] =	vst v63  }
0x3f: {  	_ =	swait.ge [sflag:s13], $0x800  }
0x40: {  	[sflag:s13] =	ssyncset.done $0x0  }
.LBB2_7:
0x41: {  	s18 =	sadd.s32 $0x1, s18  }
0x42: {  	[sflag:s13] =	ssyncadd.s32 $0xFFFFF800;
	p0 =	sne.s32 s18, s11  }
.Ltmp4:
0x43: {  	[bflag:$0x0] =	sbarrier.arrive $0xFFFF;
	(pc) =	sbr.rel @p0 .LBB2_1-.Ltmp4, $4  }
0x44: {  	[hbm:s10], [sflag:s16] =	dma.local [spmem:s17], $0x2780  }
0x45: {  	_ =	swait.ge [sflag:s13], $0x2780  }
0x46: {  	[sflag:s13] =	ssyncset.done $0x0  }
0x47: {  	[sflag:s13] =	ssyncadd.s32 $0xFFFFD880  }
0x48: {  	_ =	sfence.sel $0x180000  }
0x49: {  	[bflag:$0x0] =	sbarrier.arrive $0xFFFF  }
0x4a: {  	p0 =	sne.s32 s0, $0x0;
	_ =	strace $0x90000047  }
0x4b: {  	s0 =	sadd.s32 @!p0 $0x100000, s1;
	[bflag:$0x2] =	sbarrier.arrive $0xFFFF  }
0x4c: {  	[sflag:s0] =	ssyncadd.tile.s32 @!p0 $0x1;
	_ =	shalt  }
.Lfunc_end2:
_tile_overlayer_lowered:
.L_overlay_start_2:
0x4d: {  	(tag) =	ssettag $0x2  }
0x4e: {  	s0 =	rddreg [dreg:$0x0];
	s2 =	stileid.u32  }
0x4f: {  	s1 =	rddreg [dreg:$0x1];
	p0 =	sne.s32 s2, $0x0  }
0x50: {  	s3 =	rddreg [dreg:$0x2];
	[bflag:$0x3] =	sbarrier.arrive $0xFFFF;
	s2 =	simm.s32 @!p0 $0x1C01  }
0x51: {  	[timem:s3], [sflag:s2] =	dma.local @!p0 [hbm:s0], s1  }
0x52: {  	s0 =	simm.s32 @!p0 $0x1  }
0x53: {  	_ =	swait.ge @!p0 [sflag:s0], s1  }
0x54: {  	s1 =	ssub.s32 @!p0 $0x0, s1;
	[sflag:s0] =	ssyncset.done @!p0 $0x0  }
0x55: {  	[sflag:s0] =	ssyncadd.s32 @!p0 s1  }
0x56: {  	[bflag:$0x3] =	sbarrier.arrive $0xFFFF  }
0x57: {  	_ =	shalt  }

</sc_bundles>
